<compile_context>
chip_gen: v7x
topology: tpu7x:2x2x1
jax: 0.10.2.dev20260603
libtpu: 0.0.44.dev20260713+nightly
codegen_flags: <defaults>
</compile_context>

<pallas_src>
import jax
import jax.numpy as jnp
from jax import lax
from jax.experimental import pallas as pl
from jax.experimental.pallas import tpu as pltpu

_SCALE = 0.102
_P = 1024
_CHUNK = 256
_KTOP = 778
_LOWK = 512
_SMALL = 8


def _key_of(v):
    k = lax.bitcast_convert_type(v, jnp.int32)
    s = lax.shift_right_arithmetic(k, 31)
    return k ^ (s & jnp.int32(0x7FFFFFFF))


def _val_of(k):
    s = lax.shift_right_arithmetic(k, 31)
    return lax.bitcast_convert_type(k ^ (s & jnp.int32(0x7FFFFFFF)), jnp.float32)


def _xor_shuffle(x, d):
    P, N = x.shape
    xg = x.reshape(P // 8, 8, N)
    if d == 4:
        return jnp.roll(xg, 4, axis=1).reshape(P, N)
    lo = jnp.roll(xg, -d, axis=1).reshape(P, N)
    hi = jnp.roll(xg, d, axis=1).reshape(P, N)
    p = lax.broadcasted_iota(jnp.int32, (P, 1), 0)
    return jnp.where((p & d) == 0, lo, hi)


def _bitonic_desc(K, I):
    P, N = K.shape
    k = 2
    while k <= P:
        d = k // 2
        while d >= 1:
            if d >= _SMALL:
                m = P // (2 * d)
                x = K.reshape(m, 2, d, N)
                y = I.reshape(m, 2, d, N)
                a, b = x[:, 0], x[:, 1]
                ia, ib = y[:, 0], y[:, 1]
                a_wins = a > b
                q = k // (2 * d)
                mi = lax.broadcasted_iota(jnp.int32, (m, 1, 1), 0)
                desc = (mi & q) == 0
                swap = jnp.logical_xor(a_wins, desc)
                na = jnp.where(swap, b, a)
                nb = jnp.where(swap, a, b)
                nia = jnp.where(swap, ib, ia)
                nib = jnp.where(swap, ia, ib)
                K = jnp.concatenate([na[:, None], nb[:, None]], axis=1)
                K = K.reshape(P, N)
                I = jnp.concatenate([nia[:, None], nib[:, None]], axis=1)
                I = I.reshape(P, N)
            else:
                pK = _xor_shuffle(K, d)
                pI = _xor_shuffle(I, d)
                w = K > pK
                p = lax.broadcasted_iota(jnp.int32, (P, 1), 0)
                hw = ((p & d) == 0) == ((p & k) == 0)
                keep = w == hw
                K = jnp.where(keep, K, pK)
                I = jnp.where(keep, I, pI)
            d //= 2
        k *= 2
    return K, I


def _body(k_ref, q_ref, rw_ref, ti_ref, rw1_ref, ti1_ref, vs_ref):
    c = pl.program_id(1)
    n_chunks = pl.num_programs(1)

    kx = k_ref[0]
    qx = q_ref[0] * _SCALE
    S = lax.dot_general(kx, qx, (((1,), (1,)), ((), ())),
                        preferred_element_type=jnp.float32)
    I = lax.broadcasted_iota(jnp.int32, (_P, _CHUNK), 0)

    K, I = _bitonic_desc(_key_of(S), I)
    V = _val_of(K)

    vs_ref[:, pl.ds(c * _CHUNK, _CHUNK)] = V

    top = V[0:1, :]
    E = jnp.exp(V - top)
    r = lax.broadcasted_iota(jnp.int32, (_P, 1), 0)
    denom = jnp.sum(jnp.where(r < _KTOP, E, 0.0), axis=0, keepdims=True)
    W = E * (1.0 / denom)

    WT = W.T
    IT = I.T
    rw_ref[0] = WT[:, 0:_KTOP]
    ti_ref[0] = IT[:, 0:_KTOP]
    ti1_ref[0] = IT[:, _LOWK:(_P - 1)]

    @pl.when(c == n_chunks - 1)
    def _():
        Vs = vs_ref[...]
        m1 = jnp.max(Vs, axis=1, keepdims=True)
        E1 = jnp.exp(Vs - m1)
        d1 = jnp.sum(E1, axis=1, keepdims=True)
        W1 = E1 * (1.0 / d1)
        rw1_ref[0] = W1.T


def kernel(query, key):
    B, H, P, C = query.shape
    assert P == _P and C == 128
    BH = B * H
    n_chunks = P // _CHUNK
    q3 = query.reshape(BH, P, C)
    k3 = key.reshape(BH, P, C)

    grid = (BH, n_chunks)
    out_shapes = (
        jax.ShapeDtypeStruct((BH, P, _KTOP), jnp.float32),
        jax.ShapeDtypeStruct((BH, P, _KTOP), jnp.int32),
        jax.ShapeDtypeStruct((BH, P, P), jnp.float32),
        jax.ShapeDtypeStruct((BH, P, _P - 1 - _LOWK), jnp.int32),
    )
    rw, ti, rw1, ti1 = pl.pallas_call(
        _body,
        grid=grid,
        in_specs=[
            pl.BlockSpec((1, P, C), lambda s, c: (s, 0, 0)),
            pl.BlockSpec((1, _CHUNK, C), lambda s, c: (s, c, 0)),
        ],
        out_specs=[
            pl.BlockSpec((1, _CHUNK, _KTOP), lambda s, c: (s, c, 0)),
            pl.BlockSpec((1, _CHUNK, _KTOP), lambda s, c: (s, c, 0)),
            pl.BlockSpec((1, P, P), lambda s, c: (s, 0, 0)),
            pl.BlockSpec((1, _CHUNK, _P - 1 - _LOWK), lambda s, c: (s, c, 0)),
        ],
        out_shape=out_shapes,
        scratch_shapes=[pltpu.VMEM((P, P), jnp.float32)],
        compiler_params=pltpu.CompilerParams(
            dimension_semantics=("arbitrary", "arbitrary"),
        ),
    )(k3, q3)

    return (
        rw.reshape(B, H, P, _KTOP),
        ti.reshape(B, H, P, _KTOP),
        rw1.reshape(B, H, P, P),
        ti1.reshape(B, H, P, _P - 1 - _LOWK),
    )

# --- scband reference (transcript-rebuilt; emitter-appended) ---
"""Pipeline reference for scband-topk-routing-6073083757124 (READ-ONLY COPY).

The authoritative reference and input builder live on the scoring server;
editing this copy changes nothing except your own understanding.
"""

import jax, jax.numpy as jnp
import numpy as np

B, H, P, C = 4, 8, 1024, 128

def setup_inputs(seed: int = 0) -> dict:
    key = jax.random.key(seed)
    k1, k2 = jax.random.split(key)
    query = jax.random.normal(k1, (B, H, P, C), dtype=jnp.float32)
    key_t = jax.random.normal(k2, (B, H, P, C), dtype=jnp.float32)
    return {"query": query, "key": key_t}

def reference(query, key):
    scale = 0.102
    # diff_routing=False -> detach both inputs
    q = jax.lax.stop_gradient(query)
    k = jax.lax.stop_gradient(key)
    # emb is Identity
    attn_logit = (q * scale) @ jnp.swapaxes(k, -2, -1)  # (B,H,P,P)
    p = k.shape[2]
    k_top = int(p * 0.76)
    topk_attn_logit, topk_index = jax.lax.top_k(attn_logit, k_top)
    r_weight = jax.nn.softmax(topk_attn_logit, axis=-1)
    k_full = int(p * 1)
    low_k = int(p * 0.5)
    topk_attn_logit_1, topk_index_1 = jax.lax.top_k(attn_logit, k_full)
    topk_index_1 = topk_index_1[:, :, :, low_k:-1]
    r_weight_1 = jax.nn.softmax(topk_attn_logit_1, axis=-2)
    return (r_weight, topk_index, r_weight_1, topk_index_1)

if __name__ == "__main__":
    import jax
    _d = setup_inputs()
    print(jax.jit(kernel)(*tuple(_d.values())))

</pallas_src>

<mosaic_0001>
module attributes {stable_mosaic.version = 14 : i64} {
  func.func @_body(%arg0: i32, %arg1: i32, %arg2: memref<1x1024x128xf32, #tpu.memory_space<vmem>>, %arg3: memref<1x256x128xf32, #tpu.memory_space<vmem>>, %arg4: memref<1x256x778xf32, #tpu.memory_space<vmem>>, %arg5: memref<1x256x778xi32, #tpu.memory_space<vmem>>, %arg6: memref<1x1024x1024xf32, #tpu.memory_space<vmem>>, %arg7: memref<1x256x511xi32, #tpu.memory_space<vmem>>, %arg8: memref<1024x1024xf32, #tpu.memory_space<vmem>>) attributes {dimension_semantics = [#tpu.dimension_semantics<arbitrary>, #tpu.dimension_semantics<arbitrary>], iteration_bounds = array<i64: 32, 4>, scalar_prefetch = 0 : i64, scratch_operands = 1 : i64, tpu.core_type = #tpu.core_type<tc>, window_params = [{transform_indices = @transform_0, window_bounds = array<i64: 1, 1024, 128>}, {transform_indices = @transform_1, window_bounds = array<i64: 1, 256, 128>}, {transform_indices = @transform_2, window_bounds = array<i64: 1, 256, 778>}, {transform_indices = @transform_3, window_bounds = array<i64: 1, 256, 778>}, {transform_indices = @transform_4, window_bounds = array<i64: 1, 1024, 1024>}, {transform_indices = @transform_5, window_bounds = array<i64: 1, 256, 511>}]} {
    %get3A = arith.constant 0 : index
    %get3A_0 = arith.constant 0 : index
    %get3A_1 = arith.constant 0 : index
    %get3A_2 = vector.load %arg2[%get3A, %get3A_0, %get3A_1] : memref<1x1024x128xf32, #tpu.memory_space<vmem>>, vector<1x1024x128xf32>
    %get3A_3 = vector.shape_cast %get3A_2 : vector<1x1024x128xf32> to vector<1024x128xf32>
    %get3A_4 = arith.constant 0 : index
    %get3A_5 = arith.constant 0 : index
    %get3A_6 = arith.constant 0 : index
    %get3A_7 = vector.load %arg3[%get3A_4, %get3A_5, %get3A_6] : memref<1x256x128xf32, #tpu.memory_space<vmem>>, vector<1x256x128xf32>
    %get3A_8 = vector.shape_cast %get3A_7 : vector<1x256x128xf32> to vector<256x128xf32>
    %mul3A = arith.constant 1.020000e-01 : f32
    %mul3A_9 = vector.broadcast %mul3A : f32 to vector<256x128xf32>
    %mul3A_10 = arith.mulf %get3A_8, %mul3A_9 : vector<256x128xf32>
    %dot_general3A = arith.constant dense<0.000000e+00> : vector<1024x256xf32>
    %dot_general3A_11 = tpu.matmul %get3A_3, %mul3A_10, %dot_general3A {dimension_numbers = #tpu.dot_dimension_numbers<[1], [1], [0], [0], [0, 0, 1, 0], [], []>, transpose_lhs_hint = false} : vector<1024x128xf32>, vector<256x128xf32>, vector<1024x256xf32> -> vector<1024x256xf32>
    %iota3A = tpu.iota {dimensions = array<i32: 0>} : vector<1024x256xi32>
    %bitcast_convert_type3A = tpu.bitcast %dot_general3A_11 : vector<1024x256xf32> -> vector<1024x256xi32>
    %shift_right_arithmetic3A = arith.constant 31 : i32
    %shift_right_arithmetic3A_12 = vector.broadcast %shift_right_arithmetic3A : i32 to vector<1024x256xi32>
    %shift_right_arithmetic3A_13 = arith.shrsi %bitcast_convert_type3A, %shift_right_arithmetic3A_12 : vector<1024x256xi32>
    %and3A = arith.constant 2147483647 : i32
    %and3A_14 = vector.broadcast %and3A : i32 to vector<1024x256xi32>
    %and3A_15 = arith.andi %shift_right_arithmetic3A_13, %and3A_14 : vector<1024x256xi32>
    %xor3A = arith.xori %bitcast_convert_type3A, %and3A_15 : vector<1024x256xi32>
    %reshape3A = vector.shape_cast %xor3A : vector<1024x256xi32> to vector<128x8x256xi32>
    %slice3A = vector.extract_strided_slice %reshape3A {offsets = [0, 1, 0], sizes = [128, 7, 256], strides = [1, 1, 1]} : vector<128x8x256xi32> to vector<128x7x256xi32>
    %slice3A_16 = vector.extract_strided_slice %reshape3A {offsets = [0, 0, 0], sizes = [128, 1, 256], strides = [1, 1, 1]} : vector<128x8x256xi32> to vector<128x1x256xi32>
    %concatenate3A = tpu.concatenate %slice3A, %slice3A_16 in 1 : vector<128x7x256xi32>, vector<128x1x256xi32> -> vector<128x8x256xi32>
    %reshape3A_17 = vector.shape_cast %concatenate3A : vector<128x8x256xi32> to vector<1024x256xi32>
    %slice3A_18 = vector.extract_strided_slice %reshape3A {offsets = [0, 7, 0], sizes = [128, 1, 256], strides = [1, 1, 1]} : vector<128x8x256xi32> to vector<128x1x256xi32>
    %slice3A_19 = vector.extract_strided_slice %reshape3A {offsets = [0, 0, 0], sizes = [128, 7, 256], strides = [1, 1, 1]} : vector<128x8x256xi32> to vector<128x7x256xi32>
    %concatenate3A_20 = tpu.concatenate %slice3A_18, %slice3A_19 in 1 : vector<128x1x256xi32>, vector<128x7x256xi32> -> vector<128x8x256xi32>
    %reshape3A_21 = vector.shape_cast %concatenate3A_20 : vector<128x8x256xi32> to vector<1024x256xi32>
    %iota3A_22 = tpu.iota {dimensions = array<i32: 0>} : vector<1024x1xi32>
    %and3A_23 = arith.constant 1 : i32
    %and3A_24 = vector.broadcast %and3A_23 : i32 to vector<1024x1xi32>
    %and3A_25 = arith.andi %iota3A_22, %and3A_24 : vector<1024x1xi32>
    %eq3A = arith.constant 0 : i32
    %eq3A_26 = vector.broadcast %eq3A : i32 to vector<1024x1xi32>
    %eq3A_27 = arith.cmpi eq, %and3A_25, %eq3A_26 : vector<1024x1xi32>
    %broadcast_in_dim3A = vector.shape_cast %eq3A_27 : vector<1024x1xi1> to vector<1024x1xi1>
    %broadcast_in_dim3A_28 = vector.broadcast %broadcast_in_dim3A : vector<1024x1xi1> to vector<1024x256xi1>
    %select_n3A = arith.select %broadcast_in_dim3A_28, %reshape3A_17, %reshape3A_21 : vector<1024x256xi1>, vector<1024x256xi32>
    %reshape3A_29 = vector.shape_cast %iota3A : vector<1024x256xi32> to vector<128x8x256xi32>
    %slice3A_30 = vector.extract_strided_slice %reshape3A_29 {offsets = [0, 1, 0], sizes = [128, 7, 256], strides = [1, 1, 1]} : vector<128x8x256xi32> to vector<128x7x256xi32>
    %slice3A_31 = vector.extract_strided_slice %reshape3A_29 {offsets = [0, 0, 0], sizes = [128, 1, 256], strides = [1, 1, 1]} : vector<128x8x256xi32> to vector<128x1x256xi32>
    %concatenate3A_32 = tpu.concatenate %slice3A_30, %slice3A_31 in 1 : vector<128x7x256xi32>, vector<128x1x256xi32> -> vector<128x8x256xi32>
    %reshape3A_33 = vector.shape_cast %concatenate3A_32 : vector<128x8x256xi32> to vector<1024x256xi32>
    %slice3A_34 = vector.extract_strided_slice %reshape3A_29 {offsets = [0, 7, 0], sizes = [128, 1, 256], strides = [1, 1, 1]} : vector<128x8x256xi32> to vector<128x1x256xi32>
    %slice3A_35 = vector.extract_strided_slice %reshape3A_29 {offsets = [0, 0, 0], sizes = [128, 7, 256], strides = [1, 1, 1]} : vector<128x8x256xi32> to vector<128x7x256xi32>
    %concatenate3A_36 = tpu.concatenate %slice3A_34, %slice3A_35 in 1 : vector<128x1x256xi32>, vector<128x7x256xi32> -> vector<128x8x256xi32>
    %reshape3A_37 = vector.shape_cast %concatenate3A_36 : vector<128x8x256xi32> to vector<1024x256xi32>
    %iota3A_38 = tpu.iota {dimensions = array<i32: 0>} : vector<1024x1xi32>
    %and3A_39 = arith.constant 1 : i32
    %and3A_40 = vector.broadcast %and3A_39 : i32 to vector<1024x1xi32>
    %and3A_41 = arith.andi %iota3A_38, %and3A_40 : vector<1024x1xi32>
    %eq3A_42 = arith.constant 0 : i32
    %eq3A_43 = vector.broadcast %eq3A_42 : i32 to vector<1024x1xi32>
    %eq3A_44 = arith.cmpi eq, %and3A_41, %eq3A_43 : vector<1024x1xi32>
    %broadcast_in_dim3A_45 = vector.shape_cast %eq3A_44 : vector<1024x1xi1> to vector<1024x1xi1>
    %broadcast_in_dim3A_46 = vector.broadcast %broadcast_in_dim3A_45 : vector<1024x1xi1> to vector<1024x256xi1>
    %select_n3A_47 = arith.select %broadcast_in_dim3A_46, %reshape3A_33, %reshape3A_37 : vector<1024x256xi1>, vector<1024x256xi32>
    %gt3A = arith.cmpi sgt, %xor3A, %select_n3A : vector<1024x256xi32>
    %iota3A_48 = tpu.iota {dimensions = array<i32: 0>} : vector<1024x1xi32>
    %and3A_49 = arith.constant 1 : i32
    %and3A_50 = vector.broadcast %and3A_49 : i32 to vector<1024x1xi32>
    %and3A_51 = arith.andi %iota3A_48, %and3A_50 : vector<1024x1xi32>
    %eq3A_52 = arith.constant 0 : i32
    %eq3A_53 = vector.broadcast %eq3A_52 : i32 to vector<1024x1xi32>
    %eq3A_54 = arith.cmpi eq, %and3A_51, %eq3A_53 : vector<1024x1xi32>
    %and3A_55 = arith.constant 2 : i32
    %and3A_56 = vector.broadcast %and3A_55 : i32 to vector<1024x1xi32>
    %and3A_57 = arith.andi %iota3A_48, %and3A_56 : vector<1024x1xi32>
    %eq3A_58 = arith.constant 0 : i32
    %eq3A_59 = vector.broadcast %eq3A_58 : i32 to vector<1024x1xi32>
    %eq3A_60 = arith.cmpi eq, %and3A_57, %eq3A_59 : vector<1024x1xi32>
    %eq3A_61 = arith.xori %eq3A_54, %eq3A_60 : vector<1024x1xi1>
    %eq3A_62 = arith.constant dense<true> : vector<1024x1xi1>
    %eq3A_63 = arith.xori %eq3A_61, %eq3A_62 : vector<1024x1xi1>
    %eq3A_64 = vector.broadcast %eq3A_63 : vector<1024x1xi1> to vector<1024x256xi1>
    %eq3A_65 = vector.broadcast %eq3A_64 : vector<1024x256xi1> to vector<1024x256xi1>
    %eq3A_66 = arith.xori %gt3A, %eq3A_65 : vector<1024x256xi1>
    %eq3A_67 = arith.constant dense<true> : vector<1024x256xi1>
    %eq3A_68 = arith.xori %eq3A_66, %eq3A_67 : vector<1024x256xi1>
    %select_n3A_69 = arith.select %eq3A_68, %xor3A, %select_n3A : vector<1024x256xi1>, vector<1024x256xi32>
    %select_n3A_70 = arith.select %eq3A_68, %iota3A, %select_n3A_47 : vector<1024x256xi1>, vector<1024x256xi32>
    %reshape3A_71 = vector.shape_cast %select_n3A_69 : vector<1024x256xi32> to vector<128x8x256xi32>
    %slice3A_72 = vector.extract_strided_slice %reshape3A_71 {offsets = [0, 2, 0], sizes = [128, 6, 256], strides = [1, 1, 1]} : vector<128x8x256xi32> to vector<128x6x256xi32>
    %slice3A_73 = vector.extract_strided_slice %reshape3A_71 {offsets = [0, 0, 0], sizes = [128, 2, 256], strides = [1, 1, 1]} : vector<128x8x256xi32> to vector<128x2x256xi32>
    %concatenate3A_74 = tpu.concatenate %slice3A_72, %slice3A_73 in 1 : vector<128x6x256xi32>, vector<128x2x256xi32> -> vector<128x8x256xi32>
    %reshape3A_75 = vector.shape_cast %concatenate3A_74 : vector<128x8x256xi32> to vector<1024x256xi32>
    %slice3A_76 = vector.extract_strided_slice %reshape3A_71 {offsets = [0, 6, 0], sizes = [128, 2, 256], strides = [1, 1, 1]} : vector<128x8x256xi32> to vector<128x2x256xi32>
    %slice3A_77 = vector.extract_strided_slice %reshape3A_71 {offsets = [0, 0, 0], sizes = [128, 6, 256], strides = [1, 1, 1]} : vector<128x8x256xi32> to vector<128x6x256xi32>
    %concatenate3A_78 = tpu.concatenate %slice3A_76, %slice3A_77 in 1 : vector<128x2x256xi32>, vector<128x6x256xi32> -> vector<128x8x256xi32>
    %reshape3A_79 = vector.shape_cast %concatenate3A_78 : vector<128x8x256xi32> to vector<1024x256xi32>
    %iota3A_80 = tpu.iota {dimensions = array<i32: 0>} : vector<1024x1xi32>
    %and3A_81 = arith.constant 2 : i32
    %and3A_82 = vector.broadcast %and3A_81 : i32 to vector<1024x1xi32>
    %and3A_83 = arith.andi %iota3A_80, %and3A_82 : vector<1024x1xi32>
    %eq3A_84 = arith.constant 0 : i32
    %eq3A_85 = vector.broadcast %eq3A_84 : i32 to vector<1024x1xi32>
    %eq3A_86 = arith.cmpi eq, %and3A_83, %eq3A_85 : vector<1024x1xi32>
    %broadcast_in_dim3A_87 = vector.shape_cast %eq3A_86 : vector<1024x1xi1> to vector<1024x1xi1>
    %broadcast_in_dim3A_88 = vector.broadcast %broadcast_in_dim3A_87 : vector<1024x1xi1> to vector<1024x256xi1>
    %select_n3A_89 = arith.select %broadcast_in_dim3A_88, %reshape3A_75, %reshape3A_79 : vector<1024x256xi1>, vector<1024x256xi32>
    %reshape3A_90 = vector.shape_cast %select_n3A_70 : vector<1024x256xi32> to vector<128x8x256xi32>
    %slice3A_91 = vector.extract_strided_slice %reshape3A_90 {offsets = [0, 2, 0], sizes = [128, 6, 256], strides = [1, 1, 1]} : vector<128x8x256xi32> to vector<128x6x256xi32>
    %slice3A_92 = vector.extract_strided_slice %reshape3A_90 {offsets = [0, 0, 0], sizes = [128, 2, 256], strides = [1, 1, 1]} : vector<128x8x256xi32> to vector<128x2x256xi32>
    %concatenate3A_93 = tpu.concatenate %slice3A_91, %slice3A_92 in 1 : vector<128x6x256xi32>, vector<128x2x256xi32> -> vector<128x8x256xi32>
    %reshape3A_94 = vector.shape_cast %concatenate3A_93 : vector<128x8x256xi32> to vector<1024x256xi32>
    %slice3A_95 = vector.extract_strided_slice %reshape3A_90 {offsets = [0, 6, 0], sizes = [128, 2, 256], strides = [1, 1, 1]} : vector<128x8x256xi32> to vector<128x2x256xi32>
    %slice3A_96 = vector.extract_strided_slice %reshape3A_90 {offsets = [0, 0, 0], sizes = [128, 6, 256], strides = [1, 1, 1]} : vector<128x8x256xi32> to vector<128x6x256xi32>
    %concatenate3A_97 = tpu.concatenate %slice3A_95, %slice3A_96 in 1 : vector<128x2x256xi32>, vector<128x6x256xi32> -> vector<128x8x256xi32>
    %reshape3A_98 = vector.shape_cast %concatenate3A_97 : vector<128x8x256xi32> to vector<1024x256xi32>
    %iota3A_99 = tpu.iota {dimensions = array<i32: 0>} : vector<1024x1xi32>
    %and3A_100 = arith.constant 2 : i32
    %and3A_101 = vector.broadcast %and3A_100 : i32 to vector<1024x1xi32>
    %and3A_102 = arith.andi %iota3A_99, %and3A_101 : vector<1024x1xi32>
    %eq3A_103 = arith.constant 0 : i32
    %eq3A_104 = vector.broadcast %eq3A_103 : i32 to vector<1024x1xi32>
    %eq3A_105 = arith.cmpi eq, %and3A_102, %eq3A_104 : vector<1024x1xi32>
    %broadcast_in_dim3A_106 = vector.shape_cast %eq3A_105 : vector<1024x1xi1> to vector<1024x1xi1>
    %broadcast_in_dim3A_107 = vector.broadcast %broadcast_in_dim3A_106 : vector<1024x1xi1> to vector<1024x256xi1>
    %select_n3A_108 = arith.select %broadcast_in_dim3A_107, %reshape3A_94, %reshape3A_98 : vector<1024x256xi1>, vector<1024x256xi32>
    %gt3A_109 = arith.cmpi sgt, %select_n3A_69, %select_n3A_89 : vector<1024x256xi32>
    %iota3A_110 = tpu.iota {dimensions = array<i32: 0>} : vector<1024x1xi32>
    %and3A_111 = arith.constant 2 : i32
    %and3A_112 = vector.broadcast %and3A_111 : i32 to vector<1024x1xi32>
    %and3A_113 = arith.andi %iota3A_110, %and3A_112 : vector<1024x1xi32>
    %eq3A_114 = arith.constant 0 : i32
    %eq3A_115 = vector.broadcast %eq3A_114 : i32 to vector<1024x1xi32>
    %eq3A_116 = arith.cmpi eq, %and3A_113, %eq3A_115 : vector<1024x1xi32>
    %and3A_117 = arith.constant 4 : i32
    %and3A_118 = vector.broadcast %and3A_117 : i32 to vector<1024x1xi32>
    %and3A_119 = arith.andi %iota3A_110, %and3A_118 : vector<1024x1xi32>
    %eq3A_120 = arith.constant 0 : i32
    %eq3A_121 = vector.broadcast %eq3A_120 : i32 to vector<1024x1xi32>
    %eq3A_122 = arith.cmpi eq, %and3A_119, %eq3A_121 : vector<1024x1xi32>
    %eq3A_123 = arith.xori %eq3A_116, %eq3A_122 : vector<1024x1xi1>
    %eq3A_124 = arith.constant dense<true> : vector<1024x1xi1>
    %eq3A_125 = arith.xori %eq3A_123, %eq3A_124 : vector<1024x1xi1>
    %eq3A_126 = vector.broadcast %eq3A_125 : vector<1024x1xi1> to vector<1024x256xi1>
    %eq3A_127 = vector.broadcast %eq3A_126 : vector<1024x256xi1> to vector<1024x256xi1>
    %eq3A_128 = arith.xori %gt3A_109, %eq3A_127 : vector<1024x256xi1>
    %eq3A_129 = arith.constant dense<true> : vector<1024x256xi1>
    %eq3A_130 = arith.xori %eq3A_128, %eq3A_129 : vector<1024x256xi1>
    %select_n3A_131 = arith.select %eq3A_130, %select_n3A_69, %select_n3A_89 : vector<1024x256xi1>, vector<1024x256xi32>
    %select_n3A_132 = arith.select %eq3A_130, %select_n3A_70, %select_n3A_108 : vector<1024x256xi1>, vector<1024x256xi32>
    %reshape3A_133 = vector.shape_cast %select_n3A_131 : vector<1024x256xi32> to vector<128x8x256xi32>
    %slice3A_134 = vector.extract_strided_slice %reshape3A_133 {offsets = [0, 1, 0], sizes = [128, 7, 256], strides = [1, 1, 1]} : vector<128x8x256xi32> to vector<128x7x256xi32>
    %slice3A_135 = vector.extract_strided_slice %reshape3A_133 {offsets = [0, 0, 0], sizes = [128, 1, 256], strides = [1, 1, 1]} : vector<128x8x256xi32> to vector<128x1x256xi32>
    %concatenate3A_136 = tpu.concatenate %slice3A_134, %slice3A_135 in 1 : vector<128x7x256xi32>, vector<128x1x256xi32> -> vector<128x8x256xi32>
    %reshape3A_137 = vector.shape_cast %concatenate3A_136 : vector<128x8x256xi32> to vector<1024x256xi32>
    %slice3A_138 = vector.extract_strided_slice %reshape3A_133 {offsets = [0, 7, 0], sizes = [128, 1, 256], strides = [1, 1, 1]} : vector<128x8x256xi32> to vector<128x1x256xi32>
    %slice3A_139 = vector.extract_strided_slice %reshape3A_133 {offsets = [0, 0, 0], sizes = [128, 7, 256], strides = [1, 1, 1]} : vector<128x8x256xi32> to vector<128x7x256xi32>
    %concatenate3A_140 = tpu.concatenate %slice3A_138, %slice3A_139 in 1 : vector<128x1x256xi32>, vector<128x7x256xi32> -> vector<128x8x256xi32>
    %reshape3A_141 = vector.shape_cast %concatenate3A_140 : vector<128x8x256xi32> to vector<1024x256xi32>
    %iota3A_142 = tpu.iota {dimensions = array<i32: 0>} : vector<1024x1xi32>
    %and3A_143 = arith.constant 1 : i32
    %and3A_144 = vector.broadcast %and3A_143 : i32 to vector<1024x1xi32>
    %and3A_145 = arith.andi %iota3A_142, %and3A_144 : vector<1024x1xi32>
    %eq3A_146 = arith.constant 0 : i32
    %eq3A_147 = vector.broadcast %eq3A_146 : i32 to vector<1024x1xi32>
    %eq3A_148 = arith.cmpi eq, %and3A_145, %eq3A_147 : vector<1024x1xi32>
    %broadcast_in_dim3A_149 = vector.shape_cast %eq3A_148 : vector<1024x1xi1> to vector<1024x1xi1>
    %broadcast_in_dim3A_150 = vector.broadcast %broadcast_in_dim3A_149 : vector<1024x1xi1> to vector<1024x256xi1>
    %select_n3A_151 = arith.select %broadcast_in_dim3A_150, %reshape3A_137, %reshape3A_141 : vector<1024x256xi1>, vector<1024x256xi32>
    %reshape3A_152 = vector.shape_cast %select_n3A_132 : vector<1024x256xi32> to vector<128x8x256xi32>
    %slice3A_153 = vector.extract_strided_slice %reshape3A_152 {offsets = [0, 1, 0], sizes = [128, 7, 256], strides = [1, 1, 1]} : vector<128x8x256xi32> to vector<128x7x256xi32>
    %slice3A_154 = vector.extract_strided_slice %reshape3A_152 {offsets = [0, 0, 0], sizes = [128, 1, 256], strides = [1, 1, 1]} : vector<128x8x256xi32> to vector<128x1x256xi32>
    %concatenate3A_155 = tpu.concatenate %slice3A_153, %slice3A_154 in 1 : vector<128x7x256xi32>, vector<128x1x256xi32> -> vector<128x8x256xi32>
    %reshape3A_156 = vector.shape_cast %concatenate3A_155 : vector<128x8x256xi32> to vector<1024x256xi32>
    %slice3A_157 = vector.extract_strided_slice %reshape3A_152 {offsets = [0, 7, 0], sizes = [128, 1, 256], strides = [1, 1, 1]} : vector<128x8x256xi32> to vector<128x1x256xi32>
    %slice3A_158 = vector.extract_strided_slice %reshape3A_152 {offsets = [0, 0, 0], sizes = [128, 7, 256], strides = [1, 1, 1]} : vector<128x8x256xi32> to vector<128x7x256xi32>
    %concatenate3A_159 = tpu.concatenate %slice3A_157, %slice3A_158 in 1 : vector<128x1x256xi32>, vector<128x7x256xi32> -> vector<128x8x256xi32>
    %reshape3A_160 = vector.shape_cast %concatenate3A_159 : vector<128x8x256xi32> to vector<1024x256xi32>
    %iota3A_161 = tpu.iota {dimensions = array<i32: 0>} : vector<1024x1xi32>
    %and3A_162 = arith.constant 1 : i32
    %and3A_163 = vector.broadcast %and3A_162 : i32 to vector<1024x1xi32>
    %and3A_164 = arith.andi %iota3A_161, %and3A_163 : vector<1024x1xi32>
    %eq3A_165 = arith.constant 0 : i32
    %eq3A_166 = vector.broadcast %eq3A_165 : i32 to vector<1024x1xi32>
    %eq3A_167 = arith.cmpi eq, %and3A_164, %eq3A_166 : vector<1024x1xi32>
    %broadcast_in_dim3A_168 = vector.shape_cast %eq3A_167 : vector<1024x1xi1> to vector<1024x1xi1>
    %broadcast_in_dim3A_169 = vector.broadcast %broadcast_in_dim3A_168 : vector<1024x1xi1> to vector<1024x256xi1>
    %select_n3A_170 = arith.select %broadcast_in_dim3A_169, %reshape3A_156, %reshape3A_160 : vector<1024x256xi1>, vector<1024x256xi32>
    %gt3A_171 = arith.cmpi sgt, %select_n3A_131, %select_n3A_151 : vector<1024x256xi32>
    %iota3A_172 = tpu.iota {dimensions = array<i32: 0>} : vector<1024x1xi32>
    %and3A_173 = arith.constant 1 : i32
    %and3A_174 = vector.broadcast %and3A_173 : i32 to vector<1024x1xi32>
    %and3A_175 = arith.andi %iota3A_172, %and3A_174 : vector<1024x1xi32>
    %eq3A_176 = arith.constant 0 : i32
    %eq3A_177 = vector.broadcast %eq3A_176 : i32 to vector<1024x1xi32>
    %eq3A_178 = arith.cmpi eq, %and3A_175, %eq3A_177 : vector<1024x1xi32>
    %and3A_179 = arith.constant 4 : i32
    %and3A_180 = vector.broadcast %and3A_179 : i32 to vector<1024x1xi32>
    %and3A_181 = arith.andi %iota3A_172, %and3A_180 : vector<1024x1xi32>
    %eq3A_182 = arith.constant 0 : i32
    %eq3A_183 = vector.broadcast %eq3A_182 : i32 to vector<1024x1xi32>
    %eq3A_184 = arith.cmpi eq, %and3A_181, %eq3A_183 : vector<1024x1xi32>
    %eq3A_185 = arith.xori %eq3A_178, %eq3A_184 : vector<1024x1xi1>
    %eq3A_186 = arith.constant dense<true> : vector<1024x1xi1>
    %eq3A_187 = arith.xori %eq3A_185, %eq3A_186 : vector<1024x1xi1>
    %eq3A_188 = vector.broadcast %eq3A_187 : vector<1024x1xi1> to vector<1024x256xi1>
    %eq3A_189 = vector.broadcast %eq3A_188 : vector<1024x256xi1> to vector<1024x256xi1>
    %eq3A_190 = arith.xori %gt3A_171, %eq3A_189 : vector<1024x256xi1>
    %eq3A_191 = arith.constant dense<true> : vector<1024x256xi1>
    %eq3A_192 = arith.xori %eq3A_190, %eq3A_191 : vector<1024x256xi1>
    %select_n3A_193 = arith.select %eq3A_192, %select_n3A_131, %select_n3A_151 : vector<1024x256xi1>, vector<1024x256xi32>
    %select_n3A_194 = arith.select %eq3A_192, %select_n3A_132, %select_n3A_170 : vector<1024x256xi1>, vector<1024x256xi32>
    %reshape3A_195 = vector.shape_cast %select_n3A_193 : vector<1024x256xi32> to vector<128x8x256xi32>
    %slice3A_196 = vector.extract_strided_slice %reshape3A_195 {offsets = [0, 4, 0], sizes = [128, 4, 256], strides = [1, 1, 1]} : vector<128x8x256xi32> to vector<128x4x256xi32>
    %slice3A_197 = vector.extract_strided_slice %reshape3A_195 {offsets = [0, 0, 0], sizes = [128, 4, 256], strides = [1, 1, 1]} : vector<128x8x256xi32> to vector<128x4x256xi32>
    %concatenate3A_198 = tpu.concatenate %slice3A_196, %slice3A_197 in 1 : vector<128x4x256xi32>, vector<128x4x256xi32> -> vector<128x8x256xi32>
    %reshape3A_199 = vector.shape_cast %concatenate3A_198 : vector<128x8x256xi32> to vector<1024x256xi32>
    %reshape3A_200 = vector.shape_cast %select_n3A_194 : vector<1024x256xi32> to vector<128x8x256xi32>
    %slice3A_201 = vector.extract_strided_slice %reshape3A_200 {offsets = [0, 4, 0], sizes = [128, 4, 256], strides = [1, 1, 1]} : vector<128x8x256xi32> to vector<128x4x256xi32>
    %slice3A_202 = vector.extract_strided_slice %reshape3A_200 {offsets = [0, 0, 0], sizes = [128, 4, 256], strides = [1, 1, 1]} : vector<128x8x256xi32> to vector<128x4x256xi32>
    %concatenate3A_203 = tpu.concatenate %slice3A_201, %slice3A_202 in 1 : vector<128x4x256xi32>, vector<128x4x256xi32> -> vector<128x8x256xi32>
    %reshape3A_204 = vector.shape_cast %concatenate3A_203 : vector<128x8x256xi32> to vector<1024x256xi32>
    %gt3A_205 = arith.cmpi sgt, %select_n3A_193, %reshape3A_199 : vector<1024x256xi32>
    %iota3A_206 = tpu.iota {dimensions = array<i32: 0>} : vector<1024x1xi32>
    %and3A_207 = arith.constant 4 : i32
    %and3A_208 = vector.broadcast %and3A_207 : i32 to vector<1024x1xi32>
    %and3A_209 = arith.andi %iota3A_206, %and3A_208 : vector<1024x1xi32>
    %eq3A_210 = arith.constant 0 : i32
    %eq3A_211 = vector.broadcast %eq3A_210 : i32 to vector<1024x1xi32>
    %eq3A_212 = arith.cmpi eq, %and3A_209, %eq3A_211 : vector<1024x1xi32>
    %and3A_213 = arith.constant 8 : i32
    %and3A_214 = vector.broadcast %and3A_213 : i32 to vector<1024x1xi32>
    %and3A_215 = arith.andi %iota3A_206, %and3A_214 : vector<1024x1xi32>
    %eq3A_216 = arith.constant 0 : i32
    %eq3A_217 = vector.broadcast %eq3A_216 : i32 to vector<1024x1xi32>
    %eq3A_218 = arith.cmpi eq, %and3A_215, %eq3A_217 : vector<1024x1xi32>
    %eq3A_219 = arith.xori %eq3A_212, %eq3A_218 : vector<1024x1xi1>
    %eq3A_220 = arith.constant dense<true> : vector<1024x1xi1>
    %eq3A_221 = arith.xori %eq3A_219, %eq3A_220 : vector<1024x1xi1>
    %eq3A_222 = vector.broadcast %eq3A_221 : vector<1024x1xi1> to vector<1024x256xi1>
    %eq3A_223 = vector.broadcast %eq3A_222 : vector<1024x256xi1> to vector<1024x256xi1>
    %eq3A_224 = arith.xori %gt3A_205, %eq3A_223 : vector<1024x256xi1>
    %eq3A_225 = arith.constant dense<true> : vector<1024x256xi1>
    %eq3A_226 = arith.xori %eq3A_224, %eq3A_225 : vector<1024x256xi1>
    %select_n3A_227 = arith.select %eq3A_226, %select_n3A_193, %reshape3A_199 : vector<1024x256xi1>, vector<1024x256xi32>
    %select_n3A_228 = arith.select %eq3A_226, %select_n3A_194, %reshape3A_204 : vector<1024x256xi1>, vector<1024x256xi32>
    %reshape3A_229 = vector.shape_cast %select_n3A_227 : vector<1024x256xi32> to vector<128x8x256xi32>
    %slice3A_230 = vector.extract_strided_slice %reshape3A_229 {offsets = [0, 2, 0], sizes = [128, 6, 256], strides = [1, 1, 1]} : vector<128x8x256xi32> to vector<128x6x256xi32>
    %slice3A_231 = vector.extract_strided_slice %reshape3A_229 {offsets = [0, 0, 0], sizes = [128, 2, 256], strides = [1, 1, 1]} : vector<128x8x256xi32> to vector<128x2x256xi32>
    %concatenate3A_232 = tpu.concatenate %slice3A_230, %slice3A_231 in 1 : vector<128x6x256xi32>, vector<128x2x256xi32> -> vector<128x8x256xi32>
    %reshape3A_233 = vector.shape_cast %concatenate3A_232 : vector<128x8x256xi32> to vector<1024x256xi32>
    %slice3A_234 = vector.extract_strided_slice %reshape3A_229 {offsets = [0, 6, 0], sizes = [128, 2, 256], strides = [1, 1, 1]} : vector<128x8x256xi32> to vector<128x2x256xi32>
    %slice3A_235 = vector.extract_strided_slice %reshape3A_229 {offsets = [0, 0, 0], sizes = [128, 6, 256], strides = [1, 1, 1]} : vector<128x8x256xi32> to vector<128x6x256xi32>
    %concatenate3A_236 = tpu.concatenate %slice3A_234, %slice3A_235 in 1 : vector<128x2x256xi32>, vector<128x6x256xi32> -> vector<128x8x256xi32>
    %reshape3A_237 = vector.shape_cast %concatenate3A_236 : vector<128x8x256xi32> to vector<1024x256xi32>
    %iota3A_238 = tpu.iota {dimensions = array<i32: 0>} : vector<1024x1xi32>
    %and3A_239 = arith.constant 2 : i32
    %and3A_240 = vector.broadcast %and3A_239 : i32 to vector<1024x1xi32>
    %and3A_241 = arith.andi %iota3A_238, %and3A_240 : vector<1024x1xi32>
    %eq3A_242 = arith.constant 0 : i32
    %eq3A_243 = vector.broadcast %eq3A_242 : i32 to vector<1024x1xi32>
    %eq3A_244 = arith.cmpi eq, %and3A_241, %eq3A_243 : vector<1024x1xi32>
    %broadcast_in_dim3A_245 = vector.shape_cast %eq3A_244 : vector<1024x1xi1> to vector<1024x1xi1>
    %broadcast_in_dim3A_246 = vector.broadcast %broadcast_in_dim3A_245 : vector<1024x1xi1> to vector<1024x256xi1>
    %select_n3A_247 = arith.select %broadcast_in_dim3A_246, %reshape3A_233, %reshape3A_237 : vector<1024x256xi1>, vector<1024x256xi32>
    %reshape3A_248 = vector.shape_cast %select_n3A_228 : vector<1024x256xi32> to vector<128x8x256xi32>
    %slice3A_249 = vector.extract_strided_slice %reshape3A_248 {offsets = [0, 2, 0], sizes = [128, 6, 256], strides = [1, 1, 1]} : vector<128x8x256xi32> to vector<128x6x256xi32>
    %slice3A_250 = vector.extract_strided_slice %reshape3A_248 {offsets = [0, 0, 0], sizes = [128, 2, 256], strides = [1, 1, 1]} : vector<128x8x256xi32> to vector<128x2x256xi32>
    %concatenate3A_251 = tpu.concatenate %slice3A_249, %slice3A_250 in 1 : vector<128x6x256xi32>, vector<128x2x256xi32> -> vector<128x8x256xi32>
    %reshape3A_252 = vector.shape_cast %concatenate3A_251 : vector<128x8x256xi32> to vector<1024x256xi32>
    %slice3A_253 = vector.extract_strided_slice %reshape3A_248 {offsets = [0, 6, 0], sizes = [128, 2, 256], strides = [1, 1, 1]} : vector<128x8x256xi32> to vector<128x2x256xi32>
    %slice3A_254 = vector.extract_strided_slice %reshape3A_248 {offsets = [0, 0, 0], sizes = [128, 6, 256], strides = [1, 1, 1]} : vector<128x8x256xi32> to vector<128x6x256xi32>
    %concatenate3A_255 = tpu.concatenate %slice3A_253, %slice3A_254 in 1 : vector<128x2x256xi32>, vector<128x6x256xi32> -> vector<128x8x256xi32>
    %reshape3A_256 = vector.shape_cast %concatenate3A_255 : vector<128x8x256xi32> to vector<1024x256xi32>
    %iota3A_257 = tpu.iota {dimensions = array<i32: 0>} : vector<1024x1xi32>
    %and3A_258 = arith.constant 2 : i32
    %and3A_259 = vector.broadcast %and3A_258 : i32 to vector<1024x1xi32>
    %and3A_260 = arith.andi %iota3A_257, %and3A_259 : vector<1024x1xi32>
    %eq3A_261 = arith.constant 0 : i32
    %eq3A_262 = vector.broadcast %eq3A_261 : i32 to vector<1024x1xi32>
    %eq3A_263 = arith.cmpi eq, %and3A_260, %eq3A_262 : vector<1024x1xi32>
    %broadcast_in_dim3A_264 = vector.shape_cast %eq3A_263 : vector<1024x1xi1> to vector<1024x1xi1>
    %broadcast_in_dim3A_265 = vector.broadcast %broadcast_in_dim3A_264 : vector<1024x1xi1> to vector<1024x256xi1>
    %select_n3A_266 = arith.select %broadcast_in_dim3A_265, %reshape3A_252, %reshape3A_256 : vector<1024x256xi1>, vector<1024x256xi32>
    %gt3A_267 = arith.cmpi sgt, %select_n3A_227, %select_n3A_247 : vector<1024x256xi32>
    %iota3A_268 = tpu.iota {dimensions = array<i32: 0>} : vector<1024x1xi32>
    %and3A_269 = arith.constant 2 : i32
    %and3A_270 = vector.broadcast %and3A_269 : i32 to vector<1024x1xi32>
    %and3A_271 = arith.andi %iota3A_268, %and3A_270 : vector<1024x1xi32>
    %eq3A_272 = arith.constant 0 : i32
    %eq3A_273 = vector.broadcast %eq3A_272 : i32 to vector<1024x1xi32>
    %eq3A_274 = arith.cmpi eq, %and3A_271, %eq3A_273 : vector<1024x1xi32>
    %and3A_275 = arith.constant 8 : i32
    %and3A_276 = vector.broadcast %and3A_275 : i32 to vector<1024x1xi32>
    %and3A_277 = arith.andi %iota3A_268, %and3A_276 : vector<1024x1xi32>
    %eq3A_278 = arith.constant 0 : i32
    %eq3A_279 = vector.broadcast %eq3A_278 : i32 to vector<1024x1xi32>
    %eq3A_280 = arith.cmpi eq, %and3A_277, %eq3A_279 : vector<1024x1xi32>
    %eq3A_281 = arith.xori %eq3A_274, %eq3A_280 : vector<1024x1xi1>
    %eq3A_282 = arith.constant dense<true> : vector<1024x1xi1>
    %eq3A_283 = arith.xori %eq3A_281, %eq3A_282 : vector<1024x1xi1>
    %eq3A_284 = vector.broadcast %eq3A_283 : vector<1024x1xi1> to vector<1024x256xi1>
    %eq3A_285 = vector.broadcast %eq3A_284 : vector<1024x256xi1> to vector<1024x256xi1>
    %eq3A_286 = arith.xori %gt3A_267, %eq3A_285 : vector<1024x256xi1>
    %eq3A_287 = arith.constant dense<true> : vector<1024x256xi1>
    %eq3A_288 = arith.xori %eq3A_286, %eq3A_287 : vector<1024x256xi1>
    %select_n3A_289 = arith.select %eq3A_288, %select_n3A_227, %select_n3A_247 : vector<1024x256xi1>, vector<1024x256xi32>
    %select_n3A_290 = arith.select %eq3A_288, %select_n3A_228, %select_n3A_266 : vector<1024x256xi1>, vector<1024x256xi32>
    %reshape3A_291 = vector.shape_cast %select_n3A_289 : vector<1024x256xi32> to vector<128x8x256xi32>
    %slice3A_292 = vector.extract_strided_slice %reshape3A_291 {offsets = [0, 1, 0], sizes = [128, 7, 256], strides = [1, 1, 1]} : vector<128x8x256xi32> to vector<128x7x256xi32>
    %slice3A_293 = vector.extract_strided_slice %reshape3A_291 {offsets = [0, 0, 0], sizes = [128, 1, 256], strides = [1, 1, 1]} : vector<128x8x256xi32> to vector<128x1x256xi32>
    %concatenate3A_294 = tpu.concatenate %slice3A_292, %slice3A_293 in 1 : vector<128x7x256xi32>, vector<128x1x256xi32> -> vector<128x8x256xi32>
    %reshape3A_295 = vector.shape_cast %concatenate3A_294 : vector<128x8x256xi32> to vector<1024x256xi32>
    %slice3A_296 = vector.extract_strided_slice %reshape3A_291 {offsets = [0, 7, 0], sizes = [128, 1, 256], strides = [1, 1, 1]} : vector<128x8x256xi32> to vector<128x1x256xi32>
    %slice3A_297 = vector.extract_strided_slice %reshape3A_291 {offsets = [0, 0, 0], sizes = [128, 7, 256], strides = [1, 1, 1]} : vector<128x8x256xi32> to vector<128x7x256xi32>
    %concatenate3A_298 = tpu.concatenate %slice3A_296, %slice3A_297 in 1 : vector<128x1x256xi32>, vector<128x7x256xi32> -> vector<128x8x256xi32>
    %reshape3A_299 = vector.shape_cast %concatenate3A_298 : vector<128x8x256xi32> to vector<1024x256xi32>
    %iota3A_300 = tpu.iota {dimensions = array<i32: 0>} : vector<1024x1xi32>
    %and3A_301 = arith.constant 1 : i32
    %and3A_302 = vector.broadcast %and3A_301 : i32 to vector<1024x1xi32>
    %and3A_303 = arith.andi %iota3A_300, %and3A_302 : vector<1024x1xi32>
    %eq3A_304 = arith.constant 0 : i32
    %eq3A_305 = vector.broadcast %eq3A_304 : i32 to vector<1024x1xi32>
    %eq3A_306 = arith.cmpi eq, %and3A_303, %eq3A_305 : vector<1024x1xi32>
    %broadcast_in_dim3A_307 = vector.shape_cast %eq3A_306 : vector<1024x1xi1> to vector<1024x1xi1>
    %broadcast_in_dim3A_308 = vector.broadcast %broadcast_in_dim3A_307 : vector<1024x1xi1> to vector<1024x256xi1>
    %select_n3A_309 = arith.select %broadcast_in_dim3A_308, %reshape3A_295, %reshape3A_299 : vector<1024x256xi1>, vector<1024x256xi32>
    %reshape3A_310 = vector.shape_cast %select_n3A_290 : vector<1024x256xi32> to vector<128x8x256xi32>
    %slice3A_311 = vector.extract_strided_slice %reshape3A_310 {offsets = [0, 1, 0], sizes = [128, 7, 256], strides = [1, 1, 1]} : vector<128x8x256xi32> to vector<128x7x256xi32>
    %slice3A_312 = vector.extract_strided_slice %reshape3A_310 {offsets = [0, 0, 0], sizes = [128, 1, 256], strides = [1, 1, 1]} : vector<128x8x256xi32> to vector<128x1x256xi32>
    %concatenate3A_313 = tpu.concatenate %slice3A_311, %slice3A_312 in 1 : vector<128x7x256xi32>, vector<128x1x256xi32> -> vector<128x8x256xi32>
    %reshape3A_314 = vector.shape_cast %concatenate3A_313 : vector<128x8x256xi32> to vector<1024x256xi32>
    %slice3A_315 = vector.extract_strided_slice %reshape3A_310 {offsets = [0, 7, 0], sizes = [128, 1, 256], strides = [1, 1, 1]} : vector<128x8x256xi32> to vector<128x1x256xi32>
    %slice3A_316 = vector.extract_strided_slice %reshape3A_310 {offsets = [0, 0, 0], sizes = [128, 7, 256], strides = [1, 1, 1]} : vector<128x8x256xi32> to vector<128x7x256xi32>
    %concatenate3A_317 = tpu.concatenate %slice3A_315, %slice3A_316 in 1 : vector<128x1x256xi32>, vector<128x7x256xi32> -> vector<128x8x256xi32>
    %reshape3A_318 = vector.shape_cast %concatenate3A_317 : vector<128x8x256xi32> to vector<1024x256xi32>
    %iota3A_319 = tpu.iota {dimensions = array<i32: 0>} : vector<1024x1xi32>
    %and3A_320 = arith.constant 1 : i32
    %and3A_321 = vector.broadcast %and3A_320 : i32 to vector<1024x1xi32>
    %and3A_322 = arith.andi %iota3A_319, %and3A_321 : vector<1024x1xi32>
    %eq3A_323 = arith.constant 0 : i32
    %eq3A_324 = vector.broadcast %eq3A_323 : i32 to vector<1024x1xi32>
    %eq3A_325 = arith.cmpi eq, %and3A_322, %eq3A_324 : vector<1024x1xi32>
    %broadcast_in_dim3A_326 = vector.shape_cast %eq3A_325 : vector<1024x1xi1> to vector<1024x1xi1>
    %broadcast_in_dim3A_327 = vector.broadcast %broadcast_in_dim3A_326 : vector<1024x1xi1> to vector<1024x256xi1>
    %select_n3A_328 = arith.select %broadcast_in_dim3A_327, %reshape3A_314, %reshape3A_318 : vector<1024x256xi1>, vector<1024x256xi32>
    %gt3A_329 = arith.cmpi sgt, %select_n3A_289, %select_n3A_309 : vector<1024x256xi32>
    %iota3A_330 = tpu.iota {dimensions = array<i32: 0>} : vector<1024x1xi32>
    %and3A_331 = arith.constant 1 : i32
    %and3A_332 = vector.broadcast %and3A_331 : i32 to vector<1024x1xi32>
    %and3A_333 = arith.andi %iota3A_330, %and3A_332 : vector<1024x1xi32>
    %eq3A_334 = arith.constant 0 : i32
    %eq3A_335 = vector.broadcast %eq3A_334 : i32 to vector<1024x1xi32>
    %eq3A_336 = arith.cmpi eq, %and3A_333, %eq3A_335 : vector<1024x1xi32>
    %and3A_337 = arith.constant 8 : i32
    %and3A_338 = vector.broadcast %and3A_337 : i32 to vector<1024x1xi32>
    %and3A_339 = arith.andi %iota3A_330, %and3A_338 : vector<1024x1xi32>
    %eq3A_340 = arith.constant 0 : i32
    %eq3A_341 = vector.broadcast %eq3A_340 : i32 to vector<1024x1xi32>
    %eq3A_342 = arith.cmpi eq, %and3A_339, %eq3A_341 : vector<1024x1xi32>
    %eq3A_343 = arith.xori %eq3A_336, %eq3A_342 : vector<1024x1xi1>
    %eq3A_344 = arith.constant dense<true> : vector<1024x1xi1>
    %eq3A_345 = arith.xori %eq3A_343, %eq3A_344 : vector<1024x1xi1>
    %eq3A_346 = vector.broadcast %eq3A_345 : vector<1024x1xi1> to vector<1024x256xi1>
    %eq3A_347 = vector.broadcast %eq3A_346 : vector<1024x256xi1> to vector<1024x256xi1>
    %eq3A_348 = arith.xori %gt3A_329, %eq3A_347 : vector<1024x256xi1>
    %eq3A_349 = arith.constant dense<true> : vector<1024x256xi1>
    %eq3A_350 = arith.xori %eq3A_348, %eq3A_349 : vector<1024x256xi1>
    %select_n3A_351 = arith.select %eq3A_350, %select_n3A_289, %select_n3A_309 : vector<1024x256xi1>, vector<1024x256xi32>
    %select_n3A_352 = arith.select %eq3A_350, %select_n3A_290, %select_n3A_328 : vector<1024x256xi1>, vector<1024x256xi32>
    %reshape3A_353 = vector.shape_cast %select_n3A_351 : vector<1024x256xi32> to vector<64x2x8x256xi32>
    %reshape3A_354 = vector.shape_cast %select_n3A_352 : vector<1024x256xi32> to vector<64x2x8x256xi32>
    %slice3A_355 = vector.extract_strided_slice %reshape3A_353 {offsets = [0, 0, 0, 0], sizes = [64, 1, 8, 256], strides = [1, 1, 1, 1]} : vector<64x2x8x256xi32> to vector<64x1x8x256xi32>
    %squeeze3A = vector.shape_cast %slice3A_355 : vector<64x1x8x256xi32> to vector<64x8x256xi32>
    %slice3A_356 = vector.extract_strided_slice %reshape3A_353 {offsets = [0, 1, 0, 0], sizes = [64, 1, 8, 256], strides = [1, 1, 1, 1]} : vector<64x2x8x256xi32> to vector<64x1x8x256xi32>
    %squeeze3A_357 = vector.shape_cast %slice3A_356 : vector<64x1x8x256xi32> to vector<64x8x256xi32>
    %slice3A_358 = vector.extract_strided_slice %reshape3A_354 {offsets = [0, 0, 0, 0], sizes = [64, 1, 8, 256], strides = [1, 1, 1, 1]} : vector<64x2x8x256xi32> to vector<64x1x8x256xi32>
    %squeeze3A_359 = vector.shape_cast %slice3A_358 : vector<64x1x8x256xi32> to vector<64x8x256xi32>
    %slice3A_360 = vector.extract_strided_slice %reshape3A_354 {offsets = [0, 1, 0, 0], sizes = [64, 1, 8, 256], strides = [1, 1, 1, 1]} : vector<64x2x8x256xi32> to vector<64x1x8x256xi32>
    %squeeze3A_361 = vector.shape_cast %slice3A_360 : vector<64x1x8x256xi32> to vector<64x8x256xi32>
    %gt3A_362 = arith.cmpi sgt, %squeeze3A, %squeeze3A_357 : vector<64x8x256xi32>
    %iota3A_363 = tpu.iota {dimensions = array<i32: 0>} : vector<64x1x1xi32>
    %and3A_364 = arith.constant 1 : i32
    %and3A_365 = vector.broadcast %and3A_364 : i32 to vector<64x1x1xi32>
    %and3A_366 = arith.andi %iota3A_363, %and3A_365 : vector<64x1x1xi32>
    %eq3A_367 = arith.constant 0 : i32
    %eq3A_368 = vector.broadcast %eq3A_367 : i32 to vector<64x1x1xi32>
    %eq3A_369 = arith.cmpi eq, %and3A_366, %eq3A_368 : vector<64x1x1xi32>
    %xor3A_370 = vector.broadcast %eq3A_369 : vector<64x1x1xi1> to vector<64x8x256xi1>
    %xor3A_371 = arith.xori %gt3A_362, %xor3A_370 : vector<64x8x256xi1>
    %select_n3A_372 = arith.select %xor3A_371, %squeeze3A_357, %squeeze3A : vector<64x8x256xi1>, vector<64x8x256xi32>
    %select_n3A_373 = arith.select %xor3A_371, %squeeze3A, %squeeze3A_357 : vector<64x8x256xi1>, vector<64x8x256xi32>
    %select_n3A_374 = arith.select %xor3A_371, %squeeze3A_361, %squeeze3A_359 : vector<64x8x256xi1>, vector<64x8x256xi32>
    %select_n3A_375 = arith.select %xor3A_371, %squeeze3A_359, %squeeze3A_361 : vector<64x8x256xi1>, vector<64x8x256xi32>
    %broadcast_in_dim3A_376 = vector.shape_cast %select_n3A_372 : vector<64x8x256xi32> to vector<64x1x8x256xi32>
    %broadcast_in_dim3A_377 = vector.shape_cast %select_n3A_373 : vector<64x8x256xi32> to vector<64x1x8x256xi32>
    %concatenate3A_378 = tpu.concatenate %broadcast_in_dim3A_376, %broadcast_in_dim3A_377 in 1 : vector<64x1x8x256xi32>, vector<64x1x8x256xi32> -> vector<64x2x8x256xi32>
    %reshape3A_379 = vector.shape_cast %concatenate3A_378 : vector<64x2x8x256xi32> to vector<1024x256xi32>
    %broadcast_in_dim3A_380 = vector.shape_cast %select_n3A_374 : vector<64x8x256xi32> to vector<64x1x8x256xi32>
    %broadcast_in_dim3A_381 = vector.shape_cast %select_n3A_375 : vector<64x8x256xi32> to vector<64x1x8x256xi32>
    %concatenate3A_382 = tpu.concatenate %broadcast_in_dim3A_380, %broadcast_in_dim3A_381 in 1 : vector<64x1x8x256xi32>, vector<64x1x8x256xi32> -> vector<64x2x8x256xi32>
    %reshape3A_383 = vector.shape_cast %concatenate3A_382 : vector<64x2x8x256xi32> to vector<1024x256xi32>
    %reshape3A_384 = vector.shape_cast %reshape3A_379 : vector<1024x256xi32> to vector<128x8x256xi32>
    %slice3A_385 = vector.extract_strided_slice %reshape3A_384 {offsets = [0, 4, 0], sizes = [128, 4, 256], strides = [1, 1, 1]} : vector<128x8x256xi32> to vector<128x4x256xi32>
    %slice3A_386 = vector.extract_strided_slice %reshape3A_384 {offsets = [0, 0, 0], sizes = [128, 4, 256], strides = [1, 1, 1]} : vector<128x8x256xi32> to vector<128x4x256xi32>
    %concatenate3A_387 = tpu.concatenate %slice3A_385, %slice3A_386 in 1 : vector<128x4x256xi32>, vector<128x4x256xi32> -> vector<128x8x256xi32>
    %reshape3A_388 = vector.shape_cast %concatenate3A_387 : vector<128x8x256xi32> to vector<1024x256xi32>
    %reshape3A_389 = vector.shape_cast %reshape3A_383 : vector<1024x256xi32> to vector<128x8x256xi32>
    %slice3A_390 = vector.extract_strided_slice %reshape3A_389 {offsets = [0, 4, 0], sizes = [128, 4, 256], strides = [1, 1, 1]} : vector<128x8x256xi32> to vector<128x4x256xi32>
    %slice3A_391 = vector.extract_strided_slice %reshape3A_389 {offsets = [0, 0, 0], sizes = [128, 4, 256], strides = [1, 1, 1]} : vector<128x8x256xi32> to vector<128x4x256xi32>
    %concatenate3A_392 = tpu.concatenate %slice3A_390, %slice3A_391 in 1 : vector<128x4x256xi32>, vector<128x4x256xi32> -> vector<128x8x256xi32>
    %reshape3A_393 = vector.shape_cast %concatenate3A_392 : vector<128x8x256xi32> to vector<1024x256xi32>
    %gt3A_394 = arith.cmpi sgt, %reshape3A_379, %reshape3A_388 : vector<1024x256xi32>
    %iota3A_395 = tpu.iota {dimensions = array<i32: 0>} : vector<1024x1xi32>
    %and3A_396 = arith.constant 4 : i32
    %and3A_397 = vector.broadcast %and3A_396 : i32 to vector<1024x1xi32>
    %and3A_398 = arith.andi %iota3A_395, %and3A_397 : vector<1024x1xi32>
    %eq3A_399 = arith.constant 0 : i32
    %eq3A_400 = vector.broadcast %eq3A_399 : i32 to vector<1024x1xi32>
    %eq3A_401 = arith.cmpi eq, %and3A_398, %eq3A_400 : vector<1024x1xi32>
    %and3A_402 = arith.constant 16 : i32
    %and3A_403 = vector.broadcast %and3A_402 : i32 to vector<1024x1xi32>
    %and3A_404 = arith.andi %iota3A_395, %and3A_403 : vector<1024x1xi32>
    %eq3A_405 = arith.constant 0 : i32
    %eq3A_406 = vector.broadcast %eq3A_405 : i32 to vector<1024x1xi32>
    %eq3A_407 = arith.cmpi eq, %and3A_404, %eq3A_406 : vector<1024x1xi32>
    %eq3A_408 = arith.xori %eq3A_401, %eq3A_407 : vector<1024x1xi1>
    %eq3A_409 = arith.constant dense<true> : vector<1024x1xi1>
    %eq3A_410 = arith.xori %eq3A_408, %eq3A_409 : vector<1024x1xi1>
    %eq3A_411 = vector.broadcast %eq3A_410 : vector<1024x1xi1> to vector<1024x256xi1>
    %eq3A_412 = vector.broadcast %eq3A_411 : vector<1024x256xi1> to vector<1024x256xi1>
    %eq3A_413 = arith.xori %gt3A_394, %eq3A_412 : vector<1024x256xi1>
    %eq3A_414 = arith.constant dense<true> : vector<1024x256xi1>
    %eq3A_415 = arith.xori %eq3A_413, %eq3A_414 : vector<1024x256xi1>
    %select_n3A_416 = arith.select %eq3A_415, %reshape3A_379, %reshape3A_388 : vector<1024x256xi1>, vector<1024x256xi32>
    %select_n3A_417 = arith.select %eq3A_415, %reshape3A_383, %reshape3A_393 : vector<1024x256xi1>, vector<1024x256xi32>
    %reshape3A_418 = vector.shape_cast %select_n3A_416 : vector<1024x256xi32> to vector<128x8x256xi32>
    %slice3A_419 = vector.extract_strided_slice %reshape3A_418 {offsets = [0, 2, 0], sizes = [128, 6, 256], strides = [1, 1, 1]} : vector<128x8x256xi32> to vector<128x6x256xi32>
    %slice3A_420 = vector.extract_strided_slice %reshape3A_418 {offsets = [0, 0, 0], sizes = [128, 2, 256], strides = [1, 1, 1]} : vector<128x8x256xi32> to vector<128x2x256xi32>
    %concatenate3A_421 = tpu.concatenate %slice3A_419, %slice3A_420 in 1 : vector<128x6x256xi32>, vector<128x2x256xi32> -> vector<128x8x256xi32>
    %reshape3A_422 = vector.shape_cast %concatenate3A_421 : vector<128x8x256xi32> to vector<1024x256xi32>
    %slice3A_423 = vector.extract_strided_slice %reshape3A_418 {offsets = [0, 6, 0], sizes = [128, 2, 256], strides = [1, 1, 1]} : vector<128x8x256xi32> to vector<128x2x256xi32>
    %slice3A_424 = vector.extract_strided_slice %reshape3A_418 {offsets = [0, 0, 0], sizes = [128, 6, 256], strides = [1, 1, 1]} : vector<128x8x256xi32> to vector<128x6x256xi32>
    %concatenate3A_425 = tpu.concatenate %slice3A_423, %slice3A_424 in 1 : vector<128x2x256xi32>, vector<128x6x256xi32> -> vector<128x8x256xi32>
    %reshape3A_426 = vector.shape_cast %concatenate3A_425 : vector<128x8x256xi32> to vector<1024x256xi32>
    %iota3A_427 = tpu.iota {dimensions = array<i32: 0>} : vector<1024x1xi32>
    %and3A_428 = arith.constant 2 : i32
    %and3A_429 = vector.broadcast %and3A_428 : i32 to vector<1024x1xi32>
    %and3A_430 = arith.andi %iota3A_427, %and3A_429 : vector<1024x1xi32>
    %eq3A_431 = arith.constant 0 : i32
    %eq3A_432 = vector.broadcast %eq3A_431 : i32 to vector<1024x1xi32>
    %eq3A_433 = arith.cmpi eq, %and3A_430, %eq3A_432 : vector<1024x1xi32>
    %broadcast_in_dim3A_434 = vector.shape_cast %eq3A_433 : vector<1024x1xi1> to vector<1024x1xi1>
    %broadcast_in_dim3A_435 = vector.broadcast %broadcast_in_dim3A_434 : vector<1024x1xi1> to vector<1024x256xi1>
    %select_n3A_436 = arith.select %broadcast_in_dim3A_435, %reshape3A_422, %reshape3A_426 : vector<1024x256xi1>, vector<1024x256xi32>
    %reshape3A_437 = vector.shape_cast %select_n3A_417 : vector<1024x256xi32> to vector<128x8x256xi32>
    %slice3A_438 = vector.extract_strided_slice %reshape3A_437 {offsets = [0, 2, 0], sizes = [128, 6, 256], strides = [1, 1, 1]} : vector<128x8x256xi32> to vector<128x6x256xi32>
    %slice3A_439 = vector.extract_strided_slice %reshape3A_437 {offsets = [0, 0, 0], sizes = [128, 2, 256], strides = [1, 1, 1]} : vector<128x8x256xi32> to vector<128x2x256xi32>
    %concatenate3A_440 = tpu.concatenate %slice3A_438, %slice3A_439 in 1 : vector<128x6x256xi32>, vector<128x2x256xi32> -> vector<128x8x256xi32>
    %reshape3A_441 = vector.shape_cast %concatenate3A_440 : vector<128x8x256xi32> to vector<1024x256xi32>
    %slice3A_442 = vector.extract_strided_slice %reshape3A_437 {offsets = [0, 6, 0], sizes = [128, 2, 256], strides = [1, 1, 1]} : vector<128x8x256xi32> to vector<128x2x256xi32>
    %slice3A_443 = vector.extract_strided_slice %reshape3A_437 {offsets = [0, 0, 0], sizes = [128, 6, 256], strides = [1, 1, 1]} : vector<128x8x256xi32> to vector<128x6x256xi32>
    %concatenate3A_444 = tpu.concatenate %slice3A_442, %slice3A_443 in 1 : vector<128x2x256xi32>, vector<128x6x256xi32> -> vector<128x8x256xi32>
    %reshape3A_445 = vector.shape_cast %concatenate3A_444 : vector<128x8x256xi32> to vector<1024x256xi32>
    %iota3A_446 = tpu.iota {dimensions = array<i32: 0>} : vector<1024x1xi32>
    %and3A_447 = arith.constant 2 : i32
    %and3A_448 = vector.broadcast %and3A_447 : i32 to vector<1024x1xi32>
    %and3A_449 = arith.andi %iota3A_446, %and3A_448 : vector<1024x1xi32>
    %eq3A_450 = arith.constant 0 : i32
    %eq3A_451 = vector.broadcast %eq3A_450 : i32 to vector<1024x1xi32>
    %eq3A_452 = arith.cmpi eq, %and3A_449, %eq3A_451 : vector<1024x1xi32>
    %broadcast_in_dim3A_453 = vector.shape_cast %eq3A_452 : vector<1024x1xi1> to vector<1024x1xi1>
    %broadcast_in_dim3A_454 = vector.broadcast %broadcast_in_dim3A_453 : vector<1024x1xi1> to vector<1024x256xi1>
    %select_n3A_455 = arith.select %broadcast_in_dim3A_454, %reshape3A_441, %reshape3A_445 : vector<1024x256xi1>, vector<1024x256xi32>
    %gt3A_456 = arith.cmpi sgt, %select_n3A_416, %select_n3A_436 : vector<1024x256xi32>
    %iota3A_457 = tpu.iota {dimensions = array<i32: 0>} : vector<1024x1xi32>
    %and3A_458 = arith.constant 2 : i32
    %and3A_459 = vector.broadcast %and3A_458 : i32 to vector<1024x1xi32>
    %and3A_460 = arith.andi %iota3A_457, %and3A_459 : vector<1024x1xi32>
    %eq3A_461 = arith.constant 0 : i32
    %eq3A_462 = vector.broadcast %eq3A_461 : i32 to vector<1024x1xi32>
    %eq3A_463 = arith.cmpi eq, %and3A_460, %eq3A_462 : vector<1024x1xi32>
    %and3A_464 = arith.constant 16 : i32
    %and3A_465 = vector.broadcast %and3A_464 : i32 to vector<1024x1xi32>
    %and3A_466 = arith.andi %iota3A_457, %and3A_465 : vector<1024x1xi32>
    %eq3A_467 = arith.constant 0 : i32
    %eq3A_468 = vector.broadcast %eq3A_467 : i32 to vector<1024x1xi32>
    %eq3A_469 = arith.cmpi eq, %and3A_466, %eq3A_468 : vector<1024x1xi32>
    %eq3A_470 = arith.xori %eq3A_463, %eq3A_469 : vector<1024x1xi1>
    %eq3A_471 = arith.constant dense<true> : vector<1024x1xi1>
    %eq3A_472 = arith.xori %eq3A_470, %eq3A_471 : vector<1024x1xi1>
    %eq3A_473 = vector.broadcast %eq3A_472 : vector<1024x1xi1> to vector<1024x256xi1>
    %eq3A_474 = vector.broadcast %eq3A_473 : vector<1024x256xi1> to vector<1024x256xi1>
    %eq3A_475 = arith.xori %gt3A_456, %eq3A_474 : vector<1024x256xi1>
    %eq3A_476 = arith.constant dense<true> : vector<1024x256xi1>
    %eq3A_477 = arith.xori %eq3A_475, %eq3A_476 : vector<1024x256xi1>
    %select_n3A_478 = arith.select %eq3A_477, %select_n3A_416, %select_n3A_436 : vector<1024x256xi1>, vector<1024x256xi32>
    %select_n3A_479 = arith.select %eq3A_477, %select_n3A_417, %select_n3A_455 : vector<1024x256xi1>, vector<1024x256xi32>
    %reshape3A_480 = vector.shape_cast %select_n3A_478 : vector<1024x256xi32> to vector<128x8x256xi32>
    %slice3A_481 = vector.extract_strided_slice %reshape3A_480 {offsets = [0, 1, 0], sizes = [128, 7, 256], strides = [1, 1, 1]} : vector<128x8x256xi32> to vector<128x7x256xi32>
    %slice3A_482 = vector.extract_strided_slice %reshape3A_480 {offsets = [0, 0, 0], sizes = [128, 1, 256], strides = [1, 1, 1]} : vector<128x8x256xi32> to vector<128x1x256xi32>
    %concatenate3A_483 = tpu.concatenate %slice3A_481, %slice3A_482 in 1 : vector<128x7x256xi32>, vector<128x1x256xi32> -> vector<128x8x256xi32>
    %reshape3A_484 = vector.shape_cast %concatenate3A_483 : vector<128x8x256xi32> to vector<1024x256xi32>
    %slice3A_485 = vector.extract_strided_slice %reshape3A_480 {offsets = [0, 7, 0], sizes = [128, 1, 256], strides = [1, 1, 1]} : vector<128x8x256xi32> to vector<128x1x256xi32>
    %slice3A_486 = vector.extract_strided_slice %reshape3A_480 {offsets = [0, 0, 0], sizes = [128, 7, 256], strides = [1, 1, 1]} : vector<128x8x256xi32> to vector<128x7x256xi32>
    %concatenate3A_487 = tpu.concatenate %slice3A_485, %slice3A_486 in 1 : vector<128x1x256xi32>, vector<128x7x256xi32> -> vector<128x8x256xi32>
    %reshape3A_488 = vector.shape_cast %concatenate3A_487 : vector<128x8x256xi32> to vector<1024x256xi32>
    %iota3A_489 = tpu.iota {dimensions = array<i32: 0>} : vector<1024x1xi32>
    %and3A_490 = arith.constant 1 : i32
    %and3A_491 = vector.broadcast %and3A_490 : i32 to vector<1024x1xi32>
    %and3A_492 = arith.andi %iota3A_489, %and3A_491 : vector<1024x1xi32>
    %eq3A_493 = arith.constant 0 : i32
    %eq3A_494 = vector.broadcast %eq3A_493 : i32 to vector<1024x1xi32>
    %eq3A_495 = arith.cmpi eq, %and3A_492, %eq3A_494 : vector<1024x1xi32>
    %broadcast_in_dim3A_496 = vector.shape_cast %eq3A_495 : vector<1024x1xi1> to vector<1024x1xi1>
    %broadcast_in_dim3A_497 = vector.broadcast %broadcast_in_dim3A_496 : vector<1024x1xi1> to vector<1024x256xi1>
    %select_n3A_498 = arith.select %broadcast_in_dim3A_497, %reshape3A_484, %reshape3A_488 : vector<1024x256xi1>, vector<1024x256xi32>
    %reshape3A_499 = vector.shape_cast %select_n3A_479 : vector<1024x256xi32> to vector<128x8x256xi32>
    %slice3A_500 = vector.extract_strided_slice %reshape3A_499 {offsets = [0, 1, 0], sizes = [128, 7, 256], strides = [1, 1, 1]} : vector<128x8x256xi32> to vector<128x7x256xi32>
    %slice3A_501 = vector.extract_strided_slice %reshape3A_499 {offsets = [0, 0, 0], sizes = [128, 1, 256], strides = [1, 1, 1]} : vector<128x8x256xi32> to vector<128x1x256xi32>
    %concatenate3A_502 = tpu.concatenate %slice3A_500, %slice3A_501 in 1 : vector<128x7x256xi32>, vector<128x1x256xi32> -> vector<128x8x256xi32>
    %reshape3A_503 = vector.shape_cast %concatenate3A_502 : vector<128x8x256xi32> to vector<1024x256xi32>
    %slice3A_504 = vector.extract_strided_slice %reshape3A_499 {offsets = [0, 7, 0], sizes = [128, 1, 256], strides = [1, 1, 1]} : vector<128x8x256xi32> to vector<128x1x256xi32>
    %slice3A_505 = vector.extract_strided_slice %reshape3A_499 {offsets = [0, 0, 0], sizes = [128, 7, 256], strides = [1, 1, 1]} : vector<128x8x256xi32> to vector<128x7x256xi32>
    %concatenate3A_506 = tpu.concatenate %slice3A_504, %slice3A_505 in 1 : vector<128x1x256xi32>, vector<128x7x256xi32> -> vector<128x8x256xi32>
    %reshape3A_507 = vector.shape_cast %concatenate3A_506 : vector<128x8x256xi32> to vector<1024x256xi32>
    %iota3A_508 = tpu.iota {dimensions = array<i32: 0>} : vector<1024x1xi32>
    %and3A_509 = arith.constant 1 : i32
    %and3A_510 = vector.broadcast %and3A_509 : i32 to vector<1024x1xi32>
    %and3A_511 = arith.andi %iota3A_508, %and3A_510 : vector<1024x1xi32>
    %eq3A_512 = arith.constant 0 : i32
    %eq3A_513 = vector.broadcast %eq3A_512 : i32 to vector<1024x1xi32>
    %eq3A_514 = arith.cmpi eq, %and3A_511, %eq3A_513 : vector<1024x1xi32>
    %broadcast_in_dim3A_515 = vector.shape_cast %eq3A_514 : vector<1024x1xi1> to vector<1024x1xi1>
    %broadcast_in_dim3A_516 = vector.broadcast %broadcast_in_dim3A_515 : vector<1024x1xi1> to vector<1024x256xi1>
    %select_n3A_517 = arith.select %broadcast_in_dim3A_516, %reshape3A_503, %reshape3A_507 : vector<1024x256xi1>, vector<1024x256xi32>
    %gt3A_518 = arith.cmpi sgt, %select_n3A_478, %select_n3A_498 : vector<1024x256xi32>
    %iota3A_519 = tpu.iota {dimensions = array<i32: 0>} : vector<1024x1xi32>
    %and3A_520 = arith.constant 1 : i32
    %and3A_521 = vector.broadcast %and3A_520 : i32 to vector<1024x1xi32>
    %and3A_522 = arith.andi %iota3A_519, %and3A_521 : vector<1024x1xi32>
    %eq3A_523 = arith.constant 0 : i32
    %eq3A_524 = vector.broadcast %eq3A_523 : i32 to vector<1024x1xi32>
    %eq3A_525 = arith.cmpi eq, %and3A_522, %eq3A_524 : vector<1024x1xi32>
    %and3A_526 = arith.constant 16 : i32
    %and3A_527 = vector.broadcast %and3A_526 : i32 to vector<1024x1xi32>
    %and3A_528 = arith.andi %iota3A_519, %and3A_527 : vector<1024x1xi32>
    %eq3A_529 = arith.constant 0 : i32
    %eq3A_530 = vector.broadcast %eq3A_529 : i32 to vector<1024x1xi32>
    %eq3A_531 = arith.cmpi eq, %and3A_528, %eq3A_530 : vector<1024x1xi32>
    %eq3A_532 = arith.xori %eq3A_525, %eq3A_531 : vector<1024x1xi1>
    %eq3A_533 = arith.constant dense<true> : vector<1024x1xi1>
    %eq3A_534 = arith.xori %eq3A_532, %eq3A_533 : vector<1024x1xi1>
    %eq3A_535 = vector.broadcast %eq3A_534 : vector<1024x1xi1> to vector<1024x256xi1>
    %eq3A_536 = vector.broadcast %eq3A_535 : vector<1024x256xi1> to vector<1024x256xi1>
    %eq3A_537 = arith.xori %gt3A_518, %eq3A_536 : vector<1024x256xi1>
    %eq3A_538 = arith.constant dense<true> : vector<1024x256xi1>
    %eq3A_539 = arith.xori %eq3A_537, %eq3A_538 : vector<1024x256xi1>
    %select_n3A_540 = arith.select %eq3A_539, %select_n3A_478, %select_n3A_498 : vector<1024x256xi1>, vector<1024x256xi32>
    %select_n3A_541 = arith.select %eq3A_539, %select_n3A_479, %select_n3A_517 : vector<1024x256xi1>, vector<1024x256xi32>
    %reshape3A_542 = vector.shape_cast %select_n3A_540 : vector<1024x256xi32> to vector<32x2x16x256xi32>
    %reshape3A_543 = vector.shape_cast %select_n3A_541 : vector<1024x256xi32> to vector<32x2x16x256xi32>
    %slice3A_544 = vector.extract_strided_slice %reshape3A_542 {offsets = [0, 0, 0, 0], sizes = [32, 1, 16, 256], strides = [1, 1, 1, 1]} : vector<32x2x16x256xi32> to vector<32x1x16x256xi32>
    %squeeze3A_545 = vector.shape_cast %slice3A_544 : vector<32x1x16x256xi32> to vector<32x16x256xi32>
    %slice3A_546 = vector.extract_strided_slice %reshape3A_542 {offsets = [0, 1, 0, 0], sizes = [32, 1, 16, 256], strides = [1, 1, 1, 1]} : vector<32x2x16x256xi32> to vector<32x1x16x256xi32>
    %squeeze3A_547 = vector.shape_cast %slice3A_546 : vector<32x1x16x256xi32> to vector<32x16x256xi32>
    %slice3A_548 = vector.extract_strided_slice %reshape3A_543 {offsets = [0, 0, 0, 0], sizes = [32, 1, 16, 256], strides = [1, 1, 1, 1]} : vector<32x2x16x256xi32> to vector<32x1x16x256xi32>
    %squeeze3A_549 = vector.shape_cast %slice3A_548 : vector<32x1x16x256xi32> to vector<32x16x256xi32>
    %slice3A_550 = vector.extract_strided_slice %reshape3A_543 {offsets = [0, 1, 0, 0], sizes = [32, 1, 16, 256], strides = [1, 1, 1, 1]} : vector<32x2x16x256xi32> to vector<32x1x16x256xi32>
    %squeeze3A_551 = vector.shape_cast %slice3A_550 : vector<32x1x16x256xi32> to vector<32x16x256xi32>
    %gt3A_552 = arith.cmpi sgt, %squeeze3A_545, %squeeze3A_547 : vector<32x16x256xi32>
    %iota3A_553 = tpu.iota {dimensions = array<i32: 0>} : vector<32x1x1xi32>
    %and3A_554 = arith.constant 1 : i32
    %and3A_555 = vector.broadcast %and3A_554 : i32 to vector<32x1x1xi32>
    %and3A_556 = arith.andi %iota3A_553, %and3A_555 : vector<32x1x1xi32>
    %eq3A_557 = arith.constant 0 : i32
    %eq3A_558 = vector.broadcast %eq3A_557 : i32 to vector<32x1x1xi32>
    %eq3A_559 = arith.cmpi eq, %and3A_556, %eq3A_558 : vector<32x1x1xi32>
    %xor3A_560 = vector.broadcast %eq3A_559 : vector<32x1x1xi1> to vector<32x16x256xi1>
    %xor3A_561 = arith.xori %gt3A_552, %xor3A_560 : vector<32x16x256xi1>
    %select_n3A_562 = arith.select %xor3A_561, %squeeze3A_547, %squeeze3A_545 : vector<32x16x256xi1>, vector<32x16x256xi32>
    %select_n3A_563 = arith.select %xor3A_561, %squeeze3A_545, %squeeze3A_547 : vector<32x16x256xi1>, vector<32x16x256xi32>
    %select_n3A_564 = arith.select %xor3A_561, %squeeze3A_551, %squeeze3A_549 : vector<32x16x256xi1>, vector<32x16x256xi32>
    %select_n3A_565 = arith.select %xor3A_561, %squeeze3A_549, %squeeze3A_551 : vector<32x16x256xi1>, vector<32x16x256xi32>
    %broadcast_in_dim3A_566 = vector.shape_cast %select_n3A_562 : vector<32x16x256xi32> to vector<32x1x16x256xi32>
    %broadcast_in_dim3A_567 = vector.shape_cast %select_n3A_563 : vector<32x16x256xi32> to vector<32x1x16x256xi32>
    %concatenate3A_568 = tpu.concatenate %broadcast_in_dim3A_566, %broadcast_in_dim3A_567 in 1 : vector<32x1x16x256xi32>, vector<32x1x16x256xi32> -> vector<32x2x16x256xi32>
    %reshape3A_569 = vector.shape_cast %concatenate3A_568 : vector<32x2x16x256xi32> to vector<1024x256xi32>
    %broadcast_in_dim3A_570 = vector.shape_cast %select_n3A_564 : vector<32x16x256xi32> to vector<32x1x16x256xi32>
    %broadcast_in_dim3A_571 = vector.shape_cast %select_n3A_565 : vector<32x16x256xi32> to vector<32x1x16x256xi32>
    %concatenate3A_572 = tpu.concatenate %broadcast_in_dim3A_570, %broadcast_in_dim3A_571 in 1 : vector<32x1x16x256xi32>, vector<32x1x16x256xi32> -> vector<32x2x16x256xi32>
    %reshape3A_573 = vector.shape_cast %concatenate3A_572 : vector<32x2x16x256xi32> to vector<1024x256xi32>
    %reshape3A_574 = vector.shape_cast %reshape3A_569 : vector<1024x256xi32> to vector<64x2x8x256xi32>
    %reshape3A_575 = vector.shape_cast %reshape3A_573 : vector<1024x256xi32> to vector<64x2x8x256xi32>
    %slice3A_576 = vector.extract_strided_slice %reshape3A_574 {offsets = [0, 0, 0, 0], sizes = [64, 1, 8, 256], strides = [1, 1, 1, 1]} : vector<64x2x8x256xi32> to vector<64x1x8x256xi32>
    %squeeze3A_577 = vector.shape_cast %slice3A_576 : vector<64x1x8x256xi32> to vector<64x8x256xi32>
    %slice3A_578 = vector.extract_strided_slice %reshape3A_574 {offsets = [0, 1, 0, 0], sizes = [64, 1, 8, 256], strides = [1, 1, 1, 1]} : vector<64x2x8x256xi32> to vector<64x1x8x256xi32>
    %squeeze3A_579 = vector.shape_cast %slice3A_578 : vector<64x1x8x256xi32> to vector<64x8x256xi32>
    %slice3A_580 = vector.extract_strided_slice %reshape3A_575 {offsets = [0, 0, 0, 0], sizes = [64, 1, 8, 256], strides = [1, 1, 1, 1]} : vector<64x2x8x256xi32> to vector<64x1x8x256xi32>
    %squeeze3A_581 = vector.shape_cast %slice3A_580 : vector<64x1x8x256xi32> to vector<64x8x256xi32>
    %slice3A_582 = vector.extract_strided_slice %reshape3A_575 {offsets = [0, 1, 0, 0], sizes = [64, 1, 8, 256], strides = [1, 1, 1, 1]} : vector<64x2x8x256xi32> to vector<64x1x8x256xi32>
    %squeeze3A_583 = vector.shape_cast %slice3A_582 : vector<64x1x8x256xi32> to vector<64x8x256xi32>
    %gt3A_584 = arith.cmpi sgt, %squeeze3A_577, %squeeze3A_579 : vector<64x8x256xi32>
    %iota3A_585 = tpu.iota {dimensions = array<i32: 0>} : vector<64x1x1xi32>
    %and3A_586 = arith.constant 2 : i32
    %and3A_587 = vector.broadcast %and3A_586 : i32 to vector<64x1x1xi32>
    %and3A_588 = arith.andi %iota3A_585, %and3A_587 : vector<64x1x1xi32>
    %eq3A_589 = arith.constant 0 : i32
    %eq3A_590 = vector.broadcast %eq3A_589 : i32 to vector<64x1x1xi32>
    %eq3A_591 = arith.cmpi eq, %and3A_588, %eq3A_590 : vector<64x1x1xi32>
    %xor3A_592 = vector.broadcast %eq3A_591 : vector<64x1x1xi1> to vector<64x8x256xi1>
    %xor3A_593 = arith.xori %gt3A_584, %xor3A_592 : vector<64x8x256xi1>
    %select_n3A_594 = arith.select %xor3A_593, %squeeze3A_579, %squeeze3A_577 : vector<64x8x256xi1>, vector<64x8x256xi32>
    %select_n3A_595 = arith.select %xor3A_593, %squeeze3A_577, %squeeze3A_579 : vector<64x8x256xi1>, vector<64x8x256xi32>
    %select_n3A_596 = arith.select %xor3A_593, %squeeze3A_583, %squeeze3A_581 : vector<64x8x256xi1>, vector<64x8x256xi32>
    %select_n3A_597 = arith.select %xor3A_593, %squeeze3A_581, %squeeze3A_583 : vector<64x8x256xi1>, vector<64x8x256xi32>
    %broadcast_in_dim3A_598 = vector.shape_cast %select_n3A_594 : vector<64x8x256xi32> to vector<64x1x8x256xi32>
    %broadcast_in_dim3A_599 = vector.shape_cast %select_n3A_595 : vector<64x8x256xi32> to vector<64x1x8x256xi32>
    %concatenate3A_600 = tpu.concatenate %broadcast_in_dim3A_598, %broadcast_in_dim3A_599 in 1 : vector<64x1x8x256xi32>, vector<64x1x8x256xi32> -> vector<64x2x8x256xi32>
    %reshape3A_601 = vector.shape_cast %concatenate3A_600 : vector<64x2x8x256xi32> to vector<1024x256xi32>
    %broadcast_in_dim3A_602 = vector.shape_cast %select_n3A_596 : vector<64x8x256xi32> to vector<64x1x8x256xi32>
    %broadcast_in_dim3A_603 = vector.shape_cast %select_n3A_597 : vector<64x8x256xi32> to vector<64x1x8x256xi32>
    %concatenate3A_604 = tpu.concatenate %broadcast_in_dim3A_602, %broadcast_in_dim3A_603 in 1 : vector<64x1x8x256xi32>, vector<64x1x8x256xi32> -> vector<64x2x8x256xi32>
    %reshape3A_605 = vector.shape_cast %concatenate3A_604 : vector<64x2x8x256xi32> to vector<1024x256xi32>
    %reshape3A_606 = vector.shape_cast %reshape3A_601 : vector<1024x256xi32> to vector<128x8x256xi32>
    %slice3A_607 = vector.extract_strided_slice %reshape3A_606 {offsets = [0, 4, 0], sizes = [128, 4, 256], strides = [1, 1, 1]} : vector<128x8x256xi32> to vector<128x4x256xi32>
    %slice3A_608 = vector.extract_strided_slice %reshape3A_606 {offsets = [0, 0, 0], sizes = [128, 4, 256], strides = [1, 1, 1]} : vector<128x8x256xi32> to vector<128x4x256xi32>
    %concatenate3A_609 = tpu.concatenate %slice3A_607, %slice3A_608 in 1 : vector<128x4x256xi32>, vector<128x4x256xi32> -> vector<128x8x256xi32>
    %reshape3A_610 = vector.shape_cast %concatenate3A_609 : vector<128x8x256xi32> to vector<1024x256xi32>
    %reshape3A_611 = vector.shape_cast %reshape3A_605 : vector<1024x256xi32> to vector<128x8x256xi32>
    %slice3A_612 = vector.extract_strided_slice %reshape3A_611 {offsets = [0, 4, 0], sizes = [128, 4, 256], strides = [1, 1, 1]} : vector<128x8x256xi32> to vector<128x4x256xi32>
    %slice3A_613 = vector.extract_strided_slice %reshape3A_611 {offsets = [0, 0, 0], sizes = [128, 4, 256], strides = [1, 1, 1]} : vector<128x8x256xi32> to vector<128x4x256xi32>
    %concatenate3A_614 = tpu.concatenate %slice3A_612, %slice3A_613 in 1 : vector<128x4x256xi32>, vector<128x4x256xi32> -> vector<128x8x256xi32>
    %reshape3A_615 = vector.shape_cast %concatenate3A_614 : vector<128x8x256xi32> to vector<1024x256xi32>
    %gt3A_616 = arith.cmpi sgt, %reshape3A_601, %reshape3A_610 : vector<1024x256xi32>
    %iota3A_617 = tpu.iota {dimensions = array<i32: 0>} : vector<1024x1xi32>
    %and3A_618 = arith.constant 4 : i32
    %and3A_619 = vector.broadcast %and3A_618 : i32 to vector<1024x1xi32>
    %and3A_620 = arith.andi %iota3A_617, %and3A_619 : vector<1024x1xi32>
    %eq3A_621 = arith.constant 0 : i32
    %eq3A_622 = vector.broadcast %eq3A_621 : i32 to vector<1024x1xi32>
    %eq3A_623 = arith.cmpi eq, %and3A_620, %eq3A_622 : vector<1024x1xi32>
    %and3A_624 = arith.constant 32 : i32
    %and3A_625 = vector.broadcast %and3A_624 : i32 to vector<1024x1xi32>
    %and3A_626 = arith.andi %iota3A_617, %and3A_625 : vector<1024x1xi32>
    %eq3A_627 = arith.constant 0 : i32
    %eq3A_628 = vector.broadcast %eq3A_627 : i32 to vector<1024x1xi32>
    %eq3A_629 = arith.cmpi eq, %and3A_626, %eq3A_628 : vector<1024x1xi32>
    %eq3A_630 = arith.xori %eq3A_623, %eq3A_629 : vector<1024x1xi1>
    %eq3A_631 = arith.constant dense<true> : vector<1024x1xi1>
    %eq3A_632 = arith.xori %eq3A_630, %eq3A_631 : vector<1024x1xi1>
    %eq3A_633 = vector.broadcast %eq3A_632 : vector<1024x1xi1> to vector<1024x256xi1>
    %eq3A_634 = vector.broadcast %eq3A_633 : vector<1024x256xi1> to vector<1024x256xi1>
    %eq3A_635 = arith.xori %gt3A_616, %eq3A_634 : vector<1024x256xi1>
    %eq3A_636 = arith.constant dense<true> : vector<1024x256xi1>
    %eq3A_637 = arith.xori %eq3A_635, %eq3A_636 : vector<1024x256xi1>
    %select_n3A_638 = arith.select %eq3A_637, %reshape3A_601, %reshape3A_610 : vector<1024x256xi1>, vector<1024x256xi32>
    %select_n3A_639 = arith.select %eq3A_637, %reshape3A_605, %reshape3A_615 : vector<1024x256xi1>, vector<1024x256xi32>
    %reshape3A_640 = vector.shape_cast %select_n3A_638 : vector<1024x256xi32> to vector<128x8x256xi32>
    %slice3A_641 = vector.extract_strided_slice %reshape3A_640 {offsets = [0, 2, 0], sizes = [128, 6, 256], strides = [1, 1, 1]} : vector<128x8x256xi32> to vector<128x6x256xi32>
    %slice3A_642 = vector.extract_strided_slice %reshape3A_640 {offsets = [0, 0, 0], sizes = [128, 2, 256], strides = [1, 1, 1]} : vector<128x8x256xi32> to vector<128x2x256xi32>
    %concatenate3A_643 = tpu.concatenate %slice3A_641, %slice3A_642 in 1 : vector<128x6x256xi32>, vector<128x2x256xi32> -> vector<128x8x256xi32>
    %reshape3A_644 = vector.shape_cast %concatenate3A_643 : vector<128x8x256xi32> to vector<1024x256xi32>
    %slice3A_645 = vector.extract_strided_slice %reshape3A_640 {offsets = [0, 6, 0], sizes = [128, 2, 256], strides = [1, 1, 1]} : vector<128x8x256xi32> to vector<128x2x256xi32>
    %slice3A_646 = vector.extract_strided_slice %reshape3A_640 {offsets = [0, 0, 0], sizes = [128, 6, 256], strides = [1, 1, 1]} : vector<128x8x256xi32> to vector<128x6x256xi32>
    %concatenate3A_647 = tpu.concatenate %slice3A_645, %slice3A_646 in 1 : vector<128x2x256xi32>, vector<128x6x256xi32> -> vector<128x8x256xi32>
    %reshape3A_648 = vector.shape_cast %concatenate3A_647 : vector<128x8x256xi32> to vector<1024x256xi32>
    %iota3A_649 = tpu.iota {dimensions = array<i32: 0>} : vector<1024x1xi32>
    %and3A_650 = arith.constant 2 : i32
    %and3A_651 = vector.broadcast %and3A_650 : i32 to vector<1024x1xi32>
    %and3A_652 = arith.andi %iota3A_649, %and3A_651 : vector<1024x1xi32>
    %eq3A_653 = arith.constant 0 : i32
    %eq3A_654 = vector.broadcast %eq3A_653 : i32 to vector<1024x1xi32>
    %eq3A_655 = arith.cmpi eq, %and3A_652, %eq3A_654 : vector<1024x1xi32>
    %broadcast_in_dim3A_656 = vector.shape_cast %eq3A_655 : vector<1024x1xi1> to vector<1024x1xi1>
    %broadcast_in_dim3A_657 = vector.broadcast %broadcast_in_dim3A_656 : vector<1024x1xi1> to vector<1024x256xi1>
    %select_n3A_658 = arith.select %broadcast_in_dim3A_657, %reshape3A_644, %reshape3A_648 : vector<1024x256xi1>, vector<1024x256xi32>
    %reshape3A_659 = vector.shape_cast %select_n3A_639 : vector<1024x256xi32> to vector<128x8x256xi32>
    %slice3A_660 = vector.extract_strided_slice %reshape3A_659 {offsets = [0, 2, 0], sizes = [128, 6, 256], strides = [1, 1, 1]} : vector<128x8x256xi32> to vector<128x6x256xi32>
    %slice3A_661 = vector.extract_strided_slice %reshape3A_659 {offsets = [0, 0, 0], sizes = [128, 2, 256], strides = [1, 1, 1]} : vector<128x8x256xi32> to vector<128x2x256xi32>
    %concatenate3A_662 = tpu.concatenate %slice3A_660, %slice3A_661 in 1 : vector<128x6x256xi32>, vector<128x2x256xi32> -> vector<128x8x256xi32>
    %reshape3A_663 = vector.shape_cast %concatenate3A_662 : vector<128x8x256xi32> to vector<1024x256xi32>
    %slice3A_664 = vector.extract_strided_slice %reshape3A_659 {offsets = [0, 6, 0], sizes = [128, 2, 256], strides = [1, 1, 1]} : vector<128x8x256xi32> to vector<128x2x256xi32>
    %slice3A_665 = vector.extract_strided_slice %reshape3A_659 {offsets = [0, 0, 0], sizes = [128, 6, 256], strides = [1, 1, 1]} : vector<128x8x256xi32> to vector<128x6x256xi32>
    %concatenate3A_666 = tpu.concatenate %slice3A_664, %slice3A_665 in 1 : vector<128x2x256xi32>, vector<128x6x256xi32> -> vector<128x8x256xi32>
    %reshape3A_667 = vector.shape_cast %concatenate3A_666 : vector<128x8x256xi32> to vector<1024x256xi32>
    %iota3A_668 = tpu.iota {dimensions = array<i32: 0>} : vector<1024x1xi32>
    %and3A_669 = arith.constant 2 : i32
    %and3A_670 = vector.broadcast %and3A_669 : i32 to vector<1024x1xi32>
    %and3A_671 = arith.andi %iota3A_668, %and3A_670 : vector<1024x1xi32>
    %eq3A_672 = arith.constant 0 : i32
    %eq3A_673 = vector.broadcast %eq3A_672 : i32 to vector<1024x1xi32>
    %eq3A_674 = arith.cmpi eq, %and3A_671, %eq3A_673 : vector<1024x1xi32>
    %broadcast_in_dim3A_675 = vector.shape_cast %eq3A_674 : vector<1024x1xi1> to vector<1024x1xi1>
    %broadcast_in_dim3A_676 = vector.broadcast %broadcast_in_dim3A_675 : vector<1024x1xi1> to vector<1024x256xi1>
    %select_n3A_677 = arith.select %broadcast_in_dim3A_676, %reshape3A_663, %reshape3A_667 : vector<1024x256xi1>, vector<1024x256xi32>
    %gt3A_678 = arith.cmpi sgt, %select_n3A_638, %select_n3A_658 : vector<1024x256xi32>
    %iota3A_679 = tpu.iota {dimensions = array<i32: 0>} : vector<1024x1xi32>
    %and3A_680 = arith.constant 2 : i32
    %and3A_681 = vector.broadcast %and3A_680 : i32 to vector<1024x1xi32>
    %and3A_682 = arith.andi %iota3A_679, %and3A_681 : vector<1024x1xi32>
    %eq3A_683 = arith.constant 0 : i32
    %eq3A_684 = vector.broadcast %eq3A_683 : i32 to vector<1024x1xi32>
    %eq3A_685 = arith.cmpi eq, %and3A_682, %eq3A_684 : vector<1024x1xi32>
    %and3A_686 = arith.constant 32 : i32
    %and3A_687 = vector.broadcast %and3A_686 : i32 to vector<1024x1xi32>
    %and3A_688 = arith.andi %iota3A_679, %and3A_687 : vector<1024x1xi32>
    %eq3A_689 = arith.constant 0 : i32
    %eq3A_690 = vector.broadcast %eq3A_689 : i32 to vector<1024x1xi32>
    %eq3A_691 = arith.cmpi eq, %and3A_688, %eq3A_690 : vector<1024x1xi32>
    %eq3A_692 = arith.xori %eq3A_685, %eq3A_691 : vector<1024x1xi1>
    %eq3A_693 = arith.constant dense<true> : vector<1024x1xi1>
    %eq3A_694 = arith.xori %eq3A_692, %eq3A_693 : vector<1024x1xi1>
    %eq3A_695 = vector.broadcast %eq3A_694 : vector<1024x1xi1> to vector<1024x256xi1>
    %eq3A_696 = vector.broadcast %eq3A_695 : vector<1024x256xi1> to vector<1024x256xi1>
    %eq3A_697 = arith.xori %gt3A_678, %eq3A_696 : vector<1024x256xi1>
    %eq3A_698 = arith.constant dense<true> : vector<1024x256xi1>
    %eq3A_699 = arith.xori %eq3A_697, %eq3A_698 : vector<1024x256xi1>
    %select_n3A_700 = arith.select %eq3A_699, %select_n3A_638, %select_n3A_658 : vector<1024x256xi1>, vector<1024x256xi32>
    %select_n3A_701 = arith.select %eq3A_699, %select_n3A_639, %select_n3A_677 : vector<1024x256xi1>, vector<1024x256xi32>
    %reshape3A_702 = vector.shape_cast %select_n3A_700 : vector<1024x256xi32> to vector<128x8x256xi32>
    %slice3A_703 = vector.extract_strided_slice %reshape3A_702 {offsets = [0, 1, 0], sizes = [128, 7, 256], strides = [1, 1, 1]} : vector<128x8x256xi32> to vector<128x7x256xi32>
    %slice3A_704 = vector.extract_strided_slice %reshape3A_702 {offsets = [0, 0, 0], sizes = [128, 1, 256], strides = [1, 1, 1]} : vector<128x8x256xi32> to vector<128x1x256xi32>
    %concatenate3A_705 = tpu.concatenate %slice3A_703, %slice3A_704 in 1 : vector<128x7x256xi32>, vector<128x1x256xi32> -> vector<128x8x256xi32>
    %reshape3A_706 = vector.shape_cast %concatenate3A_705 : vector<128x8x256xi32> to vector<1024x256xi32>
    %slice3A_707 = vector.extract_strided_slice %reshape3A_702 {offsets = [0, 7, 0], sizes = [128, 1, 256], strides = [1, 1, 1]} : vector<128x8x256xi32> to vector<128x1x256xi32>
    %slice3A_708 = vector.extract_strided_slice %reshape3A_702 {offsets = [0, 0, 0], sizes = [128, 7, 256], strides = [1, 1, 1]} : vector<128x8x256xi32> to vector<128x7x256xi32>
    %concatenate3A_709 = tpu.concatenate %slice3A_707, %slice3A_708 in 1 : vector<128x1x256xi32>, vector<128x7x256xi32> -> vector<128x8x256xi32>
    %reshape3A_710 = vector.shape_cast %concatenate3A_709 : vector<128x8x256xi32> to vector<1024x256xi32>
    %iota3A_711 = tpu.iota {dimensions = array<i32: 0>} : vector<1024x1xi32>
    %and3A_712 = arith.constant 1 : i32
    %and3A_713 = vector.broadcast %and3A_712 : i32 to vector<1024x1xi32>
    %and3A_714 = arith.andi %iota3A_711, %and3A_713 : vector<1024x1xi32>
    %eq3A_715 = arith.constant 0 : i32
    %eq3A_716 = vector.broadcast %eq3A_715 : i32 to vector<1024x1xi32>
    %eq3A_717 = arith.cmpi eq, %and3A_714, %eq3A_716 : vector<1024x1xi32>
    %broadcast_in_dim3A_718 = vector.shape_cast %eq3A_717 : vector<1024x1xi1> to vector<1024x1xi1>
    %broadcast_in_dim3A_719 = vector.broadcast %broadcast_in_dim3A_718 : vector<1024x1xi1> to vector<1024x256xi1>
    %select_n3A_720 = arith.select %broadcast_in_dim3A_719, %reshape3A_706, %reshape3A_710 : vector<1024x256xi1>, vector<1024x256xi32>
    %reshape3A_721 = vector.shape_cast %select_n3A_701 : vector<1024x256xi32> to vector<128x8x256xi32>
    %slice3A_722 = vector.extract_strided_slice %reshape3A_721 {offsets = [0, 1, 0], sizes = [128, 7, 256], strides = [1, 1, 1]} : vector<128x8x256xi32> to vector<128x7x256xi32>
    %slice3A_723 = vector.extract_strided_slice %reshape3A_721 {offsets = [0, 0, 0], sizes = [128, 1, 256], strides = [1, 1, 1]} : vector<128x8x256xi32> to vector<128x1x256xi32>
    %concatenate3A_724 = tpu.concatenate %slice3A_722, %slice3A_723 in 1 : vector<128x7x256xi32>, vector<128x1x256xi32> -> vector<128x8x256xi32>
    %reshape3A_725 = vector.shape_cast %concatenate3A_724 : vector<128x8x256xi32> to vector<1024x256xi32>
    %slice3A_726 = vector.extract_strided_slice %reshape3A_721 {offsets = [0, 7, 0], sizes = [128, 1, 256], strides = [1, 1, 1]} : vector<128x8x256xi32> to vector<128x1x256xi32>
    %slice3A_727 = vector.extract_strided_slice %reshape3A_721 {offsets = [0, 0, 0], sizes = [128, 7, 256], strides = [1, 1, 1]} : vector<128x8x256xi32> to vector<128x7x256xi32>
    %concatenate3A_728 = tpu.concatenate %slice3A_726, %slice3A_727 in 1 : vector<128x1x256xi32>, vector<128x7x256xi32> -> vector<128x8x256xi32>
    %reshape3A_729 = vector.shape_cast %concatenate3A_728 : vector<128x8x256xi32> to vector<1024x256xi32>
    %iota3A_730 = tpu.iota {dimensions = array<i32: 0>} : vector<1024x1xi32>
    %and3A_731 = arith.constant 1 : i32
    %and3A_732 = vector.broadcast %and3A_731 : i32 to vector<1024x1xi32>
    %and3A_733 = arith.andi %iota3A_730, %and3A_732 : vector<1024x1xi32>
    %eq3A_734 = arith.constant 0 : i32
    %eq3A_735 = vector.broadcast %eq3A_734 : i32 to vector<1024x1xi32>
    %eq3A_736 = arith.cmpi eq, %and3A_733, %eq3A_735 : vector<1024x1xi32>
    %broadcast_in_dim3A_737 = vector.shape_cast %eq3A_736 : vector<1024x1xi1> to vector<1024x1xi1>
    %broadcast_in_dim3A_738 = vector.broadcast %broadcast_in_dim3A_737 : vector<1024x1xi1> to vector<1024x256xi1>
    %select_n3A_739 = arith.select %broadcast_in_dim3A_738, %reshape3A_725, %reshape3A_729 : vector<1024x256xi1>, vector<1024x256xi32>
    %gt3A_740 = arith.cmpi sgt, %select_n3A_700, %select_n3A_720 : vector<1024x256xi32>
    %iota3A_741 = tpu.iota {dimensions = array<i32: 0>} : vector<1024x1xi32>
    %and3A_742 = arith.constant 1 : i32
    %and3A_743 = vector.broadcast %and3A_742 : i32 to vector<1024x1xi32>
    %and3A_744 = arith.andi %iota3A_741, %and3A_743 : vector<1024x1xi32>
    %eq3A_745 = arith.constant 0 : i32
    %eq3A_746 = vector.broadcast %eq3A_745 : i32 to vector<1024x1xi32>
    %eq3A_747 = arith.cmpi eq, %and3A_744, %eq3A_746 : vector<1024x1xi32>
    %and3A_748 = arith.constant 32 : i32
    %and3A_749 = vector.broadcast %and3A_748 : i32 to vector<1024x1xi32>
    %and3A_750 = arith.andi %iota3A_741, %and3A_749 : vector<1024x1xi32>
    %eq3A_751 = arith.constant 0 : i32
    %eq3A_752 = vector.broadcast %eq3A_751 : i32 to vector<1024x1xi32>
    %eq3A_753 = arith.cmpi eq, %and3A_750, %eq3A_752 : vector<1024x1xi32>
    %eq3A_754 = arith.xori %eq3A_747, %eq3A_753 : vector<1024x1xi1>
    %eq3A_755 = arith.constant dense<true> : vector<1024x1xi1>
    %eq3A_756 = arith.xori %eq3A_754, %eq3A_755 : vector<1024x1xi1>
    %eq3A_757 = vector.broadcast %eq3A_756 : vector<1024x1xi1> to vector<1024x256xi1>
    %eq3A_758 = vector.broadcast %eq3A_757 : vector<1024x256xi1> to vector<1024x256xi1>
    %eq3A_759 = arith.xori %gt3A_740, %eq3A_758 : vector<1024x256xi1>
    %eq3A_760 = arith.constant dense<true> : vector<1024x256xi1>
    %eq3A_761 = arith.xori %eq3A_759, %eq3A_760 : vector<1024x256xi1>
    %select_n3A_762 = arith.select %eq3A_761, %select_n3A_700, %select_n3A_720 : vector<1024x256xi1>, vector<1024x256xi32>
    %select_n3A_763 = arith.select %eq3A_761, %select_n3A_701, %select_n3A_739 : vector<1024x256xi1>, vector<1024x256xi32>
    %reshape3A_764 = vector.shape_cast %select_n3A_762 : vector<1024x256xi32> to vector<16x2x32x256xi32>
    %reshape3A_765 = vector.shape_cast %select_n3A_763 : vector<1024x256xi32> to vector<16x2x32x256xi32>
    %slice3A_766 = vector.extract_strided_slice %reshape3A_764 {offsets = [0, 0, 0, 0], sizes = [16, 1, 32, 256], strides = [1, 1, 1, 1]} : vector<16x2x32x256xi32> to vector<16x1x32x256xi32>
    %squeeze3A_767 = vector.shape_cast %slice3A_766 : vector<16x1x32x256xi32> to vector<16x32x256xi32>
    %slice3A_768 = vector.extract_strided_slice %reshape3A_764 {offsets = [0, 1, 0, 0], sizes = [16, 1, 32, 256], strides = [1, 1, 1, 1]} : vector<16x2x32x256xi32> to vector<16x1x32x256xi32>
    %squeeze3A_769 = vector.shape_cast %slice3A_768 : vector<16x1x32x256xi32> to vector<16x32x256xi32>
    %slice3A_770 = vector.extract_strided_slice %reshape3A_765 {offsets = [0, 0, 0, 0], sizes = [16, 1, 32, 256], strides = [1, 1, 1, 1]} : vector<16x2x32x256xi32> to vector<16x1x32x256xi32>
    %squeeze3A_771 = vector.shape_cast %slice3A_770 : vector<16x1x32x256xi32> to vector<16x32x256xi32>
    %slice3A_772 = vector.extract_strided_slice %reshape3A_765 {offsets = [0, 1, 0, 0], sizes = [16, 1, 32, 256], strides = [1, 1, 1, 1]} : vector<16x2x32x256xi32> to vector<16x1x32x256xi32>
    %squeeze3A_773 = vector.shape_cast %slice3A_772 : vector<16x1x32x256xi32> to vector<16x32x256xi32>
    %gt3A_774 = arith.cmpi sgt, %squeeze3A_767, %squeeze3A_769 : vector<16x32x256xi32>
    %iota3A_775 = tpu.iota {dimensions = array<i32: 0>} : vector<16x1x1xi32>
    %and3A_776 = arith.constant 1 : i32
    %and3A_777 = vector.broadcast %and3A_776 : i32 to vector<16x1x1xi32>
    %and3A_778 = arith.andi %iota3A_775, %and3A_777 : vector<16x1x1xi32>
    %eq3A_779 = arith.constant 0 : i32
    %eq3A_780 = vector.broadcast %eq3A_779 : i32 to vector<16x1x1xi32>
    %eq3A_781 = arith.cmpi eq, %and3A_778, %eq3A_780 : vector<16x1x1xi32>
    %xor3A_782 = vector.broadcast %eq3A_781 : vector<16x1x1xi1> to vector<16x32x256xi1>
    %xor3A_783 = arith.xori %gt3A_774, %xor3A_782 : vector<16x32x256xi1>
    %select_n3A_784 = arith.select %xor3A_783, %squeeze3A_769, %squeeze3A_767 : vector<16x32x256xi1>, vector<16x32x256xi32>
    %select_n3A_785 = arith.select %xor3A_783, %squeeze3A_767, %squeeze3A_769 : vector<16x32x256xi1>, vector<16x32x256xi32>
    %select_n3A_786 = arith.select %xor3A_783, %squeeze3A_773, %squeeze3A_771 : vector<16x32x256xi1>, vector<16x32x256xi32>
    %select_n3A_787 = arith.select %xor3A_783, %squeeze3A_771, %squeeze3A_773 : vector<16x32x256xi1>, vector<16x32x256xi32>
    %broadcast_in_dim3A_788 = vector.shape_cast %select_n3A_784 : vector<16x32x256xi32> to vector<16x1x32x256xi32>
    %broadcast_in_dim3A_789 = vector.shape_cast %select_n3A_785 : vector<16x32x256xi32> to vector<16x1x32x256xi32>
    %concatenate3A_790 = tpu.concatenate %broadcast_in_dim3A_788, %broadcast_in_dim3A_789 in 1 : vector<16x1x32x256xi32>, vector<16x1x32x256xi32> -> vector<16x2x32x256xi32>
    %reshape3A_791 = vector.shape_cast %concatenate3A_790 : vector<16x2x32x256xi32> to vector<1024x256xi32>
    %broadcast_in_dim3A_792 = vector.shape_cast %select_n3A_786 : vector<16x32x256xi32> to vector<16x1x32x256xi32>
    %broadcast_in_dim3A_793 = vector.shape_cast %select_n3A_787 : vector<16x32x256xi32> to vector<16x1x32x256xi32>
    %concatenate3A_794 = tpu.concatenate %broadcast_in_dim3A_792, %broadcast_in_dim3A_793 in 1 : vector<16x1x32x256xi32>, vector<16x1x32x256xi32> -> vector<16x2x32x256xi32>
    %reshape3A_795 = vector.shape_cast %concatenate3A_794 : vector<16x2x32x256xi32> to vector<1024x256xi32>
    %reshape3A_796 = vector.shape_cast %reshape3A_791 : vector<1024x256xi32> to vector<32x2x16x256xi32>
    %reshape3A_797 = vector.shape_cast %reshape3A_795 : vector<1024x256xi32> to vector<32x2x16x256xi32>
    %slice3A_798 = vector.extract_strided_slice %reshape3A_796 {offsets = [0, 0, 0, 0], sizes = [32, 1, 16, 256], strides = [1, 1, 1, 1]} : vector<32x2x16x256xi32> to vector<32x1x16x256xi32>
    %squeeze3A_799 = vector.shape_cast %slice3A_798 : vector<32x1x16x256xi32> to vector<32x16x256xi32>
    %slice3A_800 = vector.extract_strided_slice %reshape3A_796 {offsets = [0, 1, 0, 0], sizes = [32, 1, 16, 256], strides = [1, 1, 1, 1]} : vector<32x2x16x256xi32> to vector<32x1x16x256xi32>
    %squeeze3A_801 = vector.shape_cast %slice3A_800 : vector<32x1x16x256xi32> to vector<32x16x256xi32>
    %slice3A_802 = vector.extract_strided_slice %reshape3A_797 {offsets = [0, 0, 0, 0], sizes = [32, 1, 16, 256], strides = [1, 1, 1, 1]} : vector<32x2x16x256xi32> to vector<32x1x16x256xi32>
    %squeeze3A_803 = vector.shape_cast %slice3A_802 : vector<32x1x16x256xi32> to vector<32x16x256xi32>
    %slice3A_804 = vector.extract_strided_slice %reshape3A_797 {offsets = [0, 1, 0, 0], sizes = [32, 1, 16, 256], strides = [1, 1, 1, 1]} : vector<32x2x16x256xi32> to vector<32x1x16x256xi32>
    %squeeze3A_805 = vector.shape_cast %slice3A_804 : vector<32x1x16x256xi32> to vector<32x16x256xi32>
    %gt3A_806 = arith.cmpi sgt, %squeeze3A_799, %squeeze3A_801 : vector<32x16x256xi32>
    %iota3A_807 = tpu.iota {dimensions = array<i32: 0>} : vector<32x1x1xi32>
    %and3A_808 = arith.constant 2 : i32
    %and3A_809 = vector.broadcast %and3A_808 : i32 to vector<32x1x1xi32>
    %and3A_810 = arith.andi %iota3A_807, %and3A_809 : vector<32x1x1xi32>
    %eq3A_811 = arith.constant 0 : i32
    %eq3A_812 = vector.broadcast %eq3A_811 : i32 to vector<32x1x1xi32>
    %eq3A_813 = arith.cmpi eq, %and3A_810, %eq3A_812 : vector<32x1x1xi32>
    %xor3A_814 = vector.broadcast %eq3A_813 : vector<32x1x1xi1> to vector<32x16x256xi1>
    %xor3A_815 = arith.xori %gt3A_806, %xor3A_814 : vector<32x16x256xi1>
    %select_n3A_816 = arith.select %xor3A_815, %squeeze3A_801, %squeeze3A_799 : vector<32x16x256xi1>, vector<32x16x256xi32>
    %select_n3A_817 = arith.select %xor3A_815, %squeeze3A_799, %squeeze3A_801 : vector<32x16x256xi1>, vector<32x16x256xi32>
    %select_n3A_818 = arith.select %xor3A_815, %squeeze3A_805, %squeeze3A_803 : vector<32x16x256xi1>, vector<32x16x256xi32>
    %select_n3A_819 = arith.select %xor3A_815, %squeeze3A_803, %squeeze3A_805 : vector<32x16x256xi1>, vector<32x16x256xi32>
    %broadcast_in_dim3A_820 = vector.shape_cast %select_n3A_816 : vector<32x16x256xi32> to vector<32x1x16x256xi32>
    %broadcast_in_dim3A_821 = vector.shape_cast %select_n3A_817 : vector<32x16x256xi32> to vector<32x1x16x256xi32>
    %concatenate3A_822 = tpu.concatenate %broadcast_in_dim3A_820, %broadcast_in_dim3A_821 in 1 : vector<32x1x16x256xi32>, vector<32x1x16x256xi32> -> vector<32x2x16x256xi32>
    %reshape3A_823 = vector.shape_cast %concatenate3A_822 : vector<32x2x16x256xi32> to vector<1024x256xi32>
    %broadcast_in_dim3A_824 = vector.shape_cast %select_n3A_818 : vector<32x16x256xi32> to vector<32x1x16x256xi32>
    %broadcast_in_dim3A_825 = vector.shape_cast %select_n3A_819 : vector<32x16x256xi32> to vector<32x1x16x256xi32>
    %concatenate3A_826 = tpu.concatenate %broadcast_in_dim3A_824, %broadcast_in_dim3A_825 in 1 : vector<32x1x16x256xi32>, vector<32x1x16x256xi32> -> vector<32x2x16x256xi32>
    %reshape3A_827 = vector.shape_cast %concatenate3A_826 : vector<32x2x16x256xi32> to vector<1024x256xi32>
    %reshape3A_828 = vector.shape_cast %reshape3A_823 : vector<1024x256xi32> to vector<64x2x8x256xi32>
    %reshape3A_829 = vector.shape_cast %reshape3A_827 : vector<1024x256xi32> to vector<64x2x8x256xi32>
    %slice3A_830 = vector.extract_strided_slice %reshape3A_828 {offsets = [0, 0, 0, 0], sizes = [64, 1, 8, 256], strides = [1, 1, 1, 1]} : vector<64x2x8x256xi32> to vector<64x1x8x256xi32>
    %squeeze3A_831 = vector.shape_cast %slice3A_830 : vector<64x1x8x256xi32> to vector<64x8x256xi32>
    %slice3A_832 = vector.extract_strided_slice %reshape3A_828 {offsets = [0, 1, 0, 0], sizes = [64, 1, 8, 256], strides = [1, 1, 1, 1]} : vector<64x2x8x256xi32> to vector<64x1x8x256xi32>
    %squeeze3A_833 = vector.shape_cast %slice3A_832 : vector<64x1x8x256xi32> to vector<64x8x256xi32>
    %slice3A_834 = vector.extract_strided_slice %reshape3A_829 {offsets = [0, 0, 0, 0], sizes = [64, 1, 8, 256], strides = [1, 1, 1, 1]} : vector<64x2x8x256xi32> to vector<64x1x8x256xi32>
    %squeeze3A_835 = vector.shape_cast %slice3A_834 : vector<64x1x8x256xi32> to vector<64x8x256xi32>
    %slice3A_836 = vector.extract_strided_slice %reshape3A_829 {offsets = [0, 1, 0, 0], sizes = [64, 1, 8, 256], strides = [1, 1, 1, 1]} : vector<64x2x8x256xi32> to vector<64x1x8x256xi32>
    %squeeze3A_837 = vector.shape_cast %slice3A_836 : vector<64x1x8x256xi32> to vector<64x8x256xi32>
    %gt3A_838 = arith.cmpi sgt, %squeeze3A_831, %squeeze3A_833 : vector<64x8x256xi32>
    %iota3A_839 = tpu.iota {dimensions = array<i32: 0>} : vector<64x1x1xi32>
    %and3A_840 = arith.constant 4 : i32
    %and3A_841 = vector.broadcast %and3A_840 : i32 to vector<64x1x1xi32>
    %and3A_842 = arith.andi %iota3A_839, %and3A_841 : vector<64x1x1xi32>
    %eq3A_843 = arith.constant 0 : i32
    %eq3A_844 = vector.broadcast %eq3A_843 : i32 to vector<64x1x1xi32>
    %eq3A_845 = arith.cmpi eq, %and3A_842, %eq3A_844 : vector<64x1x1xi32>
    %xor3A_846 = vector.broadcast %eq3A_845 : vector<64x1x1xi1> to vector<64x8x256xi1>
    %xor3A_847 = arith.xori %gt3A_838, %xor3A_846 : vector<64x8x256xi1>
    %select_n3A_848 = arith.select %xor3A_847, %squeeze3A_833, %squeeze3A_831 : vector<64x8x256xi1>, vector<64x8x256xi32>
    %select_n3A_849 = arith.select %xor3A_847, %squeeze3A_831, %squeeze3A_833 : vector<64x8x256xi1>, vector<64x8x256xi32>
    %select_n3A_850 = arith.select %xor3A_847, %squeeze3A_837, %squeeze3A_835 : vector<64x8x256xi1>, vector<64x8x256xi32>
    %select_n3A_851 = arith.select %xor3A_847, %squeeze3A_835, %squeeze3A_837 : vector<64x8x256xi1>, vector<64x8x256xi32>
    %broadcast_in_dim3A_852 = vector.shape_cast %select_n3A_848 : vector<64x8x256xi32> to vector<64x1x8x256xi32>
    %broadcast_in_dim3A_853 = vector.shape_cast %select_n3A_849 : vector<64x8x256xi32> to vector<64x1x8x256xi32>
    %concatenate3A_854 = tpu.concatenate %broadcast_in_dim3A_852, %broadcast_in_dim3A_853 in 1 : vector<64x1x8x256xi32>, vector<64x1x8x256xi32> -> vector<64x2x8x256xi32>
    %reshape3A_855 = vector.shape_cast %concatenate3A_854 : vector<64x2x8x256xi32> to vector<1024x256xi32>
    %broadcast_in_dim3A_856 = vector.shape_cast %select_n3A_850 : vector<64x8x256xi32> to vector<64x1x8x256xi32>
    %broadcast_in_dim3A_857 = vector.shape_cast %select_n3A_851 : vector<64x8x256xi32> to vector<64x1x8x256xi32>
    %concatenate3A_858 = tpu.concatenate %broadcast_in_dim3A_856, %broadcast_in_dim3A_857 in 1 : vector<64x1x8x256xi32>, vector<64x1x8x256xi32> -> vector<64x2x8x256xi32>
    %reshape3A_859 = vector.shape_cast %concatenate3A_858 : vector<64x2x8x256xi32> to vector<1024x256xi32>
    %reshape3A_860 = vector.shape_cast %reshape3A_855 : vector<1024x256xi32> to vector<128x8x256xi32>
    %slice3A_861 = vector.extract_strided_slice %reshape3A_860 {offsets = [0, 4, 0], sizes = [128, 4, 256], strides = [1, 1, 1]} : vector<128x8x256xi32> to vector<128x4x256xi32>
    %slice3A_862 = vector.extract_strided_slice %reshape3A_860 {offsets = [0, 0, 0], sizes = [128, 4, 256], strides = [1, 1, 1]} : vector<128x8x256xi32> to vector<128x4x256xi32>
    %concatenate3A_863 = tpu.concatenate %slice3A_861, %slice3A_862 in 1 : vector<128x4x256xi32>, vector<128x4x256xi32> -> vector<128x8x256xi32>
    %reshape3A_864 = vector.shape_cast %concatenate3A_863 : vector<128x8x256xi32> to vector<1024x256xi32>
    %reshape3A_865 = vector.shape_cast %reshape3A_859 : vector<1024x256xi32> to vector<128x8x256xi32>
    %slice3A_866 = vector.extract_strided_slice %reshape3A_865 {offsets = [0, 4, 0], sizes = [128, 4, 256], strides = [1, 1, 1]} : vector<128x8x256xi32> to vector<128x4x256xi32>
    %slice3A_867 = vector.extract_strided_slice %reshape3A_865 {offsets = [0, 0, 0], sizes = [128, 4, 256], strides = [1, 1, 1]} : vector<128x8x256xi32> to vector<128x4x256xi32>
    %concatenate3A_868 = tpu.concatenate %slice3A_866, %slice3A_867 in 1 : vector<128x4x256xi32>, vector<128x4x256xi32> -> vector<128x8x256xi32>
    %reshape3A_869 = vector.shape_cast %concatenate3A_868 : vector<128x8x256xi32> to vector<1024x256xi32>
    %gt3A_870 = arith.cmpi sgt, %reshape3A_855, %reshape3A_864 : vector<1024x256xi32>
    %iota3A_871 = tpu.iota {dimensions = array<i32: 0>} : vector<1024x1xi32>
    %and3A_872 = arith.constant 4 : i32
    %and3A_873 = vector.broadcast %and3A_872 : i32 to vector<1024x1xi32>
    %and3A_874 = arith.andi %iota3A_871, %and3A_873 : vector<1024x1xi32>
    %eq3A_875 = arith.constant 0 : i32
    %eq3A_876 = vector.broadcast %eq3A_875 : i32 to vector<1024x1xi32>
    %eq3A_877 = arith.cmpi eq, %and3A_874, %eq3A_876 : vector<1024x1xi32>
    %and3A_878 = arith.constant 64 : i32
    %and3A_879 = vector.broadcast %and3A_878 : i32 to vector<1024x1xi32>
    %and3A_880 = arith.andi %iota3A_871, %and3A_879 : vector<1024x1xi32>
    %eq3A_881 = arith.constant 0 : i32
    %eq3A_882 = vector.broadcast %eq3A_881 : i32 to vector<1024x1xi32>
    %eq3A_883 = arith.cmpi eq, %and3A_880, %eq3A_882 : vector<1024x1xi32>
    %eq3A_884 = arith.xori %eq3A_877, %eq3A_883 : vector<1024x1xi1>
    %eq3A_885 = arith.constant dense<true> : vector<1024x1xi1>
    %eq3A_886 = arith.xori %eq3A_884, %eq3A_885 : vector<1024x1xi1>
    %eq3A_887 = vector.broadcast %eq3A_886 : vector<1024x1xi1> to vector<1024x256xi1>
    %eq3A_888 = vector.broadcast %eq3A_887 : vector<1024x256xi1> to vector<1024x256xi1>
    %eq3A_889 = arith.xori %gt3A_870, %eq3A_888 : vector<1024x256xi1>
    %eq3A_890 = arith.constant dense<true> : vector<1024x256xi1>
    %eq3A_891 = arith.xori %eq3A_889, %eq3A_890 : vector<1024x256xi1>
    %select_n3A_892 = arith.select %eq3A_891, %reshape3A_855, %reshape3A_864 : vector<1024x256xi1>, vector<1024x256xi32>
    %select_n3A_893 = arith.select %eq3A_891, %reshape3A_859, %reshape3A_869 : vector<1024x256xi1>, vector<1024x256xi32>
    %reshape3A_894 = vector.shape_cast %select_n3A_892 : vector<1024x256xi32> to vector<128x8x256xi32>
    %slice3A_895 = vector.extract_strided_slice %reshape3A_894 {offsets = [0, 2, 0], sizes = [128, 6, 256], strides = [1, 1, 1]} : vector<128x8x256xi32> to vector<128x6x256xi32>
    %slice3A_896 = vector.extract_strided_slice %reshape3A_894 {offsets = [0, 0, 0], sizes = [128, 2, 256], strides = [1, 1, 1]} : vector<128x8x256xi32> to vector<128x2x256xi32>
    %concatenate3A_897 = tpu.concatenate %slice3A_895, %slice3A_896 in 1 : vector<128x6x256xi32>, vector<128x2x256xi32> -> vector<128x8x256xi32>
    %reshape3A_898 = vector.shape_cast %concatenate3A_897 : vector<128x8x256xi32> to vector<1024x256xi32>
    %slice3A_899 = vector.extract_strided_slice %reshape3A_894 {offsets = [0, 6, 0], sizes = [128, 2, 256], strides = [1, 1, 1]} : vector<128x8x256xi32> to vector<128x2x256xi32>
    %slice3A_900 = vector.extract_strided_slice %reshape3A_894 {offsets = [0, 0, 0], sizes = [128, 6, 256], strides = [1, 1, 1]} : vector<128x8x256xi32> to vector<128x6x256xi32>
    %concatenate3A_901 = tpu.concatenate %slice3A_899, %slice3A_900 in 1 : vector<128x2x256xi32>, vector<128x6x256xi32> -> vector<128x8x256xi32>
    %reshape3A_902 = vector.shape_cast %concatenate3A_901 : vector<128x8x256xi32> to vector<1024x256xi32>
    %iota3A_903 = tpu.iota {dimensions = array<i32: 0>} : vector<1024x1xi32>
    %and3A_904 = arith.constant 2 : i32
    %and3A_905 = vector.broadcast %and3A_904 : i32 to vector<1024x1xi32>
    %and3A_906 = arith.andi %iota3A_903, %and3A_905 : vector<1024x1xi32>
    %eq3A_907 = arith.constant 0 : i32
    %eq3A_908 = vector.broadcast %eq3A_907 : i32 to vector<1024x1xi32>
    %eq3A_909 = arith.cmpi eq, %and3A_906, %eq3A_908 : vector<1024x1xi32>
    %broadcast_in_dim3A_910 = vector.shape_cast %eq3A_909 : vector<1024x1xi1> to vector<1024x1xi1>
    %broadcast_in_dim3A_911 = vector.broadcast %broadcast_in_dim3A_910 : vector<1024x1xi1> to vector<1024x256xi1>
    %select_n3A_912 = arith.select %broadcast_in_dim3A_911, %reshape3A_898, %reshape3A_902 : vector<1024x256xi1>, vector<1024x256xi32>
    %reshape3A_913 = vector.shape_cast %select_n3A_893 : vector<1024x256xi32> to vector<128x8x256xi32>
    %slice3A_914 = vector.extract_strided_slice %reshape3A_913 {offsets = [0, 2, 0], sizes = [128, 6, 256], strides = [1, 1, 1]} : vector<128x8x256xi32> to vector<128x6x256xi32>
    %slice3A_915 = vector.extract_strided_slice %reshape3A_913 {offsets = [0, 0, 0], sizes = [128, 2, 256], strides = [1, 1, 1]} : vector<128x8x256xi32> to vector<128x2x256xi32>
    %concatenate3A_916 = tpu.concatenate %slice3A_914, %slice3A_915 in 1 : vector<128x6x256xi32>, vector<128x2x256xi32> -> vector<128x8x256xi32>
    %reshape3A_917 = vector.shape_cast %concatenate3A_916 : vector<128x8x256xi32> to vector<1024x256xi32>
    %slice3A_918 = vector.extract_strided_slice %reshape3A_913 {offsets = [0, 6, 0], sizes = [128, 2, 256], strides = [1, 1, 1]} : vector<128x8x256xi32> to vector<128x2x256xi32>
    %slice3A_919 = vector.extract_strided_slice %reshape3A_913 {offsets = [0, 0, 0], sizes = [128, 6, 256], strides = [1, 1, 1]} : vector<128x8x256xi32> to vector<128x6x256xi32>
    %concatenate3A_920 = tpu.concatenate %slice3A_918, %slice3A_919 in 1 : vector<128x2x256xi32>, vector<128x6x256xi32> -> vector<128x8x256xi32>
    %reshape3A_921 = vector.shape_cast %concatenate3A_920 : vector<128x8x256xi32> to vector<1024x256xi32>
    %iota3A_922 = tpu.iota {dimensions = array<i32: 0>} : vector<1024x1xi32>
    %and3A_923 = arith.constant 2 : i32
    %and3A_924 = vector.broadcast %and3A_923 : i32 to vector<1024x1xi32>
    %and3A_925 = arith.andi %iota3A_922, %and3A_924 : vector<1024x1xi32>
    %eq3A_926 = arith.constant 0 : i32
    %eq3A_927 = vector.broadcast %eq3A_926 : i32 to vector<1024x1xi32>
    %eq3A_928 = arith.cmpi eq, %and3A_925, %eq3A_927 : vector<1024x1xi32>
    %broadcast_in_dim3A_929 = vector.shape_cast %eq3A_928 : vector<1024x1xi1> to vector<1024x1xi1>
    %broadcast_in_dim3A_930 = vector.broadcast %broadcast_in_dim3A_929 : vector<1024x1xi1> to vector<1024x256xi1>
    %select_n3A_931 = arith.select %broadcast_in_dim3A_930, %reshape3A_917, %reshape3A_921 : vector<1024x256xi1>, vector<1024x256xi32>
    %gt3A_932 = arith.cmpi sgt, %select_n3A_892, %select_n3A_912 : vector<1024x256xi32>
    %iota3A_933 = tpu.iota {dimensions = array<i32: 0>} : vector<1024x1xi32>
    %and3A_934 = arith.constant 2 : i32
    %and3A_935 = vector.broadcast %and3A_934 : i32 to vector<1024x1xi32>
    %and3A_936 = arith.andi %iota3A_933, %and3A_935 : vector<1024x1xi32>
    %eq3A_937 = arith.constant 0 : i32
    %eq3A_938 = vector.broadcast %eq3A_937 : i32 to vector<1024x1xi32>
    %eq3A_939 = arith.cmpi eq, %and3A_936, %eq3A_938 : vector<1024x1xi32>
    %and3A_940 = arith.constant 64 : i32
    %and3A_941 = vector.broadcast %and3A_940 : i32 to vector<1024x1xi32>
    %and3A_942 = arith.andi %iota3A_933, %and3A_941 : vector<1024x1xi32>
    %eq3A_943 = arith.constant 0 : i32
    %eq3A_944 = vector.broadcast %eq3A_943 : i32 to vector<1024x1xi32>
    %eq3A_945 = arith.cmpi eq, %and3A_942, %eq3A_944 : vector<1024x1xi32>
    %eq3A_946 = arith.xori %eq3A_939, %eq3A_945 : vector<1024x1xi1>
    %eq3A_947 = arith.constant dense<true> : vector<1024x1xi1>
    %eq3A_948 = arith.xori %eq3A_946, %eq3A_947 : vector<1024x1xi1>
    %eq3A_949 = vector.broadcast %eq3A_948 : vector<1024x1xi1> to vector<1024x256xi1>
    %eq3A_950 = vector.broadcast %eq3A_949 : vector<1024x256xi1> to vector<1024x256xi1>
    %eq3A_951 = arith.xori %gt3A_932, %eq3A_950 : vector<1024x256xi1>
    %eq3A_952 = arith.constant dense<true> : vector<1024x256xi1>
    %eq3A_953 = arith.xori %eq3A_951, %eq3A_952 : vector<1024x256xi1>
    %select_n3A_954 = arith.select %eq3A_953, %select_n3A_892, %select_n3A_912 : vector<1024x256xi1>, vector<1024x256xi32>
    %select_n3A_955 = arith.select %eq3A_953, %select_n3A_893, %select_n3A_931 : vector<1024x256xi1>, vector<1024x256xi32>
    %reshape3A_956 = vector.shape_cast %select_n3A_954 : vector<1024x256xi32> to vector<128x8x256xi32>
    %slice3A_957 = vector.extract_strided_slice %reshape3A_956 {offsets = [0, 1, 0], sizes = [128, 7, 256], strides = [1, 1, 1]} : vector<128x8x256xi32> to vector<128x7x256xi32>
    %slice3A_958 = vector.extract_strided_slice %reshape3A_956 {offsets = [0, 0, 0], sizes = [128, 1, 256], strides = [1, 1, 1]} : vector<128x8x256xi32> to vector<128x1x256xi32>
    %concatenate3A_959 = tpu.concatenate %slice3A_957, %slice3A_958 in 1 : vector<128x7x256xi32>, vector<128x1x256xi32> -> vector<128x8x256xi32>
    %reshape3A_960 = vector.shape_cast %concatenate3A_959 : vector<128x8x256xi32> to vector<1024x256xi32>
    %slice3A_961 = vector.extract_strided_slice %reshape3A_956 {offsets = [0, 7, 0], sizes = [128, 1, 256], strides = [1, 1, 1]} : vector<128x8x256xi32> to vector<128x1x256xi32>
    %slice3A_962 = vector.extract_strided_slice %reshape3A_956 {offsets = [0, 0, 0], sizes = [128, 7, 256], strides = [1, 1, 1]} : vector<128x8x256xi32> to vector<128x7x256xi32>
    %concatenate3A_963 = tpu.concatenate %slice3A_961, %slice3A_962 in 1 : vector<128x1x256xi32>, vector<128x7x256xi32> -> vector<128x8x256xi32>
    %reshape3A_964 = vector.shape_cast %concatenate3A_963 : vector<128x8x256xi32> to vector<1024x256xi32>
    %iota3A_965 = tpu.iota {dimensions = array<i32: 0>} : vector<1024x1xi32>
    %and3A_966 = arith.constant 1 : i32
    %and3A_967 = vector.broadcast %and3A_966 : i32 to vector<1024x1xi32>
    %and3A_968 = arith.andi %iota3A_965, %and3A_967 : vector<1024x1xi32>
    %eq3A_969 = arith.constant 0 : i32
    %eq3A_970 = vector.broadcast %eq3A_969 : i32 to vector<1024x1xi32>
    %eq3A_971 = arith.cmpi eq, %and3A_968, %eq3A_970 : vector<1024x1xi32>
    %broadcast_in_dim3A_972 = vector.shape_cast %eq3A_971 : vector<1024x1xi1> to vector<1024x1xi1>
    %broadcast_in_dim3A_973 = vector.broadcast %broadcast_in_dim3A_972 : vector<1024x1xi1> to vector<1024x256xi1>
    %select_n3A_974 = arith.select %broadcast_in_dim3A_973, %reshape3A_960, %reshape3A_964 : vector<1024x256xi1>, vector<1024x256xi32>
    %reshape3A_975 = vector.shape_cast %select_n3A_955 : vector<1024x256xi32> to vector<128x8x256xi32>
    %slice3A_976 = vector.extract_strided_slice %reshape3A_975 {offsets = [0, 1, 0], sizes = [128, 7, 256], strides = [1, 1, 1]} : vector<128x8x256xi32> to vector<128x7x256xi32>
    %slice3A_977 = vector.extract_strided_slice %reshape3A_975 {offsets = [0, 0, 0], sizes = [128, 1, 256], strides = [1, 1, 1]} : vector<128x8x256xi32> to vector<128x1x256xi32>
    %concatenate3A_978 = tpu.concatenate %slice3A_976, %slice3A_977 in 1 : vector<128x7x256xi32>, vector<128x1x256xi32> -> vector<128x8x256xi32>
    %reshape3A_979 = vector.shape_cast %concatenate3A_978 : vector<128x8x256xi32> to vector<1024x256xi32>
    %slice3A_980 = vector.extract_strided_slice %reshape3A_975 {offsets = [0, 7, 0], sizes = [128, 1, 256], strides = [1, 1, 1]} : vector<128x8x256xi32> to vector<128x1x256xi32>
    %slice3A_981 = vector.extract_strided_slice %reshape3A_975 {offsets = [0, 0, 0], sizes = [128, 7, 256], strides = [1, 1, 1]} : vector<128x8x256xi32> to vector<128x7x256xi32>
    %concatenate3A_982 = tpu.concatenate %slice3A_980, %slice3A_981 in 1 : vector<128x1x256xi32>, vector<128x7x256xi32> -> vector<128x8x256xi32>
    %reshape3A_983 = vector.shape_cast %concatenate3A_982 : vector<128x8x256xi32> to vector<1024x256xi32>
    %iota3A_984 = tpu.iota {dimensions = array<i32: 0>} : vector<1024x1xi32>
    %and3A_985 = arith.constant 1 : i32
    %and3A_986 = vector.broadcast %and3A_985 : i32 to vector<1024x1xi32>
    %and3A_987 = arith.andi %iota3A_984, %and3A_986 : vector<1024x1xi32>
    %eq3A_988 = arith.constant 0 : i32
    %eq3A_989 = vector.broadcast %eq3A_988 : i32 to vector<1024x1xi32>
    %eq3A_990 = arith.cmpi eq, %and3A_987, %eq3A_989 : vector<1024x1xi32>
    %broadcast_in_dim3A_991 = vector.shape_cast %eq3A_990 : vector<1024x1xi1> to vector<1024x1xi1>
    %broadcast_in_dim3A_992 = vector.broadcast %broadcast_in_dim3A_991 : vector<1024x1xi1> to vector<1024x256xi1>
    %select_n3A_993 = arith.select %broadcast_in_dim3A_992, %reshape3A_979, %reshape3A_983 : vector<1024x256xi1>, vector<1024x256xi32>
    %gt3A_994 = arith.cmpi sgt, %select_n3A_954, %select_n3A_974 : vector<1024x256xi32>
    %iota3A_995 = tpu.iota {dimensions = array<i32: 0>} : vector<1024x1xi32>
    %and3A_996 = arith.constant 1 : i32
    %and3A_997 = vector.broadcast %and3A_996 : i32 to vector<1024x1xi32>
    %and3A_998 = arith.andi %iota3A_995, %and3A_997 : vector<1024x1xi32>
    %eq3A_999 = arith.constant 0 : i32
    %eq3A_1000 = vector.broadcast %eq3A_999 : i32 to vector<1024x1xi32>
    %eq3A_1001 = arith.cmpi eq, %and3A_998, %eq3A_1000 : vector<1024x1xi32>
    %and3A_1002 = arith.constant 64 : i32
    %and3A_1003 = vector.broadcast %and3A_1002 : i32 to vector<1024x1xi32>
    %and3A_1004 = arith.andi %iota3A_995, %and3A_1003 : vector<1024x1xi32>
    %eq3A_1005 = arith.constant 0 : i32
    %eq3A_1006 = vector.broadcast %eq3A_1005 : i32 to vector<1024x1xi32>
    %eq3A_1007 = arith.cmpi eq, %and3A_1004, %eq3A_1006 : vector<1024x1xi32>
    %eq3A_1008 = arith.xori %eq3A_1001, %eq3A_1007 : vector<1024x1xi1>
    %eq3A_1009 = arith.constant dense<true> : vector<1024x1xi1>
    %eq3A_1010 = arith.xori %eq3A_1008, %eq3A_1009 : vector<1024x1xi1>
    %eq3A_1011 = vector.broadcast %eq3A_1010 : vector<1024x1xi1> to vector<1024x256xi1>
    %eq3A_1012 = vector.broadcast %eq3A_1011 : vector<1024x256xi1> to vector<1024x256xi1>
    %eq3A_1013 = arith.xori %gt3A_994, %eq3A_1012 : vector<1024x256xi1>
    %eq3A_1014 = arith.constant dense<true> : vector<1024x256xi1>
    %eq3A_1015 = arith.xori %eq3A_1013, %eq3A_1014 : vector<1024x256xi1>
    %select_n3A_1016 = arith.select %eq3A_1015, %select_n3A_954, %select_n3A_974 : vector<1024x256xi1>, vector<1024x256xi32>
    %select_n3A_1017 = arith.select %eq3A_1015, %select_n3A_955, %select_n3A_993 : vector<1024x256xi1>, vector<1024x256xi32>
    %reshape3A_1018 = vector.shape_cast %select_n3A_1016 : vector<1024x256xi32> to vector<8x2x64x256xi32>
    %reshape3A_1019 = vector.shape_cast %select_n3A_1017 : vector<1024x256xi32> to vector<8x2x64x256xi32>
    %slice3A_1020 = vector.extract_strided_slice %reshape3A_1018 {offsets = [0, 0, 0, 0], sizes = [8, 1, 64, 256], strides = [1, 1, 1, 1]} : vector<8x2x64x256xi32> to vector<8x1x64x256xi32>
    %squeeze3A_1021 = vector.shape_cast %slice3A_1020 : vector<8x1x64x256xi32> to vector<8x64x256xi32>
    %slice3A_1022 = vector.extract_strided_slice %reshape3A_1018 {offsets = [0, 1, 0, 0], sizes = [8, 1, 64, 256], strides = [1, 1, 1, 1]} : vector<8x2x64x256xi32> to vector<8x1x64x256xi32>
    %squeeze3A_1023 = vector.shape_cast %slice3A_1022 : vector<8x1x64x256xi32> to vector<8x64x256xi32>
    %slice3A_1024 = vector.extract_strided_slice %reshape3A_1019 {offsets = [0, 0, 0, 0], sizes = [8, 1, 64, 256], strides = [1, 1, 1, 1]} : vector<8x2x64x256xi32> to vector<8x1x64x256xi32>
    %squeeze3A_1025 = vector.shape_cast %slice3A_1024 : vector<8x1x64x256xi32> to vector<8x64x256xi32>
    %slice3A_1026 = vector.extract_strided_slice %reshape3A_1019 {offsets = [0, 1, 0, 0], sizes = [8, 1, 64, 256], strides = [1, 1, 1, 1]} : vector<8x2x64x256xi32> to vector<8x1x64x256xi32>
    %squeeze3A_1027 = vector.shape_cast %slice3A_1026 : vector<8x1x64x256xi32> to vector<8x64x256xi32>
    %gt3A_1028 = arith.cmpi sgt, %squeeze3A_1021, %squeeze3A_1023 : vector<8x64x256xi32>
    %iota3A_1029 = tpu.iota {dimensions = array<i32: 0>} : vector<8x1x1xi32>
    %and3A_1030 = arith.constant 1 : i32
    %and3A_1031 = vector.broadcast %and3A_1030 : i32 to vector<8x1x1xi32>
    %and3A_1032 = arith.andi %iota3A_1029, %and3A_1031 : vector<8x1x1xi32>
    %eq3A_1033 = arith.constant 0 : i32
    %eq3A_1034 = vector.broadcast %eq3A_1033 : i32 to vector<8x1x1xi32>
    %eq3A_1035 = arith.cmpi eq, %and3A_1032, %eq3A_1034 : vector<8x1x1xi32>
    %xor3A_1036 = vector.broadcast %eq3A_1035 : vector<8x1x1xi1> to vector<8x64x256xi1>
    %xor3A_1037 = arith.xori %gt3A_1028, %xor3A_1036 : vector<8x64x256xi1>
    %select_n3A_1038 = arith.select %xor3A_1037, %squeeze3A_1023, %squeeze3A_1021 : vector<8x64x256xi1>, vector<8x64x256xi32>
    %select_n3A_1039 = arith.select %xor3A_1037, %squeeze3A_1021, %squeeze3A_1023 : vector<8x64x256xi1>, vector<8x64x256xi32>
    %select_n3A_1040 = arith.select %xor3A_1037, %squeeze3A_1027, %squeeze3A_1025 : vector<8x64x256xi1>, vector<8x64x256xi32>
    %select_n3A_1041 = arith.select %xor3A_1037, %squeeze3A_1025, %squeeze3A_1027 : vector<8x64x256xi1>, vector<8x64x256xi32>
    %broadcast_in_dim3A_1042 = vector.shape_cast %select_n3A_1038 : vector<8x64x256xi32> to vector<8x1x64x256xi32>
    %broadcast_in_dim3A_1043 = vector.shape_cast %select_n3A_1039 : vector<8x64x256xi32> to vector<8x1x64x256xi32>
    %concatenate3A_1044 = tpu.concatenate %broadcast_in_dim3A_1042, %broadcast_in_dim3A_1043 in 1 : vector<8x1x64x256xi32>, vector<8x1x64x256xi32> -> vector<8x2x64x256xi32>
    %reshape3A_1045 = vector.shape_cast %concatenate3A_1044 : vector<8x2x64x256xi32> to vector<1024x256xi32>
    %broadcast_in_dim3A_1046 = vector.shape_cast %select_n3A_1040 : vector<8x64x256xi32> to vector<8x1x64x256xi32>
    %broadcast_in_dim3A_1047 = vector.shape_cast %select_n3A_1041 : vector<8x64x256xi32> to vector<8x1x64x256xi32>
    %concatenate3A_1048 = tpu.concatenate %broadcast_in_dim3A_1046, %broadcast_in_dim3A_1047 in 1 : vector<8x1x64x256xi32>, vector<8x1x64x256xi32> -> vector<8x2x64x256xi32>
    %reshape3A_1049 = vector.shape_cast %concatenate3A_1048 : vector<8x2x64x256xi32> to vector<1024x256xi32>
    %reshape3A_1050 = vector.shape_cast %reshape3A_1045 : vector<1024x256xi32> to vector<16x2x32x256xi32>
    %reshape3A_1051 = vector.shape_cast %reshape3A_1049 : vector<1024x256xi32> to vector<16x2x32x256xi32>
    %slice3A_1052 = vector.extract_strided_slice %reshape3A_1050 {offsets = [0, 0, 0, 0], sizes = [16, 1, 32, 256], strides = [1, 1, 1, 1]} : vector<16x2x32x256xi32> to vector<16x1x32x256xi32>
    %squeeze3A_1053 = vector.shape_cast %slice3A_1052 : vector<16x1x32x256xi32> to vector<16x32x256xi32>
    %slice3A_1054 = vector.extract_strided_slice %reshape3A_1050 {offsets = [0, 1, 0, 0], sizes = [16, 1, 32, 256], strides = [1, 1, 1, 1]} : vector<16x2x32x256xi32> to vector<16x1x32x256xi32>
    %squeeze3A_1055 = vector.shape_cast %slice3A_1054 : vector<16x1x32x256xi32> to vector<16x32x256xi32>
    %slice3A_1056 = vector.extract_strided_slice %reshape3A_1051 {offsets = [0, 0, 0, 0], sizes = [16, 1, 32, 256], strides = [1, 1, 1, 1]} : vector<16x2x32x256xi32> to vector<16x1x32x256xi32>
    %squeeze3A_1057 = vector.shape_cast %slice3A_1056 : vector<16x1x32x256xi32> to vector<16x32x256xi32>
    %slice3A_1058 = vector.extract_strided_slice %reshape3A_1051 {offsets = [0, 1, 0, 0], sizes = [16, 1, 32, 256], strides = [1, 1, 1, 1]} : vector<16x2x32x256xi32> to vector<16x1x32x256xi32>
    %squeeze3A_1059 = vector.shape_cast %slice3A_1058 : vector<16x1x32x256xi32> to vector<16x32x256xi32>
    %gt3A_1060 = arith.cmpi sgt, %squeeze3A_1053, %squeeze3A_1055 : vector<16x32x256xi32>
    %iota3A_1061 = tpu.iota {dimensions = array<i32: 0>} : vector<16x1x1xi32>
    %and3A_1062 = arith.constant 2 : i32
    %and3A_1063 = vector.broadcast %and3A_1062 : i32 to vector<16x1x1xi32>
    %and3A_1064 = arith.andi %iota3A_1061, %and3A_1063 : vector<16x1x1xi32>
    %eq3A_1065 = arith.constant 0 : i32
    %eq3A_1066 = vector.broadcast %eq3A_1065 : i32 to vector<16x1x1xi32>
    %eq3A_1067 = arith.cmpi eq, %and3A_1064, %eq3A_1066 : vector<16x1x1xi32>
    %xor3A_1068 = vector.broadcast %eq3A_1067 : vector<16x1x1xi1> to vector<16x32x256xi1>
    %xor3A_1069 = arith.xori %gt3A_1060, %xor3A_1068 : vector<16x32x256xi1>
    %select_n3A_1070 = arith.select %xor3A_1069, %squeeze3A_1055, %squeeze3A_1053 : vector<16x32x256xi1>, vector<16x32x256xi32>
    %select_n3A_1071 = arith.select %xor3A_1069, %squeeze3A_1053, %squeeze3A_1055 : vector<16x32x256xi1>, vector<16x32x256xi32>
    %select_n3A_1072 = arith.select %xor3A_1069, %squeeze3A_1059, %squeeze3A_1057 : vector<16x32x256xi1>, vector<16x32x256xi32>
    %select_n3A_1073 = arith.select %xor3A_1069, %squeeze3A_1057, %squeeze3A_1059 : vector<16x32x256xi1>, vector<16x32x256xi32>
    %broadcast_in_dim3A_1074 = vector.shape_cast %select_n3A_1070 : vector<16x32x256xi32> to vector<16x1x32x256xi32>
    %broadcast_in_dim3A_1075 = vector.shape_cast %select_n3A_1071 : vector<16x32x256xi32> to vector<16x1x32x256xi32>
    %concatenate3A_1076 = tpu.concatenate %broadcast_in_dim3A_1074, %broadcast_in_dim3A_1075 in 1 : vector<16x1x32x256xi32>, vector<16x1x32x256xi32> -> vector<16x2x32x256xi32>
    %reshape3A_1077 = vector.shape_cast %concatenate3A_1076 : vector<16x2x32x256xi32> to vector<1024x256xi32>
    %broadcast_in_dim3A_1078 = vector.shape_cast %select_n3A_1072 : vector<16x32x256xi32> to vector<16x1x32x256xi32>
    %broadcast_in_dim3A_1079 = vector.shape_cast %select_n3A_1073 : vector<16x32x256xi32> to vector<16x1x32x256xi32>
    %concatenate3A_1080 = tpu.concatenate %broadcast_in_dim3A_1078, %broadcast_in_dim3A_1079 in 1 : vector<16x1x32x256xi32>, vector<16x1x32x256xi32> -> vector<16x2x32x256xi32>
    %reshape3A_1081 = vector.shape_cast %concatenate3A_1080 : vector<16x2x32x256xi32> to vector<1024x256xi32>
    %reshape3A_1082 = vector.shape_cast %reshape3A_1077 : vector<1024x256xi32> to vector<32x2x16x256xi32>
    %reshape3A_1083 = vector.shape_cast %reshape3A_1081 : vector<1024x256xi32> to vector<32x2x16x256xi32>
    %slice3A_1084 = vector.extract_strided_slice %reshape3A_1082 {offsets = [0, 0, 0, 0], sizes = [32, 1, 16, 256], strides = [1, 1, 1, 1]} : vector<32x2x16x256xi32> to vector<32x1x16x256xi32>
    %squeeze3A_1085 = vector.shape_cast %slice3A_1084 : vector<32x1x16x256xi32> to vector<32x16x256xi32>
    %slice3A_1086 = vector.extract_strided_slice %reshape3A_1082 {offsets = [0, 1, 0, 0], sizes = [32, 1, 16, 256], strides = [1, 1, 1, 1]} : vector<32x2x16x256xi32> to vector<32x1x16x256xi32>
    %squeeze3A_1087 = vector.shape_cast %slice3A_1086 : vector<32x1x16x256xi32> to vector<32x16x256xi32>
    %slice3A_1088 = vector.extract_strided_slice %reshape3A_1083 {offsets = [0, 0, 0, 0], sizes = [32, 1, 16, 256], strides = [1, 1, 1, 1]} : vector<32x2x16x256xi32> to vector<32x1x16x256xi32>
    %squeeze3A_1089 = vector.shape_cast %slice3A_1088 : vector<32x1x16x256xi32> to vector<32x16x256xi32>
    %slice3A_1090 = vector.extract_strided_slice %reshape3A_1083 {offsets = [0, 1, 0, 0], sizes = [32, 1, 16, 256], strides = [1, 1, 1, 1]} : vector<32x2x16x256xi32> to vector<32x1x16x256xi32>
    %squeeze3A_1091 = vector.shape_cast %slice3A_1090 : vector<32x1x16x256xi32> to vector<32x16x256xi32>
    %gt3A_1092 = arith.cmpi sgt, %squeeze3A_1085, %squeeze3A_1087 : vector<32x16x256xi32>
    %iota3A_1093 = tpu.iota {dimensions = array<i32: 0>} : vector<32x1x1xi32>
    %and3A_1094 = arith.constant 4 : i32
    %and3A_1095 = vector.broadcast %and3A_1094 : i32 to vector<32x1x1xi32>
    %and3A_1096 = arith.andi %iota3A_1093, %and3A_1095 : vector<32x1x1xi32>
    %eq3A_1097 = arith.constant 0 : i32
    %eq3A_1098 = vector.broadcast %eq3A_1097 : i32 to vector<32x1x1xi32>
    %eq3A_1099 = arith.cmpi eq, %and3A_1096, %eq3A_1098 : vector<32x1x1xi32>
    %xor3A_1100 = vector.broadcast %eq3A_1099 : vector<32x1x1xi1> to vector<32x16x256xi1>
    %xor3A_1101 = arith.xori %gt3A_1092, %xor3A_1100 : vector<32x16x256xi1>
    %select_n3A_1102 = arith.select %xor3A_1101, %squeeze3A_1087, %squeeze3A_1085 : vector<32x16x256xi1>, vector<32x16x256xi32>
    %select_n3A_1103 = arith.select %xor3A_1101, %squeeze3A_1085, %squeeze3A_1087 : vector<32x16x256xi1>, vector<32x16x256xi32>
    %select_n3A_1104 = arith.select %xor3A_1101, %squeeze3A_1091, %squeeze3A_1089 : vector<32x16x256xi1>, vector<32x16x256xi32>
    %select_n3A_1105 = arith.select %xor3A_1101, %squeeze3A_1089, %squeeze3A_1091 : vector<32x16x256xi1>, vector<32x16x256xi32>
    %broadcast_in_dim3A_1106 = vector.shape_cast %select_n3A_1102 : vector<32x16x256xi32> to vector<32x1x16x256xi32>
    %broadcast_in_dim3A_1107 = vector.shape_cast %select_n3A_1103 : vector<32x16x256xi32> to vector<32x1x16x256xi32>
    %concatenate3A_1108 = tpu.concatenate %broadcast_in_dim3A_1106, %broadcast_in_dim3A_1107 in 1 : vector<32x1x16x256xi32>, vector<32x1x16x256xi32> -> vector<32x2x16x256xi32>
    %reshape3A_1109 = vector.shape_cast %concatenate3A_1108 : vector<32x2x16x256xi32> to vector<1024x256xi32>
    %broadcast_in_dim3A_1110 = vector.shape_cast %select_n3A_1104 : vector<32x16x256xi32> to vector<32x1x16x256xi32>
    %broadcast_in_dim3A_1111 = vector.shape_cast %select_n3A_1105 : vector<32x16x256xi32> to vector<32x1x16x256xi32>
    %concatenate3A_1112 = tpu.concatenate %broadcast_in_dim3A_1110, %broadcast_in_dim3A_1111 in 1 : vector<32x1x16x256xi32>, vector<32x1x16x256xi32> -> vector<32x2x16x256xi32>
    %reshape3A_1113 = vector.shape_cast %concatenate3A_1112 : vector<32x2x16x256xi32> to vector<1024x256xi32>
    %reshape3A_1114 = vector.shape_cast %reshape3A_1109 : vector<1024x256xi32> to vector<64x2x8x256xi32>
    %reshape3A_1115 = vector.shape_cast %reshape3A_1113 : vector<1024x256xi32> to vector<64x2x8x256xi32>
    %slice3A_1116 = vector.extract_strided_slice %reshape3A_1114 {offsets = [0, 0, 0, 0], sizes = [64, 1, 8, 256], strides = [1, 1, 1, 1]} : vector<64x2x8x256xi32> to vector<64x1x8x256xi32>
    %squeeze3A_1117 = vector.shape_cast %slice3A_1116 : vector<64x1x8x256xi32> to vector<64x8x256xi32>
    %slice3A_1118 = vector.extract_strided_slice %reshape3A_1114 {offsets = [0, 1, 0, 0], sizes = [64, 1, 8, 256], strides = [1, 1, 1, 1]} : vector<64x2x8x256xi32> to vector<64x1x8x256xi32>
    %squeeze3A_1119 = vector.shape_cast %slice3A_1118 : vector<64x1x8x256xi32> to vector<64x8x256xi32>
    %slice3A_1120 = vector.extract_strided_slice %reshape3A_1115 {offsets = [0, 0, 0, 0], sizes = [64, 1, 8, 256], strides = [1, 1, 1, 1]} : vector<64x2x8x256xi32> to vector<64x1x8x256xi32>
    %squeeze3A_1121 = vector.shape_cast %slice3A_1120 : vector<64x1x8x256xi32> to vector<64x8x256xi32>
    %slice3A_1122 = vector.extract_strided_slice %reshape3A_1115 {offsets = [0, 1, 0, 0], sizes = [64, 1, 8, 256], strides = [1, 1, 1, 1]} : vector<64x2x8x256xi32> to vector<64x1x8x256xi32>
    %squeeze3A_1123 = vector.shape_cast %slice3A_1122 : vector<64x1x8x256xi32> to vector<64x8x256xi32>
    %gt3A_1124 = arith.cmpi sgt, %squeeze3A_1117, %squeeze3A_1119 : vector<64x8x256xi32>
    %iota3A_1125 = tpu.iota {dimensions = array<i32: 0>} : vector<64x1x1xi32>
    %and3A_1126 = arith.constant 8 : i32
    %and3A_1127 = vector.broadcast %and3A_1126 : i32 to vector<64x1x1xi32>
    %and3A_1128 = arith.andi %iota3A_1125, %and3A_1127 : vector<64x1x1xi32>
    %eq3A_1129 = arith.constant 0 : i32
    %eq3A_1130 = vector.broadcast %eq3A_1129 : i32 to vector<64x1x1xi32>
    %eq3A_1131 = arith.cmpi eq, %and3A_1128, %eq3A_1130 : vector<64x1x1xi32>
    %xor3A_1132 = vector.broadcast %eq3A_1131 : vector<64x1x1xi1> to vector<64x8x256xi1>
    %xor3A_1133 = arith.xori %gt3A_1124, %xor3A_1132 : vector<64x8x256xi1>
    %select_n3A_1134 = arith.select %xor3A_1133, %squeeze3A_1119, %squeeze3A_1117 : vector<64x8x256xi1>, vector<64x8x256xi32>
    %select_n3A_1135 = arith.select %xor3A_1133, %squeeze3A_1117, %squeeze3A_1119 : vector<64x8x256xi1>, vector<64x8x256xi32>
    %select_n3A_1136 = arith.select %xor3A_1133, %squeeze3A_1123, %squeeze3A_1121 : vector<64x8x256xi1>, vector<64x8x256xi32>
    %select_n3A_1137 = arith.select %xor3A_1133, %squeeze3A_1121, %squeeze3A_1123 : vector<64x8x256xi1>, vector<64x8x256xi32>
    %broadcast_in_dim3A_1138 = vector.shape_cast %select_n3A_1134 : vector<64x8x256xi32> to vector<64x1x8x256xi32>
    %broadcast_in_dim3A_1139 = vector.shape_cast %select_n3A_1135 : vector<64x8x256xi32> to vector<64x1x8x256xi32>
    %concatenate3A_1140 = tpu.concatenate %broadcast_in_dim3A_1138, %broadcast_in_dim3A_1139 in 1 : vector<64x1x8x256xi32>, vector<64x1x8x256xi32> -> vector<64x2x8x256xi32>
    %reshape3A_1141 = vector.shape_cast %concatenate3A_1140 : vector<64x2x8x256xi32> to vector<1024x256xi32>
    %broadcast_in_dim3A_1142 = vector.shape_cast %select_n3A_1136 : vector<64x8x256xi32> to vector<64x1x8x256xi32>
    %broadcast_in_dim3A_1143 = vector.shape_cast %select_n3A_1137 : vector<64x8x256xi32> to vector<64x1x8x256xi32>
    %concatenate3A_1144 = tpu.concatenate %broadcast_in_dim3A_1142, %broadcast_in_dim3A_1143 in 1 : vector<64x1x8x256xi32>, vector<64x1x8x256xi32> -> vector<64x2x8x256xi32>
    %reshape3A_1145 = vector.shape_cast %concatenate3A_1144 : vector<64x2x8x256xi32> to vector<1024x256xi32>
    %reshape3A_1146 = vector.shape_cast %reshape3A_1141 : vector<1024x256xi32> to vector<128x8x256xi32>
    %slice3A_1147 = vector.extract_strided_slice %reshape3A_1146 {offsets = [0, 4, 0], sizes = [128, 4, 256], strides = [1, 1, 1]} : vector<128x8x256xi32> to vector<128x4x256xi32>
    %slice3A_1148 = vector.extract_strided_slice %reshape3A_1146 {offsets = [0, 0, 0], sizes = [128, 4, 256], strides = [1, 1, 1]} : vector<128x8x256xi32> to vector<128x4x256xi32>
    %concatenate3A_1149 = tpu.concatenate %slice3A_1147, %slice3A_1148 in 1 : vector<128x4x256xi32>, vector<128x4x256xi32> -> vector<128x8x256xi32>
    %reshape3A_1150 = vector.shape_cast %concatenate3A_1149 : vector<128x8x256xi32> to vector<1024x256xi32>
    %reshape3A_1151 = vector.shape_cast %reshape3A_1145 : vector<1024x256xi32> to vector<128x8x256xi32>
    %slice3A_1152 = vector.extract_strided_slice %reshape3A_1151 {offsets = [0, 4, 0], sizes = [128, 4, 256], strides = [1, 1, 1]} : vector<128x8x256xi32> to vector<128x4x256xi32>
    %slice3A_1153 = vector.extract_strided_slice %reshape3A_1151 {offsets = [0, 0, 0], sizes = [128, 4, 256], strides = [1, 1, 1]} : vector<128x8x256xi32> to vector<128x4x256xi32>
    %concatenate3A_1154 = tpu.concatenate %slice3A_1152, %slice3A_1153 in 1 : vector<128x4x256xi32>, vector<128x4x256xi32> -> vector<128x8x256xi32>
    %reshape3A_1155 = vector.shape_cast %concatenate3A_1154 : vector<128x8x256xi32> to vector<1024x256xi32>
    %gt3A_1156 = arith.cmpi sgt, %reshape3A_1141, %reshape3A_1150 : vector<1024x256xi32>
    %iota3A_1157 = tpu.iota {dimensions = array<i32: 0>} : vector<1024x1xi32>
    %and3A_1158 = arith.constant 4 : i32
    %and3A_1159 = vector.broadcast %and3A_1158 : i32 to vector<1024x1xi32>
    %and3A_1160 = arith.andi %iota3A_1157, %and3A_1159 : vector<1024x1xi32>
    %eq3A_1161 = arith.constant 0 : i32
    %eq3A_1162 = vector.broadcast %eq3A_1161 : i32 to vector<1024x1xi32>
    %eq3A_1163 = arith.cmpi eq, %and3A_1160, %eq3A_1162 : vector<1024x1xi32>
    %and3A_1164 = arith.constant 128 : i32
    %and3A_1165 = vector.broadcast %and3A_1164 : i32 to vector<1024x1xi32>
    %and3A_1166 = arith.andi %iota3A_1157, %and3A_1165 : vector<1024x1xi32>
    %eq3A_1167 = arith.constant 0 : i32
    %eq3A_1168 = vector.broadcast %eq3A_1167 : i32 to vector<1024x1xi32>
    %eq3A_1169 = arith.cmpi eq, %and3A_1166, %eq3A_1168 : vector<1024x1xi32>
    %eq3A_1170 = arith.xori %eq3A_1163, %eq3A_1169 : vector<1024x1xi1>
    %eq3A_1171 = arith.constant dense<true> : vector<1024x1xi1>
    %eq3A_1172 = arith.xori %eq3A_1170, %eq3A_1171 : vector<1024x1xi1>
    %eq3A_1173 = vector.broadcast %eq3A_1172 : vector<1024x1xi1> to vector<1024x256xi1>
    %eq3A_1174 = vector.broadcast %eq3A_1173 : vector<1024x256xi1> to vector<1024x256xi1>
    %eq3A_1175 = arith.xori %gt3A_1156, %eq3A_1174 : vector<1024x256xi1>
    %eq3A_1176 = arith.constant dense<true> : vector<1024x256xi1>
    %eq3A_1177 = arith.xori %eq3A_1175, %eq3A_1176 : vector<1024x256xi1>
    %select_n3A_1178 = arith.select %eq3A_1177, %reshape3A_1141, %reshape3A_1150 : vector<1024x256xi1>, vector<1024x256xi32>
    %select_n3A_1179 = arith.select %eq3A_1177, %reshape3A_1145, %reshape3A_1155 : vector<1024x256xi1>, vector<1024x256xi32>
    %reshape3A_1180 = vector.shape_cast %select_n3A_1178 : vector<1024x256xi32> to vector<128x8x256xi32>
    %slice3A_1181 = vector.extract_strided_slice %reshape3A_1180 {offsets = [0, 2, 0], sizes = [128, 6, 256], strides = [1, 1, 1]} : vector<128x8x256xi32> to vector<128x6x256xi32>
    %slice3A_1182 = vector.extract_strided_slice %reshape3A_1180 {offsets = [0, 0, 0], sizes = [128, 2, 256], strides = [1, 1, 1]} : vector<128x8x256xi32> to vector<128x2x256xi32>
    %concatenate3A_1183 = tpu.concatenate %slice3A_1181, %slice3A_1182 in 1 : vector<128x6x256xi32>, vector<128x2x256xi32> -> vector<128x8x256xi32>
    %reshape3A_1184 = vector.shape_cast %concatenate3A_1183 : vector<128x8x256xi32> to vector<1024x256xi32>
    %slice3A_1185 = vector.extract_strided_slice %reshape3A_1180 {offsets = [0, 6, 0], sizes = [128, 2, 256], strides = [1, 1, 1]} : vector<128x8x256xi32> to vector<128x2x256xi32>
    %slice3A_1186 = vector.extract_strided_slice %reshape3A_1180 {offsets = [0, 0, 0], sizes = [128, 6, 256], strides = [1, 1, 1]} : vector<128x8x256xi32> to vector<128x6x256xi32>
    %concatenate3A_1187 = tpu.concatenate %slice3A_1185, %slice3A_1186 in 1 : vector<128x2x256xi32>, vector<128x6x256xi32> -> vector<128x8x256xi32>
    %reshape3A_1188 = vector.shape_cast %concatenate3A_1187 : vector<128x8x256xi32> to vector<1024x256xi32>
    %iota3A_1189 = tpu.iota {dimensions = array<i32: 0>} : vector<1024x1xi32>
    %and3A_1190 = arith.constant 2 : i32
    %and3A_1191 = vector.broadcast %and3A_1190 : i32 to vector<1024x1xi32>
    %and3A_1192 = arith.andi %iota3A_1189, %and3A_1191 : vector<1024x1xi32>
    %eq3A_1193 = arith.constant 0 : i32
    %eq3A_1194 = vector.broadcast %eq3A_1193 : i32 to vector<1024x1xi32>
    %eq3A_1195 = arith.cmpi eq, %and3A_1192, %eq3A_1194 : vector<1024x1xi32>
    %broadcast_in_dim3A_1196 = vector.shape_cast %eq3A_1195 : vector<1024x1xi1> to vector<1024x1xi1>
    %broadcast_in_dim3A_1197 = vector.broadcast %broadcast_in_dim3A_1196 : vector<1024x1xi1> to vector<1024x256xi1>
    %select_n3A_1198 = arith.select %broadcast_in_dim3A_1197, %reshape3A_1184, %reshape3A_1188 : vector<1024x256xi1>, vector<1024x256xi32>
    %reshape3A_1199 = vector.shape_cast %select_n3A_1179 : vector<1024x256xi32> to vector<128x8x256xi32>
    %slice3A_1200 = vector.extract_strided_slice %reshape3A_1199 {offsets = [0, 2, 0], sizes = [128, 6, 256], strides = [1, 1, 1]} : vector<128x8x256xi32> to vector<128x6x256xi32>
    %slice3A_1201 = vector.extract_strided_slice %reshape3A_1199 {offsets = [0, 0, 0], sizes = [128, 2, 256], strides = [1, 1, 1]} : vector<128x8x256xi32> to vector<128x2x256xi32>
    %concatenate3A_1202 = tpu.concatenate %slice3A_1200, %slice3A_1201 in 1 : vector<128x6x256xi32>, vector<128x2x256xi32> -> vector<128x8x256xi32>
    %reshape3A_1203 = vector.shape_cast %concatenate3A_1202 : vector<128x8x256xi32> to vector<1024x256xi32>
    %slice3A_1204 = vector.extract_strided_slice %reshape3A_1199 {offsets = [0, 6, 0], sizes = [128, 2, 256], strides = [1, 1, 1]} : vector<128x8x256xi32> to vector<128x2x256xi32>
    %slice3A_1205 = vector.extract_strided_slice %reshape3A_1199 {offsets = [0, 0, 0], sizes = [128, 6, 256], strides = [1, 1, 1]} : vector<128x8x256xi32> to vector<128x6x256xi32>
    %concatenate3A_1206 = tpu.concatenate %slice3A_1204, %slice3A_1205 in 1 : vector<128x2x256xi32>, vector<128x6x256xi32> -> vector<128x8x256xi32>
    %reshape3A_1207 = vector.shape_cast %concatenate3A_1206 : vector<128x8x256xi32> to vector<1024x256xi32>
    %iota3A_1208 = tpu.iota {dimensions = array<i32: 0>} : vector<1024x1xi32>
    %and3A_1209 = arith.constant 2 : i32
    %and3A_1210 = vector.broadcast %and3A_1209 : i32 to vector<1024x1xi32>
    %and3A_1211 = arith.andi %iota3A_1208, %and3A_1210 : vector<1024x1xi32>
    %eq3A_1212 = arith.constant 0 : i32
    %eq3A_1213 = vector.broadcast %eq3A_1212 : i32 to vector<1024x1xi32>
    %eq3A_1214 = arith.cmpi eq, %and3A_1211, %eq3A_1213 : vector<1024x1xi32>
    %broadcast_in_dim3A_1215 = vector.shape_cast %eq3A_1214 : vector<1024x1xi1> to vector<1024x1xi1>
    %broadcast_in_dim3A_1216 = vector.broadcast %broadcast_in_dim3A_1215 : vector<1024x1xi1> to vector<1024x256xi1>
    %select_n3A_1217 = arith.select %broadcast_in_dim3A_1216, %reshape3A_1203, %reshape3A_1207 : vector<1024x256xi1>, vector<1024x256xi32>
    %gt3A_1218 = arith.cmpi sgt, %select_n3A_1178, %select_n3A_1198 : vector<1024x256xi32>
    %iota3A_1219 = tpu.iota {dimensions = array<i32: 0>} : vector<1024x1xi32>
    %and3A_1220 = arith.constant 2 : i32
    %and3A_1221 = vector.broadcast %and3A_1220 : i32 to vector<1024x1xi32>
    %and3A_1222 = arith.andi %iota3A_1219, %and3A_1221 : vector<1024x1xi32>
    %eq3A_1223 = arith.constant 0 : i32
    %eq3A_1224 = vector.broadcast %eq3A_1223 : i32 to vector<1024x1xi32>
    %eq3A_1225 = arith.cmpi eq, %and3A_1222, %eq3A_1224 : vector<1024x1xi32>
    %and3A_1226 = arith.constant 128 : i32
    %and3A_1227 = vector.broadcast %and3A_1226 : i32 to vector<1024x1xi32>
    %and3A_1228 = arith.andi %iota3A_1219, %and3A_1227 : vector<1024x1xi32>
    %eq3A_1229 = arith.constant 0 : i32
    %eq3A_1230 = vector.broadcast %eq3A_1229 : i32 to vector<1024x1xi32>
    %eq3A_1231 = arith.cmpi eq, %and3A_1228, %eq3A_1230 : vector<1024x1xi32>
    %eq3A_1232 = arith.xori %eq3A_1225, %eq3A_1231 : vector<1024x1xi1>
    %eq3A_1233 = arith.constant dense<true> : vector<1024x1xi1>
    %eq3A_1234 = arith.xori %eq3A_1232, %eq3A_1233 : vector<1024x1xi1>
    %eq3A_1235 = vector.broadcast %eq3A_1234 : vector<1024x1xi1> to vector<1024x256xi1>
    %eq3A_1236 = vector.broadcast %eq3A_1235 : vector<1024x256xi1> to vector<1024x256xi1>
    %eq3A_1237 = arith.xori %gt3A_1218, %eq3A_1236 : vector<1024x256xi1>
    %eq3A_1238 = arith.constant dense<true> : vector<1024x256xi1>
    %eq3A_1239 = arith.xori %eq3A_1237, %eq3A_1238 : vector<1024x256xi1>
    %select_n3A_1240 = arith.select %eq3A_1239, %select_n3A_1178, %select_n3A_1198 : vector<1024x256xi1>, vector<1024x256xi32>
    %select_n3A_1241 = arith.select %eq3A_1239, %select_n3A_1179, %select_n3A_1217 : vector<1024x256xi1>, vector<1024x256xi32>
    %reshape3A_1242 = vector.shape_cast %select_n3A_1240 : vector<1024x256xi32> to vector<128x8x256xi32>
    %slice3A_1243 = vector.extract_strided_slice %reshape3A_1242 {offsets = [0, 1, 0], sizes = [128, 7, 256], strides = [1, 1, 1]} : vector<128x8x256xi32> to vector<128x7x256xi32>
    %slice3A_1244 = vector.extract_strided_slice %reshape3A_1242 {offsets = [0, 0, 0], sizes = [128, 1, 256], strides = [1, 1, 1]} : vector<128x8x256xi32> to vector<128x1x256xi32>
    %concatenate3A_1245 = tpu.concatenate %slice3A_1243, %slice3A_1244 in 1 : vector<128x7x256xi32>, vector<128x1x256xi32> -> vector<128x8x256xi32>
    %reshape3A_1246 = vector.shape_cast %concatenate3A_1245 : vector<128x8x256xi32> to vector<1024x256xi32>
    %slice3A_1247 = vector.extract_strided_slice %reshape3A_1242 {offsets = [0, 7, 0], sizes = [128, 1, 256], strides = [1, 1, 1]} : vector<128x8x256xi32> to vector<128x1x256xi32>
    %slice3A_1248 = vector.extract_strided_slice %reshape3A_1242 {offsets = [0, 0, 0], sizes = [128, 7, 256], strides = [1, 1, 1]} : vector<128x8x256xi32> to vector<128x7x256xi32>
    %concatenate3A_1249 = tpu.concatenate %slice3A_1247, %slice3A_1248 in 1 : vector<128x1x256xi32>, vector<128x7x256xi32> -> vector<128x8x256xi32>
    %reshape3A_1250 = vector.shape_cast %concatenate3A_1249 : vector<128x8x256xi32> to vector<1024x256xi32>
    %iota3A_1251 = tpu.iota {dimensions = array<i32: 0>} : vector<1024x1xi32>
    %and3A_1252 = arith.constant 1 : i32
    %and3A_1253 = vector.broadcast %and3A_1252 : i32 to vector<1024x1xi32>
    %and3A_1254 = arith.andi %iota3A_1251, %and3A_1253 : vector<1024x1xi32>
    %eq3A_1255 = arith.constant 0 : i32
    %eq3A_1256 = vector.broadcast %eq3A_1255 : i32 to vector<1024x1xi32>
    %eq3A_1257 = arith.cmpi eq, %and3A_1254, %eq3A_1256 : vector<1024x1xi32>
    %broadcast_in_dim3A_1258 = vector.shape_cast %eq3A_1257 : vector<1024x1xi1> to vector<1024x1xi1>
    %broadcast_in_dim3A_1259 = vector.broadcast %broadcast_in_dim3A_1258 : vector<1024x1xi1> to vector<1024x256xi1>
    %select_n3A_1260 = arith.select %broadcast_in_dim3A_1259, %reshape3A_1246, %reshape3A_1250 : vector<1024x256xi1>, vector<1024x256xi32>
    %reshape3A_1261 = vector.shape_cast %select_n3A_1241 : vector<1024x256xi32> to vector<128x8x256xi32>
    %slice3A_1262 = vector.extract_strided_slice %reshape3A_1261 {offsets = [0, 1, 0], sizes = [128, 7, 256], strides = [1, 1, 1]} : vector<128x8x256xi32> to vector<128x7x256xi32>
    %slice3A_1263 = vector.extract_strided_slice %reshape3A_1261 {offsets = [0, 0, 0], sizes = [128, 1, 256], strides = [1, 1, 1]} : vector<128x8x256xi32> to vector<128x1x256xi32>
    %concatenate3A_1264 = tpu.concatenate %slice3A_1262, %slice3A_1263 in 1 : vector<128x7x256xi32>, vector<128x1x256xi32> -> vector<128x8x256xi32>
    %reshape3A_1265 = vector.shape_cast %concatenate3A_1264 : vector<128x8x256xi32> to vector<1024x256xi32>
    %slice3A_1266 = vector.extract_strided_slice %reshape3A_1261 {offsets = [0, 7, 0], sizes = [128, 1, 256], strides = [1, 1, 1]} : vector<128x8x256xi32> to vector<128x1x256xi32>
    %slice3A_1267 = vector.extract_strided_slice %reshape3A_1261 {offsets = [0, 0, 0], sizes = [128, 7, 256], strides = [1, 1, 1]} : vector<128x8x256xi32> to vector<128x7x256xi32>
    %concatenate3A_1268 = tpu.concatenate %slice3A_1266, %slice3A_1267 in 1 : vector<128x1x256xi32>, vector<128x7x256xi32> -> vector<128x8x256xi32>
    %reshape3A_1269 = vector.shape_cast %concatenate3A_1268 : vector<128x8x256xi32> to vector<1024x256xi32>
    %iota3A_1270 = tpu.iota {dimensions = array<i32: 0>} : vector<1024x1xi32>
    %and3A_1271 = arith.constant 1 : i32
    %and3A_1272 = vector.broadcast %and3A_1271 : i32 to vector<1024x1xi32>
    %and3A_1273 = arith.andi %iota3A_1270, %and3A_1272 : vector<1024x1xi32>
    %eq3A_1274 = arith.constant 0 : i32
    %eq3A_1275 = vector.broadcast %eq3A_1274 : i32 to vector<1024x1xi32>
    %eq3A_1276 = arith.cmpi eq, %and3A_1273, %eq3A_1275 : vector<1024x1xi32>
    %broadcast_in_dim3A_1277 = vector.shape_cast %eq3A_1276 : vector<1024x1xi1> to vector<1024x1xi1>
    %broadcast_in_dim3A_1278 = vector.broadcast %broadcast_in_dim3A_1277 : vector<1024x1xi1> to vector<1024x256xi1>
    %select_n3A_1279 = arith.select %broadcast_in_dim3A_1278, %reshape3A_1265, %reshape3A_1269 : vector<1024x256xi1>, vector<1024x256xi32>
    %gt3A_1280 = arith.cmpi sgt, %select_n3A_1240, %select_n3A_1260 : vector<1024x256xi32>
    %iota3A_1281 = tpu.iota {dimensions = array<i32: 0>} : vector<1024x1xi32>
    %and3A_1282 = arith.constant 1 : i32
    %and3A_1283 = vector.broadcast %and3A_1282 : i32 to vector<1024x1xi32>
    %and3A_1284 = arith.andi %iota3A_1281, %and3A_1283 : vector<1024x1xi32>
    %eq3A_1285 = arith.constant 0 : i32
    %eq3A_1286 = vector.broadcast %eq3A_1285 : i32 to vector<1024x1xi32>
    %eq3A_1287 = arith.cmpi eq, %and3A_1284, %eq3A_1286 : vector<1024x1xi32>
    %and3A_1288 = arith.constant 128 : i32
    %and3A_1289 = vector.broadcast %and3A_1288 : i32 to vector<1024x1xi32>
    %and3A_1290 = arith.andi %iota3A_1281, %and3A_1289 : vector<1024x1xi32>
    %eq3A_1291 = arith.constant 0 : i32
    %eq3A_1292 = vector.broadcast %eq3A_1291 : i32 to vector<1024x1xi32>
    %eq3A_1293 = arith.cmpi eq, %and3A_1290, %eq3A_1292 : vector<1024x1xi32>
    %eq3A_1294 = arith.xori %eq3A_1287, %eq3A_1293 : vector<1024x1xi1>
    %eq3A_1295 = arith.constant dense<true> : vector<1024x1xi1>
    %eq3A_1296 = arith.xori %eq3A_1294, %eq3A_1295 : vector<1024x1xi1>
    %eq3A_1297 = vector.broadcast %eq3A_1296 : vector<1024x1xi1> to vector<1024x256xi1>
    %eq3A_1298 = vector.broadcast %eq3A_1297 : vector<1024x256xi1> to vector<1024x256xi1>
    %eq3A_1299 = arith.xori %gt3A_1280, %eq3A_1298 : vector<1024x256xi1>
    %eq3A_1300 = arith.constant dense<true> : vector<1024x256xi1>
    %eq3A_1301 = arith.xori %eq3A_1299, %eq3A_1300 : vector<1024x256xi1>
    %select_n3A_1302 = arith.select %eq3A_1301, %select_n3A_1240, %select_n3A_1260 : vector<1024x256xi1>, vector<1024x256xi32>
    %select_n3A_1303 = arith.select %eq3A_1301, %select_n3A_1241, %select_n3A_1279 : vector<1024x256xi1>, vector<1024x256xi32>
    %reshape3A_1304 = vector.shape_cast %select_n3A_1302 : vector<1024x256xi32> to vector<4x2x128x256xi32>
    %reshape3A_1305 = vector.shape_cast %select_n3A_1303 : vector<1024x256xi32> to vector<4x2x128x256xi32>
    %slice3A_1306 = vector.extract_strided_slice %reshape3A_1304 {offsets = [0, 0, 0, 0], sizes = [4, 1, 128, 256], strides = [1, 1, 1, 1]} : vector<4x2x128x256xi32> to vector<4x1x128x256xi32>
    %squeeze3A_1307 = vector.shape_cast %slice3A_1306 : vector<4x1x128x256xi32> to vector<4x128x256xi32>
    %slice3A_1308 = vector.extract_strided_slice %reshape3A_1304 {offsets = [0, 1, 0, 0], sizes = [4, 1, 128, 256], strides = [1, 1, 1, 1]} : vector<4x2x128x256xi32> to vector<4x1x128x256xi32>
    %squeeze3A_1309 = vector.shape_cast %slice3A_1308 : vector<4x1x128x256xi32> to vector<4x128x256xi32>
    %slice3A_1310 = vector.extract_strided_slice %reshape3A_1305 {offsets = [0, 0, 0, 0], sizes = [4, 1, 128, 256], strides = [1, 1, 1, 1]} : vector<4x2x128x256xi32> to vector<4x1x128x256xi32>
    %squeeze3A_1311 = vector.shape_cast %slice3A_1310 : vector<4x1x128x256xi32> to vector<4x128x256xi32>
    %slice3A_1312 = vector.extract_strided_slice %reshape3A_1305 {offsets = [0, 1, 0, 0], sizes = [4, 1, 128, 256], strides = [1, 1, 1, 1]} : vector<4x2x128x256xi32> to vector<4x1x128x256xi32>
    %squeeze3A_1313 = vector.shape_cast %slice3A_1312 : vector<4x1x128x256xi32> to vector<4x128x256xi32>
    %gt3A_1314 = arith.cmpi sgt, %squeeze3A_1307, %squeeze3A_1309 : vector<4x128x256xi32>
    %iota3A_1315 = tpu.iota {dimensions = array<i32: 0>} : vector<4x1x1xi32>
    %and3A_1316 = arith.constant 1 : i32
    %and3A_1317 = vector.broadcast %and3A_1316 : i32 to vector<4x1x1xi32>
    %and3A_1318 = arith.andi %iota3A_1315, %and3A_1317 : vector<4x1x1xi32>
    %eq3A_1319 = arith.constant 0 : i32
    %eq3A_1320 = vector.broadcast %eq3A_1319 : i32 to vector<4x1x1xi32>
    %eq3A_1321 = arith.cmpi eq, %and3A_1318, %eq3A_1320 : vector<4x1x1xi32>
    %xor3A_1322 = vector.broadcast %eq3A_1321 : vector<4x1x1xi1> to vector<4x128x256xi1>
    %xor3A_1323 = arith.xori %gt3A_1314, %xor3A_1322 : vector<4x128x256xi1>
    %select_n3A_1324 = arith.select %xor3A_1323, %squeeze3A_1309, %squeeze3A_1307 : vector<4x128x256xi1>, vector<4x128x256xi32>
    %select_n3A_1325 = arith.select %xor3A_1323, %squeeze3A_1307, %squeeze3A_1309 : vector<4x128x256xi1>, vector<4x128x256xi32>
    %select_n3A_1326 = arith.select %xor3A_1323, %squeeze3A_1313, %squeeze3A_1311 : vector<4x128x256xi1>, vector<4x128x256xi32>
    %select_n3A_1327 = arith.select %xor3A_1323, %squeeze3A_1311, %squeeze3A_1313 : vector<4x128x256xi1>, vector<4x128x256xi32>
    %broadcast_in_dim3A_1328 = vector.shape_cast %select_n3A_1324 : vector<4x128x256xi32> to vector<4x1x128x256xi32>
    %broadcast_in_dim3A_1329 = vector.shape_cast %select_n3A_1325 : vector<4x128x256xi32> to vector<4x1x128x256xi32>
    %concatenate3A_1330 = tpu.concatenate %broadcast_in_dim3A_1328, %broadcast_in_dim3A_1329 in 1 : vector<4x1x128x256xi32>, vector<4x1x128x256xi32> -> vector<4x2x128x256xi32>
    %reshape3A_1331 = vector.shape_cast %concatenate3A_1330 : vector<4x2x128x256xi32> to vector<1024x256xi32>
    %broadcast_in_dim3A_1332 = vector.shape_cast %select_n3A_1326 : vector<4x128x256xi32> to vector<4x1x128x256xi32>
    %broadcast_in_dim3A_1333 = vector.shape_cast %select_n3A_1327 : vector<4x128x256xi32> to vector<4x1x128x256xi32>
    %concatenate3A_1334 = tpu.concatenate %broadcast_in_dim3A_1332, %broadcast_in_dim3A_1333 in 1 : vector<4x1x128x256xi32>, vector<4x1x128x256xi32> -> vector<4x2x128x256xi32>
    %reshape3A_1335 = vector.shape_cast %concatenate3A_1334 : vector<4x2x128x256xi32> to vector<1024x256xi32>
    %reshape3A_1336 = vector.shape_cast %reshape3A_1331 : vector<1024x256xi32> to vector<8x2x64x256xi32>
    %reshape3A_1337 = vector.shape_cast %reshape3A_1335 : vector<1024x256xi32> to vector<8x2x64x256xi32>
    %slice3A_1338 = vector.extract_strided_slice %reshape3A_1336 {offsets = [0, 0, 0, 0], sizes = [8, 1, 64, 256], strides = [1, 1, 1, 1]} : vector<8x2x64x256xi32> to vector<8x1x64x256xi32>
    %squeeze3A_1339 = vector.shape_cast %slice3A_1338 : vector<8x1x64x256xi32> to vector<8x64x256xi32>
    %slice3A_1340 = vector.extract_strided_slice %reshape3A_1336 {offsets = [0, 1, 0, 0], sizes = [8, 1, 64, 256], strides = [1, 1, 1, 1]} : vector<8x2x64x256xi32> to vector<8x1x64x256xi32>
    %squeeze3A_1341 = vector.shape_cast %slice3A_1340 : vector<8x1x64x256xi32> to vector<8x64x256xi32>
    %slice3A_1342 = vector.extract_strided_slice %reshape3A_1337 {offsets = [0, 0, 0, 0], sizes = [8, 1, 64, 256], strides = [1, 1, 1, 1]} : vector<8x2x64x256xi32> to vector<8x1x64x256xi32>
    %squeeze3A_1343 = vector.shape_cast %slice3A_1342 : vector<8x1x64x256xi32> to vector<8x64x256xi32>
    %slice3A_1344 = vector.extract_strided_slice %reshape3A_1337 {offsets = [0, 1, 0, 0], sizes = [8, 1, 64, 256], strides = [1, 1, 1, 1]} : vector<8x2x64x256xi32> to vector<8x1x64x256xi32>
    %squeeze3A_1345 = vector.shape_cast %slice3A_1344 : vector<8x1x64x256xi32> to vector<8x64x256xi32>
    %gt3A_1346 = arith.cmpi sgt, %squeeze3A_1339, %squeeze3A_1341 : vector<8x64x256xi32>
    %iota3A_1347 = tpu.iota {dimensions = array<i32: 0>} : vector<8x1x1xi32>
    %and3A_1348 = arith.constant 2 : i32
    %and3A_1349 = vector.broadcast %and3A_1348 : i32 to vector<8x1x1xi32>
    %and3A_1350 = arith.andi %iota3A_1347, %and3A_1349 : vector<8x1x1xi32>
    %eq3A_1351 = arith.constant 0 : i32
    %eq3A_1352 = vector.broadcast %eq3A_1351 : i32 to vector<8x1x1xi32>
    %eq3A_1353 = arith.cmpi eq, %and3A_1350, %eq3A_1352 : vector<8x1x1xi32>
    %xor3A_1354 = vector.broadcast %eq3A_1353 : vector<8x1x1xi1> to vector<8x64x256xi1>
    %xor3A_1355 = arith.xori %gt3A_1346, %xor3A_1354 : vector<8x64x256xi1>
    %select_n3A_1356 = arith.select %xor3A_1355, %squeeze3A_1341, %squeeze3A_1339 : vector<8x64x256xi1>, vector<8x64x256xi32>
    %select_n3A_1357 = arith.select %xor3A_1355, %squeeze3A_1339, %squeeze3A_1341 : vector<8x64x256xi1>, vector<8x64x256xi32>
    %select_n3A_1358 = arith.select %xor3A_1355, %squeeze3A_1345, %squeeze3A_1343 : vector<8x64x256xi1>, vector<8x64x256xi32>
    %select_n3A_1359 = arith.select %xor3A_1355, %squeeze3A_1343, %squeeze3A_1345 : vector<8x64x256xi1>, vector<8x64x256xi32>
    %broadcast_in_dim3A_1360 = vector.shape_cast %select_n3A_1356 : vector<8x64x256xi32> to vector<8x1x64x256xi32>
    %broadcast_in_dim3A_1361 = vector.shape_cast %select_n3A_1357 : vector<8x64x256xi32> to vector<8x1x64x256xi32>
    %concatenate3A_1362 = tpu.concatenate %broadcast_in_dim3A_1360, %broadcast_in_dim3A_1361 in 1 : vector<8x1x64x256xi32>, vector<8x1x64x256xi32> -> vector<8x2x64x256xi32>
    %reshape3A_1363 = vector.shape_cast %concatenate3A_1362 : vector<8x2x64x256xi32> to vector<1024x256xi32>
    %broadcast_in_dim3A_1364 = vector.shape_cast %select_n3A_1358 : vector<8x64x256xi32> to vector<8x1x64x256xi32>
    %broadcast_in_dim3A_1365 = vector.shape_cast %select_n3A_1359 : vector<8x64x256xi32> to vector<8x1x64x256xi32>
    %concatenate3A_1366 = tpu.concatenate %broadcast_in_dim3A_1364, %broadcast_in_dim3A_1365 in 1 : vector<8x1x64x256xi32>, vector<8x1x64x256xi32> -> vector<8x2x64x256xi32>
    %reshape3A_1367 = vector.shape_cast %concatenate3A_1366 : vector<8x2x64x256xi32> to vector<1024x256xi32>
    %reshape3A_1368 = vector.shape_cast %reshape3A_1363 : vector<1024x256xi32> to vector<16x2x32x256xi32>
    %reshape3A_1369 = vector.shape_cast %reshape3A_1367 : vector<1024x256xi32> to vector<16x2x32x256xi32>
    %slice3A_1370 = vector.extract_strided_slice %reshape3A_1368 {offsets = [0, 0, 0, 0], sizes = [16, 1, 32, 256], strides = [1, 1, 1, 1]} : vector<16x2x32x256xi32> to vector<16x1x32x256xi32>
    %squeeze3A_1371 = vector.shape_cast %slice3A_1370 : vector<16x1x32x256xi32> to vector<16x32x256xi32>
    %slice3A_1372 = vector.extract_strided_slice %reshape3A_1368 {offsets = [0, 1, 0, 0], sizes = [16, 1, 32, 256], strides = [1, 1, 1, 1]} : vector<16x2x32x256xi32> to vector<16x1x32x256xi32>
    %squeeze3A_1373 = vector.shape_cast %slice3A_1372 : vector<16x1x32x256xi32> to vector<16x32x256xi32>
    %slice3A_1374 = vector.extract_strided_slice %reshape3A_1369 {offsets = [0, 0, 0, 0], sizes = [16, 1, 32, 256], strides = [1, 1, 1, 1]} : vector<16x2x32x256xi32> to vector<16x1x32x256xi32>
    %squeeze3A_1375 = vector.shape_cast %slice3A_1374 : vector<16x1x32x256xi32> to vector<16x32x256xi32>
    %slice3A_1376 = vector.extract_strided_slice %reshape3A_1369 {offsets = [0, 1, 0, 0], sizes = [16, 1, 32, 256], strides = [1, 1, 1, 1]} : vector<16x2x32x256xi32> to vector<16x1x32x256xi32>
    %squeeze3A_1377 = vector.shape_cast %slice3A_1376 : vector<16x1x32x256xi32> to vector<16x32x256xi32>
    %gt3A_1378 = arith.cmpi sgt, %squeeze3A_1371, %squeeze3A_1373 : vector<16x32x256xi32>
    %iota3A_1379 = tpu.iota {dimensions = array<i32: 0>} : vector<16x1x1xi32>
    %and3A_1380 = arith.constant 4 : i32
    %and3A_1381 = vector.broadcast %and3A_1380 : i32 to vector<16x1x1xi32>
    %and3A_1382 = arith.andi %iota3A_1379, %and3A_1381 : vector<16x1x1xi32>
    %eq3A_1383 = arith.constant 0 : i32
    %eq3A_1384 = vector.broadcast %eq3A_1383 : i32 to vector<16x1x1xi32>
    %eq3A_1385 = arith.cmpi eq, %and3A_1382, %eq3A_1384 : vector<16x1x1xi32>
    %xor3A_1386 = vector.broadcast %eq3A_1385 : vector<16x1x1xi1> to vector<16x32x256xi1>
    %xor3A_1387 = arith.xori %gt3A_1378, %xor3A_1386 : vector<16x32x256xi1>
    %select_n3A_1388 = arith.select %xor3A_1387, %squeeze3A_1373, %squeeze3A_1371 : vector<16x32x256xi1>, vector<16x32x256xi32>
    %select_n3A_1389 = arith.select %xor3A_1387, %squeeze3A_1371, %squeeze3A_1373 : vector<16x32x256xi1>, vector<16x32x256xi32>
    %select_n3A_1390 = arith.select %xor3A_1387, %squeeze3A_1377, %squeeze3A_1375 : vector<16x32x256xi1>, vector<16x32x256xi32>
    %select_n3A_1391 = arith.select %xor3A_1387, %squeeze3A_1375, %squeeze3A_1377 : vector<16x32x256xi1>, vector<16x32x256xi32>
    %broadcast_in_dim3A_1392 = vector.shape_cast %select_n3A_1388 : vector<16x32x256xi32> to vector<16x1x32x256xi32>
    %broadcast_in_dim3A_1393 = vector.shape_cast %select_n3A_1389 : vector<16x32x256xi32> to vector<16x1x32x256xi32>
    %concatenate3A_1394 = tpu.concatenate %broadcast_in_dim3A_1392, %broadcast_in_dim3A_1393 in 1 : vector<16x1x32x256xi32>, vector<16x1x32x256xi32> -> vector<16x2x32x256xi32>
    %reshape3A_1395 = vector.shape_cast %concatenate3A_1394 : vector<16x2x32x256xi32> to vector<1024x256xi32>
    %broadcast_in_dim3A_1396 = vector.shape_cast %select_n3A_1390 : vector<16x32x256xi32> to vector<16x1x32x256xi32>
    %broadcast_in_dim3A_1397 = vector.shape_cast %select_n3A_1391 : vector<16x32x256xi32> to vector<16x1x32x256xi32>
    %concatenate3A_1398 = tpu.concatenate %broadcast_in_dim3A_1396, %broadcast_in_dim3A_1397 in 1 : vector<16x1x32x256xi32>, vector<16x1x32x256xi32> -> vector<16x2x32x256xi32>
    %reshape3A_1399 = vector.shape_cast %concatenate3A_1398 : vector<16x2x32x256xi32> to vector<1024x256xi32>
    %reshape3A_1400 = vector.shape_cast %reshape3A_1395 : vector<1024x256xi32> to vector<32x2x16x256xi32>
    %reshape3A_1401 = vector.shape_cast %reshape3A_1399 : vector<1024x256xi32> to vector<32x2x16x256xi32>
    %slice3A_1402 = vector.extract_strided_slice %reshape3A_1400 {offsets = [0, 0, 0, 0], sizes = [32, 1, 16, 256], strides = [1, 1, 1, 1]} : vector<32x2x16x256xi32> to vector<32x1x16x256xi32>
    %squeeze3A_1403 = vector.shape_cast %slice3A_1402 : vector<32x1x16x256xi32> to vector<32x16x256xi32>
    %slice3A_1404 = vector.extract_strided_slice %reshape3A_1400 {offsets = [0, 1, 0, 0], sizes = [32, 1, 16, 256], strides = [1, 1, 1, 1]} : vector<32x2x16x256xi32> to vector<32x1x16x256xi32>
    %squeeze3A_1405 = vector.shape_cast %slice3A_1404 : vector<32x1x16x256xi32> to vector<32x16x256xi32>
    %slice3A_1406 = vector.extract_strided_slice %reshape3A_1401 {offsets = [0, 0, 0, 0], sizes = [32, 1, 16, 256], strides = [1, 1, 1, 1]} : vector<32x2x16x256xi32> to vector<32x1x16x256xi32>
    %squeeze3A_1407 = vector.shape_cast %slice3A_1406 : vector<32x1x16x256xi32> to vector<32x16x256xi32>
    %slice3A_1408 = vector.extract_strided_slice %reshape3A_1401 {offsets = [0, 1, 0, 0], sizes = [32, 1, 16, 256], strides = [1, 1, 1, 1]} : vector<32x2x16x256xi32> to vector<32x1x16x256xi32>
    %squeeze3A_1409 = vector.shape_cast %slice3A_1408 : vector<32x1x16x256xi32> to vector<32x16x256xi32>
    %gt3A_1410 = arith.cmpi sgt, %squeeze3A_1403, %squeeze3A_1405 : vector<32x16x256xi32>
    %iota3A_1411 = tpu.iota {dimensions = array<i32: 0>} : vector<32x1x1xi32>
    %and3A_1412 = arith.constant 8 : i32
    %and3A_1413 = vector.broadcast %and3A_1412 : i32 to vector<32x1x1xi32>
    %and3A_1414 = arith.andi %iota3A_1411, %and3A_1413 : vector<32x1x1xi32>
    %eq3A_1415 = arith.constant 0 : i32
    %eq3A_1416 = vector.broadcast %eq3A_1415 : i32 to vector<32x1x1xi32>
    %eq3A_1417 = arith.cmpi eq, %and3A_1414, %eq3A_1416 : vector<32x1x1xi32>
    %xor3A_1418 = vector.broadcast %eq3A_1417 : vector<32x1x1xi1> to vector<32x16x256xi1>
    %xor3A_1419 = arith.xori %gt3A_1410, %xor3A_1418 : vector<32x16x256xi1>
    %select_n3A_1420 = arith.select %xor3A_1419, %squeeze3A_1405, %squeeze3A_1403 : vector<32x16x256xi1>, vector<32x16x256xi32>
    %select_n3A_1421 = arith.select %xor3A_1419, %squeeze3A_1403, %squeeze3A_1405 : vector<32x16x256xi1>, vector<32x16x256xi32>
    %select_n3A_1422 = arith.select %xor3A_1419, %squeeze3A_1409, %squeeze3A_1407 : vector<32x16x256xi1>, vector<32x16x256xi32>
    %select_n3A_1423 = arith.select %xor3A_1419, %squeeze3A_1407, %squeeze3A_1409 : vector<32x16x256xi1>, vector<32x16x256xi32>
    %broadcast_in_dim3A_1424 = vector.shape_cast %select_n3A_1420 : vector<32x16x256xi32> to vector<32x1x16x256xi32>
    %broadcast_in_dim3A_1425 = vector.shape_cast %select_n3A_1421 : vector<32x16x256xi32> to vector<32x1x16x256xi32>
    %concatenate3A_1426 = tpu.concatenate %broadcast_in_dim3A_1424, %broadcast_in_dim3A_1425 in 1 : vector<32x1x16x256xi32>, vector<32x1x16x256xi32> -> vector<32x2x16x256xi32>
    %reshape3A_1427 = vector.shape_cast %concatenate3A_1426 : vector<32x2x16x256xi32> to vector<1024x256xi32>
    %broadcast_in_dim3A_1428 = vector.shape_cast %select_n3A_1422 : vector<32x16x256xi32> to vector<32x1x16x256xi32>
    %broadcast_in_dim3A_1429 = vector.shape_cast %select_n3A_1423 : vector<32x16x256xi32> to vector<32x1x16x256xi32>
    %concatenate3A_1430 = tpu.concatenate %broadcast_in_dim3A_1428, %broadcast_in_dim3A_1429 in 1 : vector<32x1x16x256xi32>, vector<32x1x16x256xi32> -> vector<32x2x16x256xi32>
    %reshape3A_1431 = vector.shape_cast %concatenate3A_1430 : vector<32x2x16x256xi32> to vector<1024x256xi32>
    %reshape3A_1432 = vector.shape_cast %reshape3A_1427 : vector<1024x256xi32> to vector<64x2x8x256xi32>
    %reshape3A_1433 = vector.shape_cast %reshape3A_1431 : vector<1024x256xi32> to vector<64x2x8x256xi32>
    %slice3A_1434 = vector.extract_strided_slice %reshape3A_1432 {offsets = [0, 0, 0, 0], sizes = [64, 1, 8, 256], strides = [1, 1, 1, 1]} : vector<64x2x8x256xi32> to vector<64x1x8x256xi32>
    %squeeze3A_1435 = vector.shape_cast %slice3A_1434 : vector<64x1x8x256xi32> to vector<64x8x256xi32>
    %slice3A_1436 = vector.extract_strided_slice %reshape3A_1432 {offsets = [0, 1, 0, 0], sizes = [64, 1, 8, 256], strides = [1, 1, 1, 1]} : vector<64x2x8x256xi32> to vector<64x1x8x256xi32>
    %squeeze3A_1437 = vector.shape_cast %slice3A_1436 : vector<64x1x8x256xi32> to vector<64x8x256xi32>
    %slice3A_1438 = vector.extract_strided_slice %reshape3A_1433 {offsets = [0, 0, 0, 0], sizes = [64, 1, 8, 256], strides = [1, 1, 1, 1]} : vector<64x2x8x256xi32> to vector<64x1x8x256xi32>
    %squeeze3A_1439 = vector.shape_cast %slice3A_1438 : vector<64x1x8x256xi32> to vector<64x8x256xi32>
    %slice3A_1440 = vector.extract_strided_slice %reshape3A_1433 {offsets = [0, 1, 0, 0], sizes = [64, 1, 8, 256], strides = [1, 1, 1, 1]} : vector<64x2x8x256xi32> to vector<64x1x8x256xi32>
    %squeeze3A_1441 = vector.shape_cast %slice3A_1440 : vector<64x1x8x256xi32> to vector<64x8x256xi32>
    %gt3A_1442 = arith.cmpi sgt, %squeeze3A_1435, %squeeze3A_1437 : vector<64x8x256xi32>
    %iota3A_1443 = tpu.iota {dimensions = array<i32: 0>} : vector<64x1x1xi32>
    %and3A_1444 = arith.constant 16 : i32
    %and3A_1445 = vector.broadcast %and3A_1444 : i32 to vector<64x1x1xi32>
    %and3A_1446 = arith.andi %iota3A_1443, %and3A_1445 : vector<64x1x1xi32>
    %eq3A_1447 = arith.constant 0 : i32
    %eq3A_1448 = vector.broadcast %eq3A_1447 : i32 to vector<64x1x1xi32>
    %eq3A_1449 = arith.cmpi eq, %and3A_1446, %eq3A_1448 : vector<64x1x1xi32>
    %xor3A_1450 = vector.broadcast %eq3A_1449 : vector<64x1x1xi1> to vector<64x8x256xi1>
    %xor3A_1451 = arith.xori %gt3A_1442, %xor3A_1450 : vector<64x8x256xi1>
    %select_n3A_1452 = arith.select %xor3A_1451, %squeeze3A_1437, %squeeze3A_1435 : vector<64x8x256xi1>, vector<64x8x256xi32>
    %select_n3A_1453 = arith.select %xor3A_1451, %squeeze3A_1435, %squeeze3A_1437 : vector<64x8x256xi1>, vector<64x8x256xi32>
    %select_n3A_1454 = arith.select %xor3A_1451, %squeeze3A_1441, %squeeze3A_1439 : vector<64x8x256xi1>, vector<64x8x256xi32>
    %select_n3A_1455 = arith.select %xor3A_1451, %squeeze3A_1439, %squeeze3A_1441 : vector<64x8x256xi1>, vector<64x8x256xi32>
    %broadcast_in_dim3A_1456 = vector.shape_cast %select_n3A_1452 : vector<64x8x256xi32> to vector<64x1x8x256xi32>
    %broadcast_in_dim3A_1457 = vector.shape_cast %select_n3A_1453 : vector<64x8x256xi32> to vector<64x1x8x256xi32>
    %concatenate3A_1458 = tpu.concatenate %broadcast_in_dim3A_1456, %broadcast_in_dim3A_1457 in 1 : vector<64x1x8x256xi32>, vector<64x1x8x256xi32> -> vector<64x2x8x256xi32>
    %reshape3A_1459 = vector.shape_cast %concatenate3A_1458 : vector<64x2x8x256xi32> to vector<1024x256xi32>
    %broadcast_in_dim3A_1460 = vector.shape_cast %select_n3A_1454 : vector<64x8x256xi32> to vector<64x1x8x256xi32>
    %broadcast_in_dim3A_1461 = vector.shape_cast %select_n3A_1455 : vector<64x8x256xi32> to vector<64x1x8x256xi32>
    %concatenate3A_1462 = tpu.concatenate %broadcast_in_dim3A_1460, %broadcast_in_dim3A_1461 in 1 : vector<64x1x8x256xi32>, vector<64x1x8x256xi32> -> vector<64x2x8x256xi32>
    %reshape3A_1463 = vector.shape_cast %concatenate3A_1462 : vector<64x2x8x256xi32> to vector<1024x256xi32>
    %reshape3A_1464 = vector.shape_cast %reshape3A_1459 : vector<1024x256xi32> to vector<128x8x256xi32>
    %slice3A_1465 = vector.extract_strided_slice %reshape3A_1464 {offsets = [0, 4, 0], sizes = [128, 4, 256], strides = [1, 1, 1]} : vector<128x8x256xi32> to vector<128x4x256xi32>
    %slice3A_1466 = vector.extract_strided_slice %reshape3A_1464 {offsets = [0, 0, 0], sizes = [128, 4, 256], strides = [1, 1, 1]} : vector<128x8x256xi32> to vector<128x4x256xi32>
    %concatenate3A_1467 = tpu.concatenate %slice3A_1465, %slice3A_1466 in 1 : vector<128x4x256xi32>, vector<128x4x256xi32> -> vector<128x8x256xi32>
    %reshape3A_1468 = vector.shape_cast %concatenate3A_1467 : vector<128x8x256xi32> to vector<1024x256xi32>
    %reshape3A_1469 = vector.shape_cast %reshape3A_1463 : vector<1024x256xi32> to vector<128x8x256xi32>
    %slice3A_1470 = vector.extract_strided_slice %reshape3A_1469 {offsets = [0, 4, 0], sizes = [128, 4, 256], strides = [1, 1, 1]} : vector<128x8x256xi32> to vector<128x4x256xi32>
    %slice3A_1471 = vector.extract_strided_slice %reshape3A_1469 {offsets = [0, 0, 0], sizes = [128, 4, 256], strides = [1, 1, 1]} : vector<128x8x256xi32> to vector<128x4x256xi32>
    %concatenate3A_1472 = tpu.concatenate %slice3A_1470, %slice3A_1471 in 1 : vector<128x4x256xi32>, vector<128x4x256xi32> -> vector<128x8x256xi32>
    %reshape3A_1473 = vector.shape_cast %concatenate3A_1472 : vector<128x8x256xi32> to vector<1024x256xi32>
    %gt3A_1474 = arith.cmpi sgt, %reshape3A_1459, %reshape3A_1468 : vector<1024x256xi32>
    %iota3A_1475 = tpu.iota {dimensions = array<i32: 0>} : vector<1024x1xi32>
    %and3A_1476 = arith.constant 4 : i32
    %and3A_1477 = vector.broadcast %and3A_1476 : i32 to vector<1024x1xi32>
    %and3A_1478 = arith.andi %iota3A_1475, %and3A_1477 : vector<1024x1xi32>
    %eq3A_1479 = arith.constant 0 : i32
    %eq3A_1480 = vector.broadcast %eq3A_1479 : i32 to vector<1024x1xi32>
    %eq3A_1481 = arith.cmpi eq, %and3A_1478, %eq3A_1480 : vector<1024x1xi32>
    %and3A_1482 = arith.constant 256 : i32
    %and3A_1483 = vector.broadcast %and3A_1482 : i32 to vector<1024x1xi32>
    %and3A_1484 = arith.andi %iota3A_1475, %and3A_1483 : vector<1024x1xi32>
    %eq3A_1485 = arith.constant 0 : i32
    %eq3A_1486 = vector.broadcast %eq3A_1485 : i32 to vector<1024x1xi32>
    %eq3A_1487 = arith.cmpi eq, %and3A_1484, %eq3A_1486 : vector<1024x1xi32>
    %eq3A_1488 = arith.xori %eq3A_1481, %eq3A_1487 : vector<1024x1xi1>
    %eq3A_1489 = arith.constant dense<true> : vector<1024x1xi1>
    %eq3A_1490 = arith.xori %eq3A_1488, %eq3A_1489 : vector<1024x1xi1>
    %eq3A_1491 = vector.broadcast %eq3A_1490 : vector<1024x1xi1> to vector<1024x256xi1>
    %eq3A_1492 = vector.broadcast %eq3A_1491 : vector<1024x256xi1> to vector<1024x256xi1>
    %eq3A_1493 = arith.xori %gt3A_1474, %eq3A_1492 : vector<1024x256xi1>
    %eq3A_1494 = arith.constant dense<true> : vector<1024x256xi1>
    %eq3A_1495 = arith.xori %eq3A_1493, %eq3A_1494 : vector<1024x256xi1>
    %select_n3A_1496 = arith.select %eq3A_1495, %reshape3A_1459, %reshape3A_1468 : vector<1024x256xi1>, vector<1024x256xi32>
    %select_n3A_1497 = arith.select %eq3A_1495, %reshape3A_1463, %reshape3A_1473 : vector<1024x256xi1>, vector<1024x256xi32>
    %reshape3A_1498 = vector.shape_cast %select_n3A_1496 : vector<1024x256xi32> to vector<128x8x256xi32>
    %slice3A_1499 = vector.extract_strided_slice %reshape3A_1498 {offsets = [0, 2, 0], sizes = [128, 6, 256], strides = [1, 1, 1]} : vector<128x8x256xi32> to vector<128x6x256xi32>
    %slice3A_1500 = vector.extract_strided_slice %reshape3A_1498 {offsets = [0, 0, 0], sizes = [128, 2, 256], strides = [1, 1, 1]} : vector<128x8x256xi32> to vector<128x2x256xi32>
    %concatenate3A_1501 = tpu.concatenate %slice3A_1499, %slice3A_1500 in 1 : vector<128x6x256xi32>, vector<128x2x256xi32> -> vector<128x8x256xi32>
    %reshape3A_1502 = vector.shape_cast %concatenate3A_1501 : vector<128x8x256xi32> to vector<1024x256xi32>
    %slice3A_1503 = vector.extract_strided_slice %reshape3A_1498 {offsets = [0, 6, 0], sizes = [128, 2, 256], strides = [1, 1, 1]} : vector<128x8x256xi32> to vector<128x2x256xi32>
    %slice3A_1504 = vector.extract_strided_slice %reshape3A_1498 {offsets = [0, 0, 0], sizes = [128, 6, 256], strides = [1, 1, 1]} : vector<128x8x256xi32> to vector<128x6x256xi32>
    %concatenate3A_1505 = tpu.concatenate %slice3A_1503, %slice3A_1504 in 1 : vector<128x2x256xi32>, vector<128x6x256xi32> -> vector<128x8x256xi32>
    %reshape3A_1506 = vector.shape_cast %concatenate3A_1505 : vector<128x8x256xi32> to vector<1024x256xi32>
    %iota3A_1507 = tpu.iota {dimensions = array<i32: 0>} : vector<1024x1xi32>
    %and3A_1508 = arith.constant 2 : i32
    %and3A_1509 = vector.broadcast %and3A_1508 : i32 to vector<1024x1xi32>
    %and3A_1510 = arith.andi %iota3A_1507, %and3A_1509 : vector<1024x1xi32>
    %eq3A_1511 = arith.constant 0 : i32
    %eq3A_1512 = vector.broadcast %eq3A_1511 : i32 to vector<1024x1xi32>
    %eq3A_1513 = arith.cmpi eq, %and3A_1510, %eq3A_1512 : vector<1024x1xi32>
    %broadcast_in_dim3A_1514 = vector.shape_cast %eq3A_1513 : vector<1024x1xi1> to vector<1024x1xi1>
    %broadcast_in_dim3A_1515 = vector.broadcast %broadcast_in_dim3A_1514 : vector<1024x1xi1> to vector<1024x256xi1>
    %select_n3A_1516 = arith.select %broadcast_in_dim3A_1515, %reshape3A_1502, %reshape3A_1506 : vector<1024x256xi1>, vector<1024x256xi32>
    %reshape3A_1517 = vector.shape_cast %select_n3A_1497 : vector<1024x256xi32> to vector<128x8x256xi32>
    %slice3A_1518 = vector.extract_strided_slice %reshape3A_1517 {offsets = [0, 2, 0], sizes = [128, 6, 256], strides = [1, 1, 1]} : vector<128x8x256xi32> to vector<128x6x256xi32>
    %slice3A_1519 = vector.extract_strided_slice %reshape3A_1517 {offsets = [0, 0, 0], sizes = [128, 2, 256], strides = [1, 1, 1]} : vector<128x8x256xi32> to vector<128x2x256xi32>
    %concatenate3A_1520 = tpu.concatenate %slice3A_1518, %slice3A_1519 in 1 : vector<128x6x256xi32>, vector<128x2x256xi32> -> vector<128x8x256xi32>
    %reshape3A_1521 = vector.shape_cast %concatenate3A_1520 : vector<128x8x256xi32> to vector<1024x256xi32>
    %slice3A_1522 = vector.extract_strided_slice %reshape3A_1517 {offsets = [0, 6, 0], sizes = [128, 2, 256], strides = [1, 1, 1]} : vector<128x8x256xi32> to vector<128x2x256xi32>
    %slice3A_1523 = vector.extract_strided_slice %reshape3A_1517 {offsets = [0, 0, 0], sizes = [128, 6, 256], strides = [1, 1, 1]} : vector<128x8x256xi32> to vector<128x6x256xi32>
    %concatenate3A_1524 = tpu.concatenate %slice3A_1522, %slice3A_1523 in 1 : vector<128x2x256xi32>, vector<128x6x256xi32> -> vector<128x8x256xi32>
    %reshape3A_1525 = vector.shape_cast %concatenate3A_1524 : vector<128x8x256xi32> to vector<1024x256xi32>
    %iota3A_1526 = tpu.iota {dimensions = array<i32: 0>} : vector<1024x1xi32>
    %and3A_1527 = arith.constant 2 : i32
    %and3A_1528 = vector.broadcast %and3A_1527 : i32 to vector<1024x1xi32>
    %and3A_1529 = arith.andi %iota3A_1526, %and3A_1528 : vector<1024x1xi32>
    %eq3A_1530 = arith.constant 0 : i32
    %eq3A_1531 = vector.broadcast %eq3A_1530 : i32 to vector<1024x1xi32>
    %eq3A_1532 = arith.cmpi eq, %and3A_1529, %eq3A_1531 : vector<1024x1xi32>
    %broadcast_in_dim3A_1533 = vector.shape_cast %eq3A_1532 : vector<1024x1xi1> to vector<1024x1xi1>
    %broadcast_in_dim3A_1534 = vector.broadcast %broadcast_in_dim3A_1533 : vector<1024x1xi1> to vector<1024x256xi1>
    %select_n3A_1535 = arith.select %broadcast_in_dim3A_1534, %reshape3A_1521, %reshape3A_1525 : vector<1024x256xi1>, vector<1024x256xi32>
    %gt3A_1536 = arith.cmpi sgt, %select_n3A_1496, %select_n3A_1516 : vector<1024x256xi32>
    %iota3A_1537 = tpu.iota {dimensions = array<i32: 0>} : vector<1024x1xi32>
    %and3A_1538 = arith.constant 2 : i32
    %and3A_1539 = vector.broadcast %and3A_1538 : i32 to vector<1024x1xi32>
    %and3A_1540 = arith.andi %iota3A_1537, %and3A_1539 : vector<1024x1xi32>
    %eq3A_1541 = arith.constant 0 : i32
    %eq3A_1542 = vector.broadcast %eq3A_1541 : i32 to vector<1024x1xi32>
    %eq3A_1543 = arith.cmpi eq, %and3A_1540, %eq3A_1542 : vector<1024x1xi32>
    %and3A_1544 = arith.constant 256 : i32
    %and3A_1545 = vector.broadcast %and3A_1544 : i32 to vector<1024x1xi32>
    %and3A_1546 = arith.andi %iota3A_1537, %and3A_1545 : vector<1024x1xi32>
    %eq3A_1547 = arith.constant 0 : i32
    %eq3A_1548 = vector.broadcast %eq3A_1547 : i32 to vector<1024x1xi32>
    %eq3A_1549 = arith.cmpi eq, %and3A_1546, %eq3A_1548 : vector<1024x1xi32>
    %eq3A_1550 = arith.xori %eq3A_1543, %eq3A_1549 : vector<1024x1xi1>
    %eq3A_1551 = arith.constant dense<true> : vector<1024x1xi1>
    %eq3A_1552 = arith.xori %eq3A_1550, %eq3A_1551 : vector<1024x1xi1>
    %eq3A_1553 = vector.broadcast %eq3A_1552 : vector<1024x1xi1> to vector<1024x256xi1>
    %eq3A_1554 = vector.broadcast %eq3A_1553 : vector<1024x256xi1> to vector<1024x256xi1>
    %eq3A_1555 = arith.xori %gt3A_1536, %eq3A_1554 : vector<1024x256xi1>
    %eq3A_1556 = arith.constant dense<true> : vector<1024x256xi1>
    %eq3A_1557 = arith.xori %eq3A_1555, %eq3A_1556 : vector<1024x256xi1>
    %select_n3A_1558 = arith.select %eq3A_1557, %select_n3A_1496, %select_n3A_1516 : vector<1024x256xi1>, vector<1024x256xi32>
    %select_n3A_1559 = arith.select %eq3A_1557, %select_n3A_1497, %select_n3A_1535 : vector<1024x256xi1>, vector<1024x256xi32>
    %reshape3A_1560 = vector.shape_cast %select_n3A_1558 : vector<1024x256xi32> to vector<128x8x256xi32>
    %slice3A_1561 = vector.extract_strided_slice %reshape3A_1560 {offsets = [0, 1, 0], sizes = [128, 7, 256], strides = [1, 1, 1]} : vector<128x8x256xi32> to vector<128x7x256xi32>
    %slice3A_1562 = vector.extract_strided_slice %reshape3A_1560 {offsets = [0, 0, 0], sizes = [128, 1, 256], strides = [1, 1, 1]} : vector<128x8x256xi32> to vector<128x1x256xi32>
    %concatenate3A_1563 = tpu.concatenate %slice3A_1561, %slice3A_1562 in 1 : vector<128x7x256xi32>, vector<128x1x256xi32> -> vector<128x8x256xi32>
    %reshape3A_1564 = vector.shape_cast %concatenate3A_1563 : vector<128x8x256xi32> to vector<1024x256xi32>
    %slice3A_1565 = vector.extract_strided_slice %reshape3A_1560 {offsets = [0, 7, 0], sizes = [128, 1, 256], strides = [1, 1, 1]} : vector<128x8x256xi32> to vector<128x1x256xi32>
    %slice3A_1566 = vector.extract_strided_slice %reshape3A_1560 {offsets = [0, 0, 0], sizes = [128, 7, 256], strides = [1, 1, 1]} : vector<128x8x256xi32> to vector<128x7x256xi32>
    %concatenate3A_1567 = tpu.concatenate %slice3A_1565, %slice3A_1566 in 1 : vector<128x1x256xi32>, vector<128x7x256xi32> -> vector<128x8x256xi32>
    %reshape3A_1568 = vector.shape_cast %concatenate3A_1567 : vector<128x8x256xi32> to vector<1024x256xi32>
    %iota3A_1569 = tpu.iota {dimensions = array<i32: 0>} : vector<1024x1xi32>
    %and3A_1570 = arith.constant 1 : i32
    %and3A_1571 = vector.broadcast %and3A_1570 : i32 to vector<1024x1xi32>
    %and3A_1572 = arith.andi %iota3A_1569, %and3A_1571 : vector<1024x1xi32>
    %eq3A_1573 = arith.constant 0 : i32
    %eq3A_1574 = vector.broadcast %eq3A_1573 : i32 to vector<1024x1xi32>
    %eq3A_1575 = arith.cmpi eq, %and3A_1572, %eq3A_1574 : vector<1024x1xi32>
    %broadcast_in_dim3A_1576 = vector.shape_cast %eq3A_1575 : vector<1024x1xi1> to vector<1024x1xi1>
    %broadcast_in_dim3A_1577 = vector.broadcast %broadcast_in_dim3A_1576 : vector<1024x1xi1> to vector<1024x256xi1>
    %select_n3A_1578 = arith.select %broadcast_in_dim3A_1577, %reshape3A_1564, %reshape3A_1568 : vector<1024x256xi1>, vector<1024x256xi32>
    %reshape3A_1579 = vector.shape_cast %select_n3A_1559 : vector<1024x256xi32> to vector<128x8x256xi32>
    %slice3A_1580 = vector.extract_strided_slice %reshape3A_1579 {offsets = [0, 1, 0], sizes = [128, 7, 256], strides = [1, 1, 1]} : vector<128x8x256xi32> to vector<128x7x256xi32>
    %slice3A_1581 = vector.extract_strided_slice %reshape3A_1579 {offsets = [0, 0, 0], sizes = [128, 1, 256], strides = [1, 1, 1]} : vector<128x8x256xi32> to vector<128x1x256xi32>
    %concatenate3A_1582 = tpu.concatenate %slice3A_1580, %slice3A_1581 in 1 : vector<128x7x256xi32>, vector<128x1x256xi32> -> vector<128x8x256xi32>
    %reshape3A_1583 = vector.shape_cast %concatenate3A_1582 : vector<128x8x256xi32> to vector<1024x256xi32>
    %slice3A_1584 = vector.extract_strided_slice %reshape3A_1579 {offsets = [0, 7, 0], sizes = [128, 1, 256], strides = [1, 1, 1]} : vector<128x8x256xi32> to vector<128x1x256xi32>
    %slice3A_1585 = vector.extract_strided_slice %reshape3A_1579 {offsets = [0, 0, 0], sizes = [128, 7, 256], strides = [1, 1, 1]} : vector<128x8x256xi32> to vector<128x7x256xi32>
    %concatenate3A_1586 = tpu.concatenate %slice3A_1584, %slice3A_1585 in 1 : vector<128x1x256xi32>, vector<128x7x256xi32> -> vector<128x8x256xi32>
    %reshape3A_1587 = vector.shape_cast %concatenate3A_1586 : vector<128x8x256xi32> to vector<1024x256xi32>
    %iota3A_1588 = tpu.iota {dimensions = array<i32: 0>} : vector<1024x1xi32>
    %and3A_1589 = arith.constant 1 : i32
    %and3A_1590 = vector.broadcast %and3A_1589 : i32 to vector<1024x1xi32>
    %and3A_1591 = arith.andi %iota3A_1588, %and3A_1590 : vector<1024x1xi32>
    %eq3A_1592 = arith.constant 0 : i32
    %eq3A_1593 = vector.broadcast %eq3A_1592 : i32 to vector<1024x1xi32>
    %eq3A_1594 = arith.cmpi eq, %and3A_1591, %eq3A_1593 : vector<1024x1xi32>
    %broadcast_in_dim3A_1595 = vector.shape_cast %eq3A_1594 : vector<1024x1xi1> to vector<1024x1xi1>
    %broadcast_in_dim3A_1596 = vector.broadcast %broadcast_in_dim3A_1595 : vector<1024x1xi1> to vector<1024x256xi1>
    %select_n3A_1597 = arith.select %broadcast_in_dim3A_1596, %reshape3A_1583, %reshape3A_1587 : vector<1024x256xi1>, vector<1024x256xi32>
    %gt3A_1598 = arith.cmpi sgt, %select_n3A_1558, %select_n3A_1578 : vector<1024x256xi32>
    %iota3A_1599 = tpu.iota {dimensions = array<i32: 0>} : vector<1024x1xi32>
    %and3A_1600 = arith.constant 1 : i32
    %and3A_1601 = vector.broadcast %and3A_1600 : i32 to vector<1024x1xi32>
    %and3A_1602 = arith.andi %iota3A_1599, %and3A_1601 : vector<1024x1xi32>
    %eq3A_1603 = arith.constant 0 : i32
    %eq3A_1604 = vector.broadcast %eq3A_1603 : i32 to vector<1024x1xi32>
    %eq3A_1605 = arith.cmpi eq, %and3A_1602, %eq3A_1604 : vector<1024x1xi32>
    %and3A_1606 = arith.constant 256 : i32
    %and3A_1607 = vector.broadcast %and3A_1606 : i32 to vector<1024x1xi32>
    %and3A_1608 = arith.andi %iota3A_1599, %and3A_1607 : vector<1024x1xi32>
    %eq3A_1609 = arith.constant 0 : i32
    %eq3A_1610 = vector.broadcast %eq3A_1609 : i32 to vector<1024x1xi32>
    %eq3A_1611 = arith.cmpi eq, %and3A_1608, %eq3A_1610 : vector<1024x1xi32>
    %eq3A_1612 = arith.xori %eq3A_1605, %eq3A_1611 : vector<1024x1xi1>
    %eq3A_1613 = arith.constant dense<true> : vector<1024x1xi1>
    %eq3A_1614 = arith.xori %eq3A_1612, %eq3A_1613 : vector<1024x1xi1>
    %eq3A_1615 = vector.broadcast %eq3A_1614 : vector<1024x1xi1> to vector<1024x256xi1>
    %eq3A_1616 = vector.broadcast %eq3A_1615 : vector<1024x256xi1> to vector<1024x256xi1>
    %eq3A_1617 = arith.xori %gt3A_1598, %eq3A_1616 : vector<1024x256xi1>
    %eq3A_1618 = arith.constant dense<true> : vector<1024x256xi1>
    %eq3A_1619 = arith.xori %eq3A_1617, %eq3A_1618 : vector<1024x256xi1>
    %select_n3A_1620 = arith.select %eq3A_1619, %select_n3A_1558, %select_n3A_1578 : vector<1024x256xi1>, vector<1024x256xi32>
    %select_n3A_1621 = arith.select %eq3A_1619, %select_n3A_1559, %select_n3A_1597 : vector<1024x256xi1>, vector<1024x256xi32>
    %reshape3A_1622 = vector.shape_cast %select_n3A_1620 : vector<1024x256xi32> to vector<2x2x256x256xi32>
    %reshape3A_1623 = vector.shape_cast %select_n3A_1621 : vector<1024x256xi32> to vector<2x2x256x256xi32>
    %slice3A_1624 = vector.extract_strided_slice %reshape3A_1622 {offsets = [0, 0, 0, 0], sizes = [2, 1, 256, 256], strides = [1, 1, 1, 1]} : vector<2x2x256x256xi32> to vector<2x1x256x256xi32>
    %squeeze3A_1625 = vector.shape_cast %slice3A_1624 : vector<2x1x256x256xi32> to vector<2x256x256xi32>
    %slice3A_1626 = vector.extract_strided_slice %reshape3A_1622 {offsets = [0, 1, 0, 0], sizes = [2, 1, 256, 256], strides = [1, 1, 1, 1]} : vector<2x2x256x256xi32> to vector<2x1x256x256xi32>
    %squeeze3A_1627 = vector.shape_cast %slice3A_1626 : vector<2x1x256x256xi32> to vector<2x256x256xi32>
    %slice3A_1628 = vector.extract_strided_slice %reshape3A_1623 {offsets = [0, 0, 0, 0], sizes = [2, 1, 256, 256], strides = [1, 1, 1, 1]} : vector<2x2x256x256xi32> to vector<2x1x256x256xi32>
    %squeeze3A_1629 = vector.shape_cast %slice3A_1628 : vector<2x1x256x256xi32> to vector<2x256x256xi32>
    %slice3A_1630 = vector.extract_strided_slice %reshape3A_1623 {offsets = [0, 1, 0, 0], sizes = [2, 1, 256, 256], strides = [1, 1, 1, 1]} : vector<2x2x256x256xi32> to vector<2x1x256x256xi32>
    %squeeze3A_1631 = vector.shape_cast %slice3A_1630 : vector<2x1x256x256xi32> to vector<2x256x256xi32>
    %gt3A_1632 = arith.cmpi sgt, %squeeze3A_1625, %squeeze3A_1627 : vector<2x256x256xi32>
    %iota3A_1633 = tpu.iota {dimensions = array<i32: 0>} : vector<2x1x1xi32>
    %and3A_1634 = arith.constant 1 : i32
    %and3A_1635 = vector.broadcast %and3A_1634 : i32 to vector<2x1x1xi32>
    %and3A_1636 = arith.andi %iota3A_1633, %and3A_1635 : vector<2x1x1xi32>
    %eq3A_1637 = arith.constant 0 : i32
    %eq3A_1638 = vector.broadcast %eq3A_1637 : i32 to vector<2x1x1xi32>
    %eq3A_1639 = arith.cmpi eq, %and3A_1636, %eq3A_1638 : vector<2x1x1xi32>
    %xor3A_1640 = vector.broadcast %eq3A_1639 : vector<2x1x1xi1> to vector<2x256x256xi1>
    %xor3A_1641 = arith.xori %gt3A_1632, %xor3A_1640 : vector<2x256x256xi1>
    %select_n3A_1642 = arith.select %xor3A_1641, %squeeze3A_1627, %squeeze3A_1625 : vector<2x256x256xi1>, vector<2x256x256xi32>
    %select_n3A_1643 = arith.select %xor3A_1641, %squeeze3A_1625, %squeeze3A_1627 : vector<2x256x256xi1>, vector<2x256x256xi32>
    %select_n3A_1644 = arith.select %xor3A_1641, %squeeze3A_1631, %squeeze3A_1629 : vector<2x256x256xi1>, vector<2x256x256xi32>
    %select_n3A_1645 = arith.select %xor3A_1641, %squeeze3A_1629, %squeeze3A_1631 : vector<2x256x256xi1>, vector<2x256x256xi32>
    %broadcast_in_dim3A_1646 = vector.shape_cast %select_n3A_1642 : vector<2x256x256xi32> to vector<2x1x256x256xi32>
    %broadcast_in_dim3A_1647 = vector.shape_cast %select_n3A_1643 : vector<2x256x256xi32> to vector<2x1x256x256xi32>
    %concatenate3A_1648 = tpu.concatenate %broadcast_in_dim3A_1646, %broadcast_in_dim3A_1647 in 1 : vector<2x1x256x256xi32>, vector<2x1x256x256xi32> -> vector<2x2x256x256xi32>
    %reshape3A_1649 = vector.shape_cast %concatenate3A_1648 : vector<2x2x256x256xi32> to vector<1024x256xi32>
    %broadcast_in_dim3A_1650 = vector.shape_cast %select_n3A_1644 : vector<2x256x256xi32> to vector<2x1x256x256xi32>
    %broadcast_in_dim3A_1651 = vector.shape_cast %select_n3A_1645 : vector<2x256x256xi32> to vector<2x1x256x256xi32>
    %concatenate3A_1652 = tpu.concatenate %broadcast_in_dim3A_1650, %broadcast_in_dim3A_1651 in 1 : vector<2x1x256x256xi32>, vector<2x1x256x256xi32> -> vector<2x2x256x256xi32>
    %reshape3A_1653 = vector.shape_cast %concatenate3A_1652 : vector<2x2x256x256xi32> to vector<1024x256xi32>
    %reshape3A_1654 = vector.shape_cast %reshape3A_1649 : vector<1024x256xi32> to vector<4x2x128x256xi32>
    %reshape3A_1655 = vector.shape_cast %reshape3A_1653 : vector<1024x256xi32> to vector<4x2x128x256xi32>
    %slice3A_1656 = vector.extract_strided_slice %reshape3A_1654 {offsets = [0, 0, 0, 0], sizes = [4, 1, 128, 256], strides = [1, 1, 1, 1]} : vector<4x2x128x256xi32> to vector<4x1x128x256xi32>
    %squeeze3A_1657 = vector.shape_cast %slice3A_1656 : vector<4x1x128x256xi32> to vector<4x128x256xi32>
    %slice3A_1658 = vector.extract_strided_slice %reshape3A_1654 {offsets = [0, 1, 0, 0], sizes = [4, 1, 128, 256], strides = [1, 1, 1, 1]} : vector<4x2x128x256xi32> to vector<4x1x128x256xi32>
    %squeeze3A_1659 = vector.shape_cast %slice3A_1658 : vector<4x1x128x256xi32> to vector<4x128x256xi32>
    %slice3A_1660 = vector.extract_strided_slice %reshape3A_1655 {offsets = [0, 0, 0, 0], sizes = [4, 1, 128, 256], strides = [1, 1, 1, 1]} : vector<4x2x128x256xi32> to vector<4x1x128x256xi32>
    %squeeze3A_1661 = vector.shape_cast %slice3A_1660 : vector<4x1x128x256xi32> to vector<4x128x256xi32>
    %slice3A_1662 = vector.extract_strided_slice %reshape3A_1655 {offsets = [0, 1, 0, 0], sizes = [4, 1, 128, 256], strides = [1, 1, 1, 1]} : vector<4x2x128x256xi32> to vector<4x1x128x256xi32>
    %squeeze3A_1663 = vector.shape_cast %slice3A_1662 : vector<4x1x128x256xi32> to vector<4x128x256xi32>
    %gt3A_1664 = arith.cmpi sgt, %squeeze3A_1657, %squeeze3A_1659 : vector<4x128x256xi32>
    %iota3A_1665 = tpu.iota {dimensions = array<i32: 0>} : vector<4x1x1xi32>
    %and3A_1666 = arith.constant 2 : i32
    %and3A_1667 = vector.broadcast %and3A_1666 : i32 to vector<4x1x1xi32>
    %and3A_1668 = arith.andi %iota3A_1665, %and3A_1667 : vector<4x1x1xi32>
    %eq3A_1669 = arith.constant 0 : i32
    %eq3A_1670 = vector.broadcast %eq3A_1669 : i32 to vector<4x1x1xi32>
    %eq3A_1671 = arith.cmpi eq, %and3A_1668, %eq3A_1670 : vector<4x1x1xi32>
    %xor3A_1672 = vector.broadcast %eq3A_1671 : vector<4x1x1xi1> to vector<4x128x256xi1>
    %xor3A_1673 = arith.xori %gt3A_1664, %xor3A_1672 : vector<4x128x256xi1>
    %select_n3A_1674 = arith.select %xor3A_1673, %squeeze3A_1659, %squeeze3A_1657 : vector<4x128x256xi1>, vector<4x128x256xi32>
    %select_n3A_1675 = arith.select %xor3A_1673, %squeeze3A_1657, %squeeze3A_1659 : vector<4x128x256xi1>, vector<4x128x256xi32>
    %select_n3A_1676 = arith.select %xor3A_1673, %squeeze3A_1663, %squeeze3A_1661 : vector<4x128x256xi1>, vector<4x128x256xi32>
    %select_n3A_1677 = arith.select %xor3A_1673, %squeeze3A_1661, %squeeze3A_1663 : vector<4x128x256xi1>, vector<4x128x256xi32>
    %broadcast_in_dim3A_1678 = vector.shape_cast %select_n3A_1674 : vector<4x128x256xi32> to vector<4x1x128x256xi32>
    %broadcast_in_dim3A_1679 = vector.shape_cast %select_n3A_1675 : vector<4x128x256xi32> to vector<4x1x128x256xi32>
    %concatenate3A_1680 = tpu.concatenate %broadcast_in_dim3A_1678, %broadcast_in_dim3A_1679 in 1 : vector<4x1x128x256xi32>, vector<4x1x128x256xi32> -> vector<4x2x128x256xi32>
    %reshape3A_1681 = vector.shape_cast %concatenate3A_1680 : vector<4x2x128x256xi32> to vector<1024x256xi32>
    %broadcast_in_dim3A_1682 = vector.shape_cast %select_n3A_1676 : vector<4x128x256xi32> to vector<4x1x128x256xi32>
    %broadcast_in_dim3A_1683 = vector.shape_cast %select_n3A_1677 : vector<4x128x256xi32> to vector<4x1x128x256xi32>
    %concatenate3A_1684 = tpu.concatenate %broadcast_in_dim3A_1682, %broadcast_in_dim3A_1683 in 1 : vector<4x1x128x256xi32>, vector<4x1x128x256xi32> -> vector<4x2x128x256xi32>
    %reshape3A_1685 = vector.shape_cast %concatenate3A_1684 : vector<4x2x128x256xi32> to vector<1024x256xi32>
    %reshape3A_1686 = vector.shape_cast %reshape3A_1681 : vector<1024x256xi32> to vector<8x2x64x256xi32>
    %reshape3A_1687 = vector.shape_cast %reshape3A_1685 : vector<1024x256xi32> to vector<8x2x64x256xi32>
    %slice3A_1688 = vector.extract_strided_slice %reshape3A_1686 {offsets = [0, 0, 0, 0], sizes = [8, 1, 64, 256], strides = [1, 1, 1, 1]} : vector<8x2x64x256xi32> to vector<8x1x64x256xi32>
    %squeeze3A_1689 = vector.shape_cast %slice3A_1688 : vector<8x1x64x256xi32> to vector<8x64x256xi32>
    %slice3A_1690 = vector.extract_strided_slice %reshape3A_1686 {offsets = [0, 1, 0, 0], sizes = [8, 1, 64, 256], strides = [1, 1, 1, 1]} : vector<8x2x64x256xi32> to vector<8x1x64x256xi32>
    %squeeze3A_1691 = vector.shape_cast %slice3A_1690 : vector<8x1x64x256xi32> to vector<8x64x256xi32>
    %slice3A_1692 = vector.extract_strided_slice %reshape3A_1687 {offsets = [0, 0, 0, 0], sizes = [8, 1, 64, 256], strides = [1, 1, 1, 1]} : vector<8x2x64x256xi32> to vector<8x1x64x256xi32>
    %squeeze3A_1693 = vector.shape_cast %slice3A_1692 : vector<8x1x64x256xi32> to vector<8x64x256xi32>
    %slice3A_1694 = vector.extract_strided_slice %reshape3A_1687 {offsets = [0, 1, 0, 0], sizes = [8, 1, 64, 256], strides = [1, 1, 1, 1]} : vector<8x2x64x256xi32> to vector<8x1x64x256xi32>
    %squeeze3A_1695 = vector.shape_cast %slice3A_1694 : vector<8x1x64x256xi32> to vector<8x64x256xi32>
    %gt3A_1696 = arith.cmpi sgt, %squeeze3A_1689, %squeeze3A_1691 : vector<8x64x256xi32>
    %iota3A_1697 = tpu.iota {dimensions = array<i32: 0>} : vector<8x1x1xi32>
    %and3A_1698 = arith.constant 4 : i32
    %and3A_1699 = vector.broadcast %and3A_1698 : i32 to vector<8x1x1xi32>
    %and3A_1700 = arith.andi %iota3A_1697, %and3A_1699 : vector<8x1x1xi32>
    %eq3A_1701 = arith.constant 0 : i32
    %eq3A_1702 = vector.broadcast %eq3A_1701 : i32 to vector<8x1x1xi32>
    %eq3A_1703 = arith.cmpi eq, %and3A_1700, %eq3A_1702 : vector<8x1x1xi32>
    %xor3A_1704 = vector.broadcast %eq3A_1703 : vector<8x1x1xi1> to vector<8x64x256xi1>
    %xor3A_1705 = arith.xori %gt3A_1696, %xor3A_1704 : vector<8x64x256xi1>
    %select_n3A_1706 = arith.select %xor3A_1705, %squeeze3A_1691, %squeeze3A_1689 : vector<8x64x256xi1>, vector<8x64x256xi32>
    %select_n3A_1707 = arith.select %xor3A_1705, %squeeze3A_1689, %squeeze3A_1691 : vector<8x64x256xi1>, vector<8x64x256xi32>
    %select_n3A_1708 = arith.select %xor3A_1705, %squeeze3A_1695, %squeeze3A_1693 : vector<8x64x256xi1>, vector<8x64x256xi32>
    %select_n3A_1709 = arith.select %xor3A_1705, %squeeze3A_1693, %squeeze3A_1695 : vector<8x64x256xi1>, vector<8x64x256xi32>
    %broadcast_in_dim3A_1710 = vector.shape_cast %select_n3A_1706 : vector<8x64x256xi32> to vector<8x1x64x256xi32>
    %broadcast_in_dim3A_1711 = vector.shape_cast %select_n3A_1707 : vector<8x64x256xi32> to vector<8x1x64x256xi32>
    %concatenate3A_1712 = tpu.concatenate %broadcast_in_dim3A_1710, %broadcast_in_dim3A_1711 in 1 : vector<8x1x64x256xi32>, vector<8x1x64x256xi32> -> vector<8x2x64x256xi32>
    %reshape3A_1713 = vector.shape_cast %concatenate3A_1712 : vector<8x2x64x256xi32> to vector<1024x256xi32>
    %broadcast_in_dim3A_1714 = vector.shape_cast %select_n3A_1708 : vector<8x64x256xi32> to vector<8x1x64x256xi32>
    %broadcast_in_dim3A_1715 = vector.shape_cast %select_n3A_1709 : vector<8x64x256xi32> to vector<8x1x64x256xi32>
    %concatenate3A_1716 = tpu.concatenate %broadcast_in_dim3A_1714, %broadcast_in_dim3A_1715 in 1 : vector<8x1x64x256xi32>, vector<8x1x64x256xi32> -> vector<8x2x64x256xi32>
    %reshape3A_1717 = vector.shape_cast %concatenate3A_1716 : vector<8x2x64x256xi32> to vector<1024x256xi32>
    %reshape3A_1718 = vector.shape_cast %reshape3A_1713 : vector<1024x256xi32> to vector<16x2x32x256xi32>
    %reshape3A_1719 = vector.shape_cast %reshape3A_1717 : vector<1024x256xi32> to vector<16x2x32x256xi32>
    %slice3A_1720 = vector.extract_strided_slice %reshape3A_1718 {offsets = [0, 0, 0, 0], sizes = [16, 1, 32, 256], strides = [1, 1, 1, 1]} : vector<16x2x32x256xi32> to vector<16x1x32x256xi32>
    %squeeze3A_1721 = vector.shape_cast %slice3A_1720 : vector<16x1x32x256xi32> to vector<16x32x256xi32>
    %slice3A_1722 = vector.extract_strided_slice %reshape3A_1718 {offsets = [0, 1, 0, 0], sizes = [16, 1, 32, 256], strides = [1, 1, 1, 1]} : vector<16x2x32x256xi32> to vector<16x1x32x256xi32>
    %squeeze3A_1723 = vector.shape_cast %slice3A_1722 : vector<16x1x32x256xi32> to vector<16x32x256xi32>
    %slice3A_1724 = vector.extract_strided_slice %reshape3A_1719 {offsets = [0, 0, 0, 0], sizes = [16, 1, 32, 256], strides = [1, 1, 1, 1]} : vector<16x2x32x256xi32> to vector<16x1x32x256xi32>
    %squeeze3A_1725 = vector.shape_cast %slice3A_1724 : vector<16x1x32x256xi32> to vector<16x32x256xi32>
    %slice3A_1726 = vector.extract_strided_slice %reshape3A_1719 {offsets = [0, 1, 0, 0], sizes = [16, 1, 32, 256], strides = [1, 1, 1, 1]} : vector<16x2x32x256xi32> to vector<16x1x32x256xi32>
    %squeeze3A_1727 = vector.shape_cast %slice3A_1726 : vector<16x1x32x256xi32> to vector<16x32x256xi32>
    %gt3A_1728 = arith.cmpi sgt, %squeeze3A_1721, %squeeze3A_1723 : vector<16x32x256xi32>
    %iota3A_1729 = tpu.iota {dimensions = array<i32: 0>} : vector<16x1x1xi32>
    %and3A_1730 = arith.constant 8 : i32
    %and3A_1731 = vector.broadcast %and3A_1730 : i32 to vector<16x1x1xi32>
    %and3A_1732 = arith.andi %iota3A_1729, %and3A_1731 : vector<16x1x1xi32>
    %eq3A_1733 = arith.constant 0 : i32
    %eq3A_1734 = vector.broadcast %eq3A_1733 : i32 to vector<16x1x1xi32>
    %eq3A_1735 = arith.cmpi eq, %and3A_1732, %eq3A_1734 : vector<16x1x1xi32>
    %xor3A_1736 = vector.broadcast %eq3A_1735 : vector<16x1x1xi1> to vector<16x32x256xi1>
    %xor3A_1737 = arith.xori %gt3A_1728, %xor3A_1736 : vector<16x32x256xi1>
    %select_n3A_1738 = arith.select %xor3A_1737, %squeeze3A_1723, %squeeze3A_1721 : vector<16x32x256xi1>, vector<16x32x256xi32>
    %select_n3A_1739 = arith.select %xor3A_1737, %squeeze3A_1721, %squeeze3A_1723 : vector<16x32x256xi1>, vector<16x32x256xi32>
    %select_n3A_1740 = arith.select %xor3A_1737, %squeeze3A_1727, %squeeze3A_1725 : vector<16x32x256xi1>, vector<16x32x256xi32>
    %select_n3A_1741 = arith.select %xor3A_1737, %squeeze3A_1725, %squeeze3A_1727 : vector<16x32x256xi1>, vector<16x32x256xi32>
    %broadcast_in_dim3A_1742 = vector.shape_cast %select_n3A_1738 : vector<16x32x256xi32> to vector<16x1x32x256xi32>
    %broadcast_in_dim3A_1743 = vector.shape_cast %select_n3A_1739 : vector<16x32x256xi32> to vector<16x1x32x256xi32>
    %concatenate3A_1744 = tpu.concatenate %broadcast_in_dim3A_1742, %broadcast_in_dim3A_1743 in 1 : vector<16x1x32x256xi32>, vector<16x1x32x256xi32> -> vector<16x2x32x256xi32>
    %reshape3A_1745 = vector.shape_cast %concatenate3A_1744 : vector<16x2x32x256xi32> to vector<1024x256xi32>
    %broadcast_in_dim3A_1746 = vector.shape_cast %select_n3A_1740 : vector<16x32x256xi32> to vector<16x1x32x256xi32>
    %broadcast_in_dim3A_1747 = vector.shape_cast %select_n3A_1741 : vector<16x32x256xi32> to vector<16x1x32x256xi32>
    %concatenate3A_1748 = tpu.concatenate %broadcast_in_dim3A_1746, %broadcast_in_dim3A_1747 in 1 : vector<16x1x32x256xi32>, vector<16x1x32x256xi32> -> vector<16x2x32x256xi32>
    %reshape3A_1749 = vector.shape_cast %concatenate3A_1748 : vector<16x2x32x256xi32> to vector<1024x256xi32>
    %reshape3A_1750 = vector.shape_cast %reshape3A_1745 : vector<1024x256xi32> to vector<32x2x16x256xi32>
    %reshape3A_1751 = vector.shape_cast %reshape3A_1749 : vector<1024x256xi32> to vector<32x2x16x256xi32>
    %slice3A_1752 = vector.extract_strided_slice %reshape3A_1750 {offsets = [0, 0, 0, 0], sizes = [32, 1, 16, 256], strides = [1, 1, 1, 1]} : vector<32x2x16x256xi32> to vector<32x1x16x256xi32>
    %squeeze3A_1753 = vector.shape_cast %slice3A_1752 : vector<32x1x16x256xi32> to vector<32x16x256xi32>
    %slice3A_1754 = vector.extract_strided_slice %reshape3A_1750 {offsets = [0, 1, 0, 0], sizes = [32, 1, 16, 256], strides = [1, 1, 1, 1]} : vector<32x2x16x256xi32> to vector<32x1x16x256xi32>
    %squeeze3A_1755 = vector.shape_cast %slice3A_1754 : vector<32x1x16x256xi32> to vector<32x16x256xi32>
    %slice3A_1756 = vector.extract_strided_slice %reshape3A_1751 {offsets = [0, 0, 0, 0], sizes = [32, 1, 16, 256], strides = [1, 1, 1, 1]} : vector<32x2x16x256xi32> to vector<32x1x16x256xi32>
    %squeeze3A_1757 = vector.shape_cast %slice3A_1756 : vector<32x1x16x256xi32> to vector<32x16x256xi32>
    %slice3A_1758 = vector.extract_strided_slice %reshape3A_1751 {offsets = [0, 1, 0, 0], sizes = [32, 1, 16, 256], strides = [1, 1, 1, 1]} : vector<32x2x16x256xi32> to vector<32x1x16x256xi32>
    %squeeze3A_1759 = vector.shape_cast %slice3A_1758 : vector<32x1x16x256xi32> to vector<32x16x256xi32>
    %gt3A_1760 = arith.cmpi sgt, %squeeze3A_1753, %squeeze3A_1755 : vector<32x16x256xi32>
    %iota3A_1761 = tpu.iota {dimensions = array<i32: 0>} : vector<32x1x1xi32>
    %and3A_1762 = arith.constant 16 : i32
    %and3A_1763 = vector.broadcast %and3A_1762 : i32 to vector<32x1x1xi32>
    %and3A_1764 = arith.andi %iota3A_1761, %and3A_1763 : vector<32x1x1xi32>
    %eq3A_1765 = arith.constant 0 : i32
    %eq3A_1766 = vector.broadcast %eq3A_1765 : i32 to vector<32x1x1xi32>
    %eq3A_1767 = arith.cmpi eq, %and3A_1764, %eq3A_1766 : vector<32x1x1xi32>
    %xor3A_1768 = vector.broadcast %eq3A_1767 : vector<32x1x1xi1> to vector<32x16x256xi1>
    %xor3A_1769 = arith.xori %gt3A_1760, %xor3A_1768 : vector<32x16x256xi1>
    %select_n3A_1770 = arith.select %xor3A_1769, %squeeze3A_1755, %squeeze3A_1753 : vector<32x16x256xi1>, vector<32x16x256xi32>
    %select_n3A_1771 = arith.select %xor3A_1769, %squeeze3A_1753, %squeeze3A_1755 : vector<32x16x256xi1>, vector<32x16x256xi32>
    %select_n3A_1772 = arith.select %xor3A_1769, %squeeze3A_1759, %squeeze3A_1757 : vector<32x16x256xi1>, vector<32x16x256xi32>
    %select_n3A_1773 = arith.select %xor3A_1769, %squeeze3A_1757, %squeeze3A_1759 : vector<32x16x256xi1>, vector<32x16x256xi32>
    %broadcast_in_dim3A_1774 = vector.shape_cast %select_n3A_1770 : vector<32x16x256xi32> to vector<32x1x16x256xi32>
    %broadcast_in_dim3A_1775 = vector.shape_cast %select_n3A_1771 : vector<32x16x256xi32> to vector<32x1x16x256xi32>
    %concatenate3A_1776 = tpu.concatenate %broadcast_in_dim3A_1774, %broadcast_in_dim3A_1775 in 1 : vector<32x1x16x256xi32>, vector<32x1x16x256xi32> -> vector<32x2x16x256xi32>
    %reshape3A_1777 = vector.shape_cast %concatenate3A_1776 : vector<32x2x16x256xi32> to vector<1024x256xi32>
    %broadcast_in_dim3A_1778 = vector.shape_cast %select_n3A_1772 : vector<32x16x256xi32> to vector<32x1x16x256xi32>
    %broadcast_in_dim3A_1779 = vector.shape_cast %select_n3A_1773 : vector<32x16x256xi32> to vector<32x1x16x256xi32>
    %concatenate3A_1780 = tpu.concatenate %broadcast_in_dim3A_1778, %broadcast_in_dim3A_1779 in 1 : vector<32x1x16x256xi32>, vector<32x1x16x256xi32> -> vector<32x2x16x256xi32>
    %reshape3A_1781 = vector.shape_cast %concatenate3A_1780 : vector<32x2x16x256xi32> to vector<1024x256xi32>
    %reshape3A_1782 = vector.shape_cast %reshape3A_1777 : vector<1024x256xi32> to vector<64x2x8x256xi32>
    %reshape3A_1783 = vector.shape_cast %reshape3A_1781 : vector<1024x256xi32> to vector<64x2x8x256xi32>
    %slice3A_1784 = vector.extract_strided_slice %reshape3A_1782 {offsets = [0, 0, 0, 0], sizes = [64, 1, 8, 256], strides = [1, 1, 1, 1]} : vector<64x2x8x256xi32> to vector<64x1x8x256xi32>
    %squeeze3A_1785 = vector.shape_cast %slice3A_1784 : vector<64x1x8x256xi32> to vector<64x8x256xi32>
    %slice3A_1786 = vector.extract_strided_slice %reshape3A_1782 {offsets = [0, 1, 0, 0], sizes = [64, 1, 8, 256], strides = [1, 1, 1, 1]} : vector<64x2x8x256xi32> to vector<64x1x8x256xi32>
    %squeeze3A_1787 = vector.shape_cast %slice3A_1786 : vector<64x1x8x256xi32> to vector<64x8x256xi32>
    %slice3A_1788 = vector.extract_strided_slice %reshape3A_1783 {offsets = [0, 0, 0, 0], sizes = [64, 1, 8, 256], strides = [1, 1, 1, 1]} : vector<64x2x8x256xi32> to vector<64x1x8x256xi32>
    %squeeze3A_1789 = vector.shape_cast %slice3A_1788 : vector<64x1x8x256xi32> to vector<64x8x256xi32>
    %slice3A_1790 = vector.extract_strided_slice %reshape3A_1783 {offsets = [0, 1, 0, 0], sizes = [64, 1, 8, 256], strides = [1, 1, 1, 1]} : vector<64x2x8x256xi32> to vector<64x1x8x256xi32>
    %squeeze3A_1791 = vector.shape_cast %slice3A_1790 : vector<64x1x8x256xi32> to vector<64x8x256xi32>
    %gt3A_1792 = arith.cmpi sgt, %squeeze3A_1785, %squeeze3A_1787 : vector<64x8x256xi32>
    %iota3A_1793 = tpu.iota {dimensions = array<i32: 0>} : vector<64x1x1xi32>
    %and3A_1794 = arith.constant 32 : i32
    %and3A_1795 = vector.broadcast %and3A_1794 : i32 to vector<64x1x1xi32>
    %and3A_1796 = arith.andi %iota3A_1793, %and3A_1795 : vector<64x1x1xi32>
    %eq3A_1797 = arith.constant 0 : i32
    %eq3A_1798 = vector.broadcast %eq3A_1797 : i32 to vector<64x1x1xi32>
    %eq3A_1799 = arith.cmpi eq, %and3A_1796, %eq3A_1798 : vector<64x1x1xi32>
    %xor3A_1800 = vector.broadcast %eq3A_1799 : vector<64x1x1xi1> to vector<64x8x256xi1>
    %xor3A_1801 = arith.xori %gt3A_1792, %xor3A_1800 : vector<64x8x256xi1>
    %select_n3A_1802 = arith.select %xor3A_1801, %squeeze3A_1787, %squeeze3A_1785 : vector<64x8x256xi1>, vector<64x8x256xi32>
    %select_n3A_1803 = arith.select %xor3A_1801, %squeeze3A_1785, %squeeze3A_1787 : vector<64x8x256xi1>, vector<64x8x256xi32>
    %select_n3A_1804 = arith.select %xor3A_1801, %squeeze3A_1791, %squeeze3A_1789 : vector<64x8x256xi1>, vector<64x8x256xi32>
    %select_n3A_1805 = arith.select %xor3A_1801, %squeeze3A_1789, %squeeze3A_1791 : vector<64x8x256xi1>, vector<64x8x256xi32>
    %broadcast_in_dim3A_1806 = vector.shape_cast %select_n3A_1802 : vector<64x8x256xi32> to vector<64x1x8x256xi32>
    %broadcast_in_dim3A_1807 = vector.shape_cast %select_n3A_1803 : vector<64x8x256xi32> to vector<64x1x8x256xi32>
    %concatenate3A_1808 = tpu.concatenate %broadcast_in_dim3A_1806, %broadcast_in_dim3A_1807 in 1 : vector<64x1x8x256xi32>, vector<64x1x8x256xi32> -> vector<64x2x8x256xi32>
    %reshape3A_1809 = vector.shape_cast %concatenate3A_1808 : vector<64x2x8x256xi32> to vector<1024x256xi32>
    %broadcast_in_dim3A_1810 = vector.shape_cast %select_n3A_1804 : vector<64x8x256xi32> to vector<64x1x8x256xi32>
    %broadcast_in_dim3A_1811 = vector.shape_cast %select_n3A_1805 : vector<64x8x256xi32> to vector<64x1x8x256xi32>
    %concatenate3A_1812 = tpu.concatenate %broadcast_in_dim3A_1810, %broadcast_in_dim3A_1811 in 1 : vector<64x1x8x256xi32>, vector<64x1x8x256xi32> -> vector<64x2x8x256xi32>
    %reshape3A_1813 = vector.shape_cast %concatenate3A_1812 : vector<64x2x8x256xi32> to vector<1024x256xi32>
    %reshape3A_1814 = vector.shape_cast %reshape3A_1809 : vector<1024x256xi32> to vector<128x8x256xi32>
    %slice3A_1815 = vector.extract_strided_slice %reshape3A_1814 {offsets = [0, 4, 0], sizes = [128, 4, 256], strides = [1, 1, 1]} : vector<128x8x256xi32> to vector<128x4x256xi32>
    %slice3A_1816 = vector.extract_strided_slice %reshape3A_1814 {offsets = [0, 0, 0], sizes = [128, 4, 256], strides = [1, 1, 1]} : vector<128x8x256xi32> to vector<128x4x256xi32>
    %concatenate3A_1817 = tpu.concatenate %slice3A_1815, %slice3A_1816 in 1 : vector<128x4x256xi32>, vector<128x4x256xi32> -> vector<128x8x256xi32>
    %reshape3A_1818 = vector.shape_cast %concatenate3A_1817 : vector<128x8x256xi32> to vector<1024x256xi32>
    %reshape3A_1819 = vector.shape_cast %reshape3A_1813 : vector<1024x256xi32> to vector<128x8x256xi32>
    %slice3A_1820 = vector.extract_strided_slice %reshape3A_1819 {offsets = [0, 4, 0], sizes = [128, 4, 256], strides = [1, 1, 1]} : vector<128x8x256xi32> to vector<128x4x256xi32>
    %slice3A_1821 = vector.extract_strided_slice %reshape3A_1819 {offsets = [0, 0, 0], sizes = [128, 4, 256], strides = [1, 1, 1]} : vector<128x8x256xi32> to vector<128x4x256xi32>
    %concatenate3A_1822 = tpu.concatenate %slice3A_1820, %slice3A_1821 in 1 : vector<128x4x256xi32>, vector<128x4x256xi32> -> vector<128x8x256xi32>
    %reshape3A_1823 = vector.shape_cast %concatenate3A_1822 : vector<128x8x256xi32> to vector<1024x256xi32>
    %gt3A_1824 = arith.cmpi sgt, %reshape3A_1809, %reshape3A_1818 : vector<1024x256xi32>
    %iota3A_1825 = tpu.iota {dimensions = array<i32: 0>} : vector<1024x1xi32>
    %and3A_1826 = arith.constant 4 : i32
    %and3A_1827 = vector.broadcast %and3A_1826 : i32 to vector<1024x1xi32>
    %and3A_1828 = arith.andi %iota3A_1825, %and3A_1827 : vector<1024x1xi32>
    %eq3A_1829 = arith.constant 0 : i32
    %eq3A_1830 = vector.broadcast %eq3A_1829 : i32 to vector<1024x1xi32>
    %eq3A_1831 = arith.cmpi eq, %and3A_1828, %eq3A_1830 : vector<1024x1xi32>
    %and3A_1832 = arith.constant 512 : i32
    %and3A_1833 = vector.broadcast %and3A_1832 : i32 to vector<1024x1xi32>
    %and3A_1834 = arith.andi %iota3A_1825, %and3A_1833 : vector<1024x1xi32>
    %eq3A_1835 = arith.constant 0 : i32
    %eq3A_1836 = vector.broadcast %eq3A_1835 : i32 to vector<1024x1xi32>
    %eq3A_1837 = arith.cmpi eq, %and3A_1834, %eq3A_1836 : vector<1024x1xi32>
    %eq3A_1838 = arith.xori %eq3A_1831, %eq3A_1837 : vector<1024x1xi1>
    %eq3A_1839 = arith.constant dense<true> : vector<1024x1xi1>
    %eq3A_1840 = arith.xori %eq3A_1838, %eq3A_1839 : vector<1024x1xi1>
    %eq3A_1841 = vector.broadcast %eq3A_1840 : vector<1024x1xi1> to vector<1024x256xi1>
    %eq3A_1842 = vector.broadcast %eq3A_1841 : vector<1024x256xi1> to vector<1024x256xi1>
    %eq3A_1843 = arith.xori %gt3A_1824, %eq3A_1842 : vector<1024x256xi1>
    %eq3A_1844 = arith.constant dense<true> : vector<1024x256xi1>
    %eq3A_1845 = arith.xori %eq3A_1843, %eq3A_1844 : vector<1024x256xi1>
    %select_n3A_1846 = arith.select %eq3A_1845, %reshape3A_1809, %reshape3A_1818 : vector<1024x256xi1>, vector<1024x256xi32>
    %select_n3A_1847 = arith.select %eq3A_1845, %reshape3A_1813, %reshape3A_1823 : vector<1024x256xi1>, vector<1024x256xi32>
    %reshape3A_1848 = vector.shape_cast %select_n3A_1846 : vector<1024x256xi32> to vector<128x8x256xi32>
    %slice3A_1849 = vector.extract_strided_slice %reshape3A_1848 {offsets = [0, 2, 0], sizes = [128, 6, 256], strides = [1, 1, 1]} : vector<128x8x256xi32> to vector<128x6x256xi32>
    %slice3A_1850 = vector.extract_strided_slice %reshape3A_1848 {offsets = [0, 0, 0], sizes = [128, 2, 256], strides = [1, 1, 1]} : vector<128x8x256xi32> to vector<128x2x256xi32>
    %concatenate3A_1851 = tpu.concatenate %slice3A_1849, %slice3A_1850 in 1 : vector<128x6x256xi32>, vector<128x2x256xi32> -> vector<128x8x256xi32>
    %reshape3A_1852 = vector.shape_cast %concatenate3A_1851 : vector<128x8x256xi32> to vector<1024x256xi32>
    %slice3A_1853 = vector.extract_strided_slice %reshape3A_1848 {offsets = [0, 6, 0], sizes = [128, 2, 256], strides = [1, 1, 1]} : vector<128x8x256xi32> to vector<128x2x256xi32>
    %slice3A_1854 = vector.extract_strided_slice %reshape3A_1848 {offsets = [0, 0, 0], sizes = [128, 6, 256], strides = [1, 1, 1]} : vector<128x8x256xi32> to vector<128x6x256xi32>
    %concatenate3A_1855 = tpu.concatenate %slice3A_1853, %slice3A_1854 in 1 : vector<128x2x256xi32>, vector<128x6x256xi32> -> vector<128x8x256xi32>
    %reshape3A_1856 = vector.shape_cast %concatenate3A_1855 : vector<128x8x256xi32> to vector<1024x256xi32>
    %iota3A_1857 = tpu.iota {dimensions = array<i32: 0>} : vector<1024x1xi32>
    %and3A_1858 = arith.constant 2 : i32
    %and3A_1859 = vector.broadcast %and3A_1858 : i32 to vector<1024x1xi32>
    %and3A_1860 = arith.andi %iota3A_1857, %and3A_1859 : vector<1024x1xi32>
    %eq3A_1861 = arith.constant 0 : i32
    %eq3A_1862 = vector.broadcast %eq3A_1861 : i32 to vector<1024x1xi32>
    %eq3A_1863 = arith.cmpi eq, %and3A_1860, %eq3A_1862 : vector<1024x1xi32>
    %broadcast_in_dim3A_1864 = vector.shape_cast %eq3A_1863 : vector<1024x1xi1> to vector<1024x1xi1>
    %broadcast_in_dim3A_1865 = vector.broadcast %broadcast_in_dim3A_1864 : vector<1024x1xi1> to vector<1024x256xi1>
    %select_n3A_1866 = arith.select %broadcast_in_dim3A_1865, %reshape3A_1852, %reshape3A_1856 : vector<1024x256xi1>, vector<1024x256xi32>
    %reshape3A_1867 = vector.shape_cast %select_n3A_1847 : vector<1024x256xi32> to vector<128x8x256xi32>
    %slice3A_1868 = vector.extract_strided_slice %reshape3A_1867 {offsets = [0, 2, 0], sizes = [128, 6, 256], strides = [1, 1, 1]} : vector<128x8x256xi32> to vector<128x6x256xi32>
    %slice3A_1869 = vector.extract_strided_slice %reshape3A_1867 {offsets = [0, 0, 0], sizes = [128, 2, 256], strides = [1, 1, 1]} : vector<128x8x256xi32> to vector<128x2x256xi32>
    %concatenate3A_1870 = tpu.concatenate %slice3A_1868, %slice3A_1869 in 1 : vector<128x6x256xi32>, vector<128x2x256xi32> -> vector<128x8x256xi32>
    %reshape3A_1871 = vector.shape_cast %concatenate3A_1870 : vector<128x8x256xi32> to vector<1024x256xi32>
    %slice3A_1872 = vector.extract_strided_slice %reshape3A_1867 {offsets = [0, 6, 0], sizes = [128, 2, 256], strides = [1, 1, 1]} : vector<128x8x256xi32> to vector<128x2x256xi32>
    %slice3A_1873 = vector.extract_strided_slice %reshape3A_1867 {offsets = [0, 0, 0], sizes = [128, 6, 256], strides = [1, 1, 1]} : vector<128x8x256xi32> to vector<128x6x256xi32>
    %concatenate3A_1874 = tpu.concatenate %slice3A_1872, %slice3A_1873 in 1 : vector<128x2x256xi32>, vector<128x6x256xi32> -> vector<128x8x256xi32>
    %reshape3A_1875 = vector.shape_cast %concatenate3A_1874 : vector<128x8x256xi32> to vector<1024x256xi32>
    %iota3A_1876 = tpu.iota {dimensions = array<i32: 0>} : vector<1024x1xi32>
    %and3A_1877 = arith.constant 2 : i32
    %and3A_1878 = vector.broadcast %and3A_1877 : i32 to vector<1024x1xi32>
    %and3A_1879 = arith.andi %iota3A_1876, %and3A_1878 : vector<1024x1xi32>
    %eq3A_1880 = arith.constant 0 : i32
    %eq3A_1881 = vector.broadcast %eq3A_1880 : i32 to vector<1024x1xi32>
    %eq3A_1882 = arith.cmpi eq, %and3A_1879, %eq3A_1881 : vector<1024x1xi32>
    %broadcast_in_dim3A_1883 = vector.shape_cast %eq3A_1882 : vector<1024x1xi1> to vector<1024x1xi1>
    %broadcast_in_dim3A_1884 = vector.broadcast %broadcast_in_dim3A_1883 : vector<1024x1xi1> to vector<1024x256xi1>
    %select_n3A_1885 = arith.select %broadcast_in_dim3A_1884, %reshape3A_1871, %reshape3A_1875 : vector<1024x256xi1>, vector<1024x256xi32>
    %gt3A_1886 = arith.cmpi sgt, %select_n3A_1846, %select_n3A_1866 : vector<1024x256xi32>
    %iota3A_1887 = tpu.iota {dimensions = array<i32: 0>} : vector<1024x1xi32>
    %and3A_1888 = arith.constant 2 : i32
    %and3A_1889 = vector.broadcast %and3A_1888 : i32 to vector<1024x1xi32>
    %and3A_1890 = arith.andi %iota3A_1887, %and3A_1889 : vector<1024x1xi32>
    %eq3A_1891 = arith.constant 0 : i32
    %eq3A_1892 = vector.broadcast %eq3A_1891 : i32 to vector<1024x1xi32>
    %eq3A_1893 = arith.cmpi eq, %and3A_1890, %eq3A_1892 : vector<1024x1xi32>
    %and3A_1894 = arith.constant 512 : i32
    %and3A_1895 = vector.broadcast %and3A_1894 : i32 to vector<1024x1xi32>
    %and3A_1896 = arith.andi %iota3A_1887, %and3A_1895 : vector<1024x1xi32>
    %eq3A_1897 = arith.constant 0 : i32
    %eq3A_1898 = vector.broadcast %eq3A_1897 : i32 to vector<1024x1xi32>
    %eq3A_1899 = arith.cmpi eq, %and3A_1896, %eq3A_1898 : vector<1024x1xi32>
    %eq3A_1900 = arith.xori %eq3A_1893, %eq3A_1899 : vector<1024x1xi1>
    %eq3A_1901 = arith.constant dense<true> : vector<1024x1xi1>
    %eq3A_1902 = arith.xori %eq3A_1900, %eq3A_1901 : vector<1024x1xi1>
    %eq3A_1903 = vector.broadcast %eq3A_1902 : vector<1024x1xi1> to vector<1024x256xi1>
    %eq3A_1904 = vector.broadcast %eq3A_1903 : vector<1024x256xi1> to vector<1024x256xi1>
    %eq3A_1905 = arith.xori %gt3A_1886, %eq3A_1904 : vector<1024x256xi1>
    %eq3A_1906 = arith.constant dense<true> : vector<1024x256xi1>
    %eq3A_1907 = arith.xori %eq3A_1905, %eq3A_1906 : vector<1024x256xi1>
    %select_n3A_1908 = arith.select %eq3A_1907, %select_n3A_1846, %select_n3A_1866 : vector<1024x256xi1>, vector<1024x256xi32>
    %select_n3A_1909 = arith.select %eq3A_1907, %select_n3A_1847, %select_n3A_1885 : vector<1024x256xi1>, vector<1024x256xi32>
    %reshape3A_1910 = vector.shape_cast %select_n3A_1908 : vector<1024x256xi32> to vector<128x8x256xi32>
    %slice3A_1911 = vector.extract_strided_slice %reshape3A_1910 {offsets = [0, 1, 0], sizes = [128, 7, 256], strides = [1, 1, 1]} : vector<128x8x256xi32> to vector<128x7x256xi32>
    %slice3A_1912 = vector.extract_strided_slice %reshape3A_1910 {offsets = [0, 0, 0], sizes = [128, 1, 256], strides = [1, 1, 1]} : vector<128x8x256xi32> to vector<128x1x256xi32>
    %concatenate3A_1913 = tpu.concatenate %slice3A_1911, %slice3A_1912 in 1 : vector<128x7x256xi32>, vector<128x1x256xi32> -> vector<128x8x256xi32>
    %reshape3A_1914 = vector.shape_cast %concatenate3A_1913 : vector<128x8x256xi32> to vector<1024x256xi32>
    %slice3A_1915 = vector.extract_strided_slice %reshape3A_1910 {offsets = [0, 7, 0], sizes = [128, 1, 256], strides = [1, 1, 1]} : vector<128x8x256xi32> to vector<128x1x256xi32>
    %slice3A_1916 = vector.extract_strided_slice %reshape3A_1910 {offsets = [0, 0, 0], sizes = [128, 7, 256], strides = [1, 1, 1]} : vector<128x8x256xi32> to vector<128x7x256xi32>
    %concatenate3A_1917 = tpu.concatenate %slice3A_1915, %slice3A_1916 in 1 : vector<128x1x256xi32>, vector<128x7x256xi32> -> vector<128x8x256xi32>
    %reshape3A_1918 = vector.shape_cast %concatenate3A_1917 : vector<128x8x256xi32> to vector<1024x256xi32>
    %iota3A_1919 = tpu.iota {dimensions = array<i32: 0>} : vector<1024x1xi32>
    %and3A_1920 = arith.constant 1 : i32
    %and3A_1921 = vector.broadcast %and3A_1920 : i32 to vector<1024x1xi32>
    %and3A_1922 = arith.andi %iota3A_1919, %and3A_1921 : vector<1024x1xi32>
    %eq3A_1923 = arith.constant 0 : i32
    %eq3A_1924 = vector.broadcast %eq3A_1923 : i32 to vector<1024x1xi32>
    %eq3A_1925 = arith.cmpi eq, %and3A_1922, %eq3A_1924 : vector<1024x1xi32>
    %broadcast_in_dim3A_1926 = vector.shape_cast %eq3A_1925 : vector<1024x1xi1> to vector<1024x1xi1>
    %broadcast_in_dim3A_1927 = vector.broadcast %broadcast_in_dim3A_1926 : vector<1024x1xi1> to vector<1024x256xi1>
    %select_n3A_1928 = arith.select %broadcast_in_dim3A_1927, %reshape3A_1914, %reshape3A_1918 : vector<1024x256xi1>, vector<1024x256xi32>
    %reshape3A_1929 = vector.shape_cast %select_n3A_1909 : vector<1024x256xi32> to vector<128x8x256xi32>
    %slice3A_1930 = vector.extract_strided_slice %reshape3A_1929 {offsets = [0, 1, 0], sizes = [128, 7, 256], strides = [1, 1, 1]} : vector<128x8x256xi32> to vector<128x7x256xi32>
    %slice3A_1931 = vector.extract_strided_slice %reshape3A_1929 {offsets = [0, 0, 0], sizes = [128, 1, 256], strides = [1, 1, 1]} : vector<128x8x256xi32> to vector<128x1x256xi32>
    %concatenate3A_1932 = tpu.concatenate %slice3A_1930, %slice3A_1931 in 1 : vector<128x7x256xi32>, vector<128x1x256xi32> -> vector<128x8x256xi32>
    %reshape3A_1933 = vector.shape_cast %concatenate3A_1932 : vector<128x8x256xi32> to vector<1024x256xi32>
    %slice3A_1934 = vector.extract_strided_slice %reshape3A_1929 {offsets = [0, 7, 0], sizes = [128, 1, 256], strides = [1, 1, 1]} : vector<128x8x256xi32> to vector<128x1x256xi32>
    %slice3A_1935 = vector.extract_strided_slice %reshape3A_1929 {offsets = [0, 0, 0], sizes = [128, 7, 256], strides = [1, 1, 1]} : vector<128x8x256xi32> to vector<128x7x256xi32>
    %concatenate3A_1936 = tpu.concatenate %slice3A_1934, %slice3A_1935 in 1 : vector<128x1x256xi32>, vector<128x7x256xi32> -> vector<128x8x256xi32>
    %reshape3A_1937 = vector.shape_cast %concatenate3A_1936 : vector<128x8x256xi32> to vector<1024x256xi32>
    %iota3A_1938 = tpu.iota {dimensions = array<i32: 0>} : vector<1024x1xi32>
    %and3A_1939 = arith.constant 1 : i32
    %and3A_1940 = vector.broadcast %and3A_1939 : i32 to vector<1024x1xi32>
    %and3A_1941 = arith.andi %iota3A_1938, %and3A_1940 : vector<1024x1xi32>
    %eq3A_1942 = arith.constant 0 : i32
    %eq3A_1943 = vector.broadcast %eq3A_1942 : i32 to vector<1024x1xi32>
    %eq3A_1944 = arith.cmpi eq, %and3A_1941, %eq3A_1943 : vector<1024x1xi32>
    %broadcast_in_dim3A_1945 = vector.shape_cast %eq3A_1944 : vector<1024x1xi1> to vector<1024x1xi1>
    %broadcast_in_dim3A_1946 = vector.broadcast %broadcast_in_dim3A_1945 : vector<1024x1xi1> to vector<1024x256xi1>
    %select_n3A_1947 = arith.select %broadcast_in_dim3A_1946, %reshape3A_1933, %reshape3A_1937 : vector<1024x256xi1>, vector<1024x256xi32>
    %gt3A_1948 = arith.cmpi sgt, %select_n3A_1908, %select_n3A_1928 : vector<1024x256xi32>
    %iota3A_1949 = tpu.iota {dimensions = array<i32: 0>} : vector<1024x1xi32>
    %and3A_1950 = arith.constant 1 : i32
    %and3A_1951 = vector.broadcast %and3A_1950 : i32 to vector<1024x1xi32>
    %and3A_1952 = arith.andi %iota3A_1949, %and3A_1951 : vector<1024x1xi32>
    %eq3A_1953 = arith.constant 0 : i32
    %eq3A_1954 = vector.broadcast %eq3A_1953 : i32 to vector<1024x1xi32>
    %eq3A_1955 = arith.cmpi eq, %and3A_1952, %eq3A_1954 : vector<1024x1xi32>
    %and3A_1956 = arith.constant 512 : i32
    %and3A_1957 = vector.broadcast %and3A_1956 : i32 to vector<1024x1xi32>
    %and3A_1958 = arith.andi %iota3A_1949, %and3A_1957 : vector<1024x1xi32>
    %eq3A_1959 = arith.constant 0 : i32
    %eq3A_1960 = vector.broadcast %eq3A_1959 : i32 to vector<1024x1xi32>
    %eq3A_1961 = arith.cmpi eq, %and3A_1958, %eq3A_1960 : vector<1024x1xi32>
    %eq3A_1962 = arith.xori %eq3A_1955, %eq3A_1961 : vector<1024x1xi1>
    %eq3A_1963 = arith.constant dense<true> : vector<1024x1xi1>
    %eq3A_1964 = arith.xori %eq3A_1962, %eq3A_1963 : vector<1024x1xi1>
    %eq3A_1965 = vector.broadcast %eq3A_1964 : vector<1024x1xi1> to vector<1024x256xi1>
    %eq3A_1966 = vector.broadcast %eq3A_1965 : vector<1024x256xi1> to vector<1024x256xi1>
    %eq3A_1967 = arith.xori %gt3A_1948, %eq3A_1966 : vector<1024x256xi1>
    %eq3A_1968 = arith.constant dense<true> : vector<1024x256xi1>
    %eq3A_1969 = arith.xori %eq3A_1967, %eq3A_1968 : vector<1024x256xi1>
    %select_n3A_1970 = arith.select %eq3A_1969, %select_n3A_1908, %select_n3A_1928 : vector<1024x256xi1>, vector<1024x256xi32>
    %select_n3A_1971 = arith.select %eq3A_1969, %select_n3A_1909, %select_n3A_1947 : vector<1024x256xi1>, vector<1024x256xi32>
    %reshape3A_1972 = vector.shape_cast %select_n3A_1970 : vector<1024x256xi32> to vector<1x2x512x256xi32>
    %reshape3A_1973 = vector.shape_cast %select_n3A_1971 : vector<1024x256xi32> to vector<1x2x512x256xi32>
    %slice3A_1974 = vector.extract_strided_slice %reshape3A_1972 {offsets = [0, 0, 0, 0], sizes = [1, 1, 512, 256], strides = [1, 1, 1, 1]} : vector<1x2x512x256xi32> to vector<1x1x512x256xi32>
    %squeeze3A_1975 = vector.shape_cast %slice3A_1974 : vector<1x1x512x256xi32> to vector<1x512x256xi32>
    %slice3A_1976 = vector.extract_strided_slice %reshape3A_1972 {offsets = [0, 1, 0, 0], sizes = [1, 1, 512, 256], strides = [1, 1, 1, 1]} : vector<1x2x512x256xi32> to vector<1x1x512x256xi32>
    %squeeze3A_1977 = vector.shape_cast %slice3A_1976 : vector<1x1x512x256xi32> to vector<1x512x256xi32>
    %slice3A_1978 = vector.extract_strided_slice %reshape3A_1973 {offsets = [0, 0, 0, 0], sizes = [1, 1, 512, 256], strides = [1, 1, 1, 1]} : vector<1x2x512x256xi32> to vector<1x1x512x256xi32>
    %squeeze3A_1979 = vector.shape_cast %slice3A_1978 : vector<1x1x512x256xi32> to vector<1x512x256xi32>
    %slice3A_1980 = vector.extract_strided_slice %reshape3A_1973 {offsets = [0, 1, 0, 0], sizes = [1, 1, 512, 256], strides = [1, 1, 1, 1]} : vector<1x2x512x256xi32> to vector<1x1x512x256xi32>
    %squeeze3A_1981 = vector.shape_cast %slice3A_1980 : vector<1x1x512x256xi32> to vector<1x512x256xi32>
    %gt3A_1982 = arith.cmpi sgt, %squeeze3A_1975, %squeeze3A_1977 : vector<1x512x256xi32>
    %iota3A_1983 = tpu.iota {dimensions = array<i32: 0>} : vector<1x1x1xi32>
    %and3A_1984 = arith.constant 1 : i32
    %and3A_1985 = vector.broadcast %and3A_1984 : i32 to vector<1x1x1xi32>
    %and3A_1986 = arith.andi %iota3A_1983, %and3A_1985 : vector<1x1x1xi32>
    %eq3A_1987 = arith.constant 0 : i32
    %eq3A_1988 = vector.broadcast %eq3A_1987 : i32 to vector<1x1x1xi32>
    %eq3A_1989 = arith.cmpi eq, %and3A_1986, %eq3A_1988 : vector<1x1x1xi32>
    %xor3A_1990 = vector.broadcast %eq3A_1989 : vector<1x1x1xi1> to vector<1x512x256xi1>
    %xor3A_1991 = arith.xori %gt3A_1982, %xor3A_1990 : vector<1x512x256xi1>
    %select_n3A_1992 = arith.select %xor3A_1991, %squeeze3A_1977, %squeeze3A_1975 : vector<1x512x256xi1>, vector<1x512x256xi32>
    %select_n3A_1993 = arith.select %xor3A_1991, %squeeze3A_1975, %squeeze3A_1977 : vector<1x512x256xi1>, vector<1x512x256xi32>
    %select_n3A_1994 = arith.select %xor3A_1991, %squeeze3A_1981, %squeeze3A_1979 : vector<1x512x256xi1>, vector<1x512x256xi32>
    %select_n3A_1995 = arith.select %xor3A_1991, %squeeze3A_1979, %squeeze3A_1981 : vector<1x512x256xi1>, vector<1x512x256xi32>
    %broadcast_in_dim3A_1996 = vector.shape_cast %select_n3A_1992 : vector<1x512x256xi32> to vector<1x1x512x256xi32>
    %broadcast_in_dim3A_1997 = vector.shape_cast %select_n3A_1993 : vector<1x512x256xi32> to vector<1x1x512x256xi32>
    %concatenate3A_1998 = tpu.concatenate %broadcast_in_dim3A_1996, %broadcast_in_dim3A_1997 in 1 : vector<1x1x512x256xi32>, vector<1x1x512x256xi32> -> vector<1x2x512x256xi32>
    %reshape3A_1999 = vector.shape_cast %concatenate3A_1998 : vector<1x2x512x256xi32> to vector<1024x256xi32>
    %broadcast_in_dim3A_2000 = vector.shape_cast %select_n3A_1994 : vector<1x512x256xi32> to vector<1x1x512x256xi32>
    %broadcast_in_dim3A_2001 = vector.shape_cast %select_n3A_1995 : vector<1x512x256xi32> to vector<1x1x512x256xi32>
    %concatenate3A_2002 = tpu.concatenate %broadcast_in_dim3A_2000, %broadcast_in_dim3A_2001 in 1 : vector<1x1x512x256xi32>, vector<1x1x512x256xi32> -> vector<1x2x512x256xi32>
    %reshape3A_2003 = vector.shape_cast %concatenate3A_2002 : vector<1x2x512x256xi32> to vector<1024x256xi32>
    %reshape3A_2004 = vector.shape_cast %reshape3A_1999 : vector<1024x256xi32> to vector<2x2x256x256xi32>
    %reshape3A_2005 = vector.shape_cast %reshape3A_2003 : vector<1024x256xi32> to vector<2x2x256x256xi32>
    %slice3A_2006 = vector.extract_strided_slice %reshape3A_2004 {offsets = [0, 0, 0, 0], sizes = [2, 1, 256, 256], strides = [1, 1, 1, 1]} : vector<2x2x256x256xi32> to vector<2x1x256x256xi32>
    %squeeze3A_2007 = vector.shape_cast %slice3A_2006 : vector<2x1x256x256xi32> to vector<2x256x256xi32>
    %slice3A_2008 = vector.extract_strided_slice %reshape3A_2004 {offsets = [0, 1, 0, 0], sizes = [2, 1, 256, 256], strides = [1, 1, 1, 1]} : vector<2x2x256x256xi32> to vector<2x1x256x256xi32>
    %squeeze3A_2009 = vector.shape_cast %slice3A_2008 : vector<2x1x256x256xi32> to vector<2x256x256xi32>
    %slice3A_2010 = vector.extract_strided_slice %reshape3A_2005 {offsets = [0, 0, 0, 0], sizes = [2, 1, 256, 256], strides = [1, 1, 1, 1]} : vector<2x2x256x256xi32> to vector<2x1x256x256xi32>
    %squeeze3A_2011 = vector.shape_cast %slice3A_2010 : vector<2x1x256x256xi32> to vector<2x256x256xi32>
    %slice3A_2012 = vector.extract_strided_slice %reshape3A_2005 {offsets = [0, 1, 0, 0], sizes = [2, 1, 256, 256], strides = [1, 1, 1, 1]} : vector<2x2x256x256xi32> to vector<2x1x256x256xi32>
    %squeeze3A_2013 = vector.shape_cast %slice3A_2012 : vector<2x1x256x256xi32> to vector<2x256x256xi32>
    %gt3A_2014 = arith.cmpi sgt, %squeeze3A_2007, %squeeze3A_2009 : vector<2x256x256xi32>
    %iota3A_2015 = tpu.iota {dimensions = array<i32: 0>} : vector<2x1x1xi32>
    %and3A_2016 = arith.constant 2 : i32
    %and3A_2017 = vector.broadcast %and3A_2016 : i32 to vector<2x1x1xi32>
    %and3A_2018 = arith.andi %iota3A_2015, %and3A_2017 : vector<2x1x1xi32>
    %eq3A_2019 = arith.constant 0 : i32
    %eq3A_2020 = vector.broadcast %eq3A_2019 : i32 to vector<2x1x1xi32>
    %eq3A_2021 = arith.cmpi eq, %and3A_2018, %eq3A_2020 : vector<2x1x1xi32>
    %xor3A_2022 = vector.broadcast %eq3A_2021 : vector<2x1x1xi1> to vector<2x256x256xi1>
    %xor3A_2023 = arith.xori %gt3A_2014, %xor3A_2022 : vector<2x256x256xi1>
    %select_n3A_2024 = arith.select %xor3A_2023, %squeeze3A_2009, %squeeze3A_2007 : vector<2x256x256xi1>, vector<2x256x256xi32>
    %select_n3A_2025 = arith.select %xor3A_2023, %squeeze3A_2007, %squeeze3A_2009 : vector<2x256x256xi1>, vector<2x256x256xi32>
    %select_n3A_2026 = arith.select %xor3A_2023, %squeeze3A_2013, %squeeze3A_2011 : vector<2x256x256xi1>, vector<2x256x256xi32>
    %select_n3A_2027 = arith.select %xor3A_2023, %squeeze3A_2011, %squeeze3A_2013 : vector<2x256x256xi1>, vector<2x256x256xi32>
    %broadcast_in_dim3A_2028 = vector.shape_cast %select_n3A_2024 : vector<2x256x256xi32> to vector<2x1x256x256xi32>
    %broadcast_in_dim3A_2029 = vector.shape_cast %select_n3A_2025 : vector<2x256x256xi32> to vector<2x1x256x256xi32>
    %concatenate3A_2030 = tpu.concatenate %broadcast_in_dim3A_2028, %broadcast_in_dim3A_2029 in 1 : vector<2x1x256x256xi32>, vector<2x1x256x256xi32> -> vector<2x2x256x256xi32>
    %reshape3A_2031 = vector.shape_cast %concatenate3A_2030 : vector<2x2x256x256xi32> to vector<1024x256xi32>
    %broadcast_in_dim3A_2032 = vector.shape_cast %select_n3A_2026 : vector<2x256x256xi32> to vector<2x1x256x256xi32>
    %broadcast_in_dim3A_2033 = vector.shape_cast %select_n3A_2027 : vector<2x256x256xi32> to vector<2x1x256x256xi32>
    %concatenate3A_2034 = tpu.concatenate %broadcast_in_dim3A_2032, %broadcast_in_dim3A_2033 in 1 : vector<2x1x256x256xi32>, vector<2x1x256x256xi32> -> vector<2x2x256x256xi32>
    %reshape3A_2035 = vector.shape_cast %concatenate3A_2034 : vector<2x2x256x256xi32> to vector<1024x256xi32>
    %reshape3A_2036 = vector.shape_cast %reshape3A_2031 : vector<1024x256xi32> to vector<4x2x128x256xi32>
    %reshape3A_2037 = vector.shape_cast %reshape3A_2035 : vector<1024x256xi32> to vector<4x2x128x256xi32>
    %slice3A_2038 = vector.extract_strided_slice %reshape3A_2036 {offsets = [0, 0, 0, 0], sizes = [4, 1, 128, 256], strides = [1, 1, 1, 1]} : vector<4x2x128x256xi32> to vector<4x1x128x256xi32>
    %squeeze3A_2039 = vector.shape_cast %slice3A_2038 : vector<4x1x128x256xi32> to vector<4x128x256xi32>
    %slice3A_2040 = vector.extract_strided_slice %reshape3A_2036 {offsets = [0, 1, 0, 0], sizes = [4, 1, 128, 256], strides = [1, 1, 1, 1]} : vector<4x2x128x256xi32> to vector<4x1x128x256xi32>
    %squeeze3A_2041 = vector.shape_cast %slice3A_2040 : vector<4x1x128x256xi32> to vector<4x128x256xi32>
    %slice3A_2042 = vector.extract_strided_slice %reshape3A_2037 {offsets = [0, 0, 0, 0], sizes = [4, 1, 128, 256], strides = [1, 1, 1, 1]} : vector<4x2x128x256xi32> to vector<4x1x128x256xi32>
    %squeeze3A_2043 = vector.shape_cast %slice3A_2042 : vector<4x1x128x256xi32> to vector<4x128x256xi32>
    %slice3A_2044 = vector.extract_strided_slice %reshape3A_2037 {offsets = [0, 1, 0, 0], sizes = [4, 1, 128, 256], strides = [1, 1, 1, 1]} : vector<4x2x128x256xi32> to vector<4x1x128x256xi32>
    %squeeze3A_2045 = vector.shape_cast %slice3A_2044 : vector<4x1x128x256xi32> to vector<4x128x256xi32>
    %gt3A_2046 = arith.cmpi sgt, %squeeze3A_2039, %squeeze3A_2041 : vector<4x128x256xi32>
    %iota3A_2047 = tpu.iota {dimensions = array<i32: 0>} : vector<4x1x1xi32>
    %and3A_2048 = arith.constant 4 : i32
    %and3A_2049 = vector.broadcast %and3A_2048 : i32 to vector<4x1x1xi32>
    %and3A_2050 = arith.andi %iota3A_2047, %and3A_2049 : vector<4x1x1xi32>
    %eq3A_2051 = arith.constant 0 : i32
    %eq3A_2052 = vector.broadcast %eq3A_2051 : i32 to vector<4x1x1xi32>
    %eq3A_2053 = arith.cmpi eq, %and3A_2050, %eq3A_2052 : vector<4x1x1xi32>
    %xor3A_2054 = vector.broadcast %eq3A_2053 : vector<4x1x1xi1> to vector<4x128x256xi1>
    %xor3A_2055 = arith.xori %gt3A_2046, %xor3A_2054 : vector<4x128x256xi1>
    %select_n3A_2056 = arith.select %xor3A_2055, %squeeze3A_2041, %squeeze3A_2039 : vector<4x128x256xi1>, vector<4x128x256xi32>
    %select_n3A_2057 = arith.select %xor3A_2055, %squeeze3A_2039, %squeeze3A_2041 : vector<4x128x256xi1>, vector<4x128x256xi32>
    %select_n3A_2058 = arith.select %xor3A_2055, %squeeze3A_2045, %squeeze3A_2043 : vector<4x128x256xi1>, vector<4x128x256xi32>
    %select_n3A_2059 = arith.select %xor3A_2055, %squeeze3A_2043, %squeeze3A_2045 : vector<4x128x256xi1>, vector<4x128x256xi32>
    %broadcast_in_dim3A_2060 = vector.shape_cast %select_n3A_2056 : vector<4x128x256xi32> to vector<4x1x128x256xi32>
    %broadcast_in_dim3A_2061 = vector.shape_cast %select_n3A_2057 : vector<4x128x256xi32> to vector<4x1x128x256xi32>
    %concatenate3A_2062 = tpu.concatenate %broadcast_in_dim3A_2060, %broadcast_in_dim3A_2061 in 1 : vector<4x1x128x256xi32>, vector<4x1x128x256xi32> -> vector<4x2x128x256xi32>
    %reshape3A_2063 = vector.shape_cast %concatenate3A_2062 : vector<4x2x128x256xi32> to vector<1024x256xi32>
    %broadcast_in_dim3A_2064 = vector.shape_cast %select_n3A_2058 : vector<4x128x256xi32> to vector<4x1x128x256xi32>
    %broadcast_in_dim3A_2065 = vector.shape_cast %select_n3A_2059 : vector<4x128x256xi32> to vector<4x1x128x256xi32>
    %concatenate3A_2066 = tpu.concatenate %broadcast_in_dim3A_2064, %broadcast_in_dim3A_2065 in 1 : vector<4x1x128x256xi32>, vector<4x1x128x256xi32> -> vector<4x2x128x256xi32>
    %reshape3A_2067 = vector.shape_cast %concatenate3A_2066 : vector<4x2x128x256xi32> to vector<1024x256xi32>
    %reshape3A_2068 = vector.shape_cast %reshape3A_2063 : vector<1024x256xi32> to vector<8x2x64x256xi32>
    %reshape3A_2069 = vector.shape_cast %reshape3A_2067 : vector<1024x256xi32> to vector<8x2x64x256xi32>
    %slice3A_2070 = vector.extract_strided_slice %reshape3A_2068 {offsets = [0, 0, 0, 0], sizes = [8, 1, 64, 256], strides = [1, 1, 1, 1]} : vector<8x2x64x256xi32> to vector<8x1x64x256xi32>
    %squeeze3A_2071 = vector.shape_cast %slice3A_2070 : vector<8x1x64x256xi32> to vector<8x64x256xi32>
    %slice3A_2072 = vector.extract_strided_slice %reshape3A_2068 {offsets = [0, 1, 0, 0], sizes = [8, 1, 64, 256], strides = [1, 1, 1, 1]} : vector<8x2x64x256xi32> to vector<8x1x64x256xi32>
    %squeeze3A_2073 = vector.shape_cast %slice3A_2072 : vector<8x1x64x256xi32> to vector<8x64x256xi32>
    %slice3A_2074 = vector.extract_strided_slice %reshape3A_2069 {offsets = [0, 0, 0, 0], sizes = [8, 1, 64, 256], strides = [1, 1, 1, 1]} : vector<8x2x64x256xi32> to vector<8x1x64x256xi32>
    %squeeze3A_2075 = vector.shape_cast %slice3A_2074 : vector<8x1x64x256xi32> to vector<8x64x256xi32>
    %slice3A_2076 = vector.extract_strided_slice %reshape3A_2069 {offsets = [0, 1, 0, 0], sizes = [8, 1, 64, 256], strides = [1, 1, 1, 1]} : vector<8x2x64x256xi32> to vector<8x1x64x256xi32>
    %squeeze3A_2077 = vector.shape_cast %slice3A_2076 : vector<8x1x64x256xi32> to vector<8x64x256xi32>
    %gt3A_2078 = arith.cmpi sgt, %squeeze3A_2071, %squeeze3A_2073 : vector<8x64x256xi32>
    %iota3A_2079 = tpu.iota {dimensions = array<i32: 0>} : vector<8x1x1xi32>
    %and3A_2080 = arith.constant 8 : i32
    %and3A_2081 = vector.broadcast %and3A_2080 : i32 to vector<8x1x1xi32>
    %and3A_2082 = arith.andi %iota3A_2079, %and3A_2081 : vector<8x1x1xi32>
    %eq3A_2083 = arith.constant 0 : i32
    %eq3A_2084 = vector.broadcast %eq3A_2083 : i32 to vector<8x1x1xi32>
    %eq3A_2085 = arith.cmpi eq, %and3A_2082, %eq3A_2084 : vector<8x1x1xi32>
    %xor3A_2086 = vector.broadcast %eq3A_2085 : vector<8x1x1xi1> to vector<8x64x256xi1>
    %xor3A_2087 = arith.xori %gt3A_2078, %xor3A_2086 : vector<8x64x256xi1>
    %select_n3A_2088 = arith.select %xor3A_2087, %squeeze3A_2073, %squeeze3A_2071 : vector<8x64x256xi1>, vector<8x64x256xi32>
    %select_n3A_2089 = arith.select %xor3A_2087, %squeeze3A_2071, %squeeze3A_2073 : vector<8x64x256xi1>, vector<8x64x256xi32>
    %select_n3A_2090 = arith.select %xor3A_2087, %squeeze3A_2077, %squeeze3A_2075 : vector<8x64x256xi1>, vector<8x64x256xi32>
    %select_n3A_2091 = arith.select %xor3A_2087, %squeeze3A_2075, %squeeze3A_2077 : vector<8x64x256xi1>, vector<8x64x256xi32>
    %broadcast_in_dim3A_2092 = vector.shape_cast %select_n3A_2088 : vector<8x64x256xi32> to vector<8x1x64x256xi32>
    %broadcast_in_dim3A_2093 = vector.shape_cast %select_n3A_2089 : vector<8x64x256xi32> to vector<8x1x64x256xi32>
    %concatenate3A_2094 = tpu.concatenate %broadcast_in_dim3A_2092, %broadcast_in_dim3A_2093 in 1 : vector<8x1x64x256xi32>, vector<8x1x64x256xi32> -> vector<8x2x64x256xi32>
    %reshape3A_2095 = vector.shape_cast %concatenate3A_2094 : vector<8x2x64x256xi32> to vector<1024x256xi32>
    %broadcast_in_dim3A_2096 = vector.shape_cast %select_n3A_2090 : vector<8x64x256xi32> to vector<8x1x64x256xi32>
    %broadcast_in_dim3A_2097 = vector.shape_cast %select_n3A_2091 : vector<8x64x256xi32> to vector<8x1x64x256xi32>
    %concatenate3A_2098 = tpu.concatenate %broadcast_in_dim3A_2096, %broadcast_in_dim3A_2097 in 1 : vector<8x1x64x256xi32>, vector<8x1x64x256xi32> -> vector<8x2x64x256xi32>
    %reshape3A_2099 = vector.shape_cast %concatenate3A_2098 : vector<8x2x64x256xi32> to vector<1024x256xi32>
    %reshape3A_2100 = vector.shape_cast %reshape3A_2095 : vector<1024x256xi32> to vector<16x2x32x256xi32>
    %reshape3A_2101 = vector.shape_cast %reshape3A_2099 : vector<1024x256xi32> to vector<16x2x32x256xi32>
    %slice3A_2102 = vector.extract_strided_slice %reshape3A_2100 {offsets = [0, 0, 0, 0], sizes = [16, 1, 32, 256], strides = [1, 1, 1, 1]} : vector<16x2x32x256xi32> to vector<16x1x32x256xi32>
    %squeeze3A_2103 = vector.shape_cast %slice3A_2102 : vector<16x1x32x256xi32> to vector<16x32x256xi32>
    %slice3A_2104 = vector.extract_strided_slice %reshape3A_2100 {offsets = [0, 1, 0, 0], sizes = [16, 1, 32, 256], strides = [1, 1, 1, 1]} : vector<16x2x32x256xi32> to vector<16x1x32x256xi32>
    %squeeze3A_2105 = vector.shape_cast %slice3A_2104 : vector<16x1x32x256xi32> to vector<16x32x256xi32>
    %slice3A_2106 = vector.extract_strided_slice %reshape3A_2101 {offsets = [0, 0, 0, 0], sizes = [16, 1, 32, 256], strides = [1, 1, 1, 1]} : vector<16x2x32x256xi32> to vector<16x1x32x256xi32>
    %squeeze3A_2107 = vector.shape_cast %slice3A_2106 : vector<16x1x32x256xi32> to vector<16x32x256xi32>
    %slice3A_2108 = vector.extract_strided_slice %reshape3A_2101 {offsets = [0, 1, 0, 0], sizes = [16, 1, 32, 256], strides = [1, 1, 1, 1]} : vector<16x2x32x256xi32> to vector<16x1x32x256xi32>
    %squeeze3A_2109 = vector.shape_cast %slice3A_2108 : vector<16x1x32x256xi32> to vector<16x32x256xi32>
    %gt3A_2110 = arith.cmpi sgt, %squeeze3A_2103, %squeeze3A_2105 : vector<16x32x256xi32>
    %iota3A_2111 = tpu.iota {dimensions = array<i32: 0>} : vector<16x1x1xi32>
    %and3A_2112 = arith.constant 16 : i32
    %and3A_2113 = vector.broadcast %and3A_2112 : i32 to vector<16x1x1xi32>
    %and3A_2114 = arith.andi %iota3A_2111, %and3A_2113 : vector<16x1x1xi32>
    %eq3A_2115 = arith.constant 0 : i32
    %eq3A_2116 = vector.broadcast %eq3A_2115 : i32 to vector<16x1x1xi32>
    %eq3A_2117 = arith.cmpi eq, %and3A_2114, %eq3A_2116 : vector<16x1x1xi32>
    %xor3A_2118 = vector.broadcast %eq3A_2117 : vector<16x1x1xi1> to vector<16x32x256xi1>
    %xor3A_2119 = arith.xori %gt3A_2110, %xor3A_2118 : vector<16x32x256xi1>
    %select_n3A_2120 = arith.select %xor3A_2119, %squeeze3A_2105, %squeeze3A_2103 : vector<16x32x256xi1>, vector<16x32x256xi32>
    %select_n3A_2121 = arith.select %xor3A_2119, %squeeze3A_2103, %squeeze3A_2105 : vector<16x32x256xi1>, vector<16x32x256xi32>
    %select_n3A_2122 = arith.select %xor3A_2119, %squeeze3A_2109, %squeeze3A_2107 : vector<16x32x256xi1>, vector<16x32x256xi32>
    %select_n3A_2123 = arith.select %xor3A_2119, %squeeze3A_2107, %squeeze3A_2109 : vector<16x32x256xi1>, vector<16x32x256xi32>
    %broadcast_in_dim3A_2124 = vector.shape_cast %select_n3A_2120 : vector<16x32x256xi32> to vector<16x1x32x256xi32>
    %broadcast_in_dim3A_2125 = vector.shape_cast %select_n3A_2121 : vector<16x32x256xi32> to vector<16x1x32x256xi32>
    %concatenate3A_2126 = tpu.concatenate %broadcast_in_dim3A_2124, %broadcast_in_dim3A_2125 in 1 : vector<16x1x32x256xi32>, vector<16x1x32x256xi32> -> vector<16x2x32x256xi32>
    %reshape3A_2127 = vector.shape_cast %concatenate3A_2126 : vector<16x2x32x256xi32> to vector<1024x256xi32>
    %broadcast_in_dim3A_2128 = vector.shape_cast %select_n3A_2122 : vector<16x32x256xi32> to vector<16x1x32x256xi32>
    %broadcast_in_dim3A_2129 = vector.shape_cast %select_n3A_2123 : vector<16x32x256xi32> to vector<16x1x32x256xi32>
    %concatenate3A_2130 = tpu.concatenate %broadcast_in_dim3A_2128, %broadcast_in_dim3A_2129 in 1 : vector<16x1x32x256xi32>, vector<16x1x32x256xi32> -> vector<16x2x32x256xi32>
    %reshape3A_2131 = vector.shape_cast %concatenate3A_2130 : vector<16x2x32x256xi32> to vector<1024x256xi32>
    %reshape3A_2132 = vector.shape_cast %reshape3A_2127 : vector<1024x256xi32> to vector<32x2x16x256xi32>
    %reshape3A_2133 = vector.shape_cast %reshape3A_2131 : vector<1024x256xi32> to vector<32x2x16x256xi32>
    %slice3A_2134 = vector.extract_strided_slice %reshape3A_2132 {offsets = [0, 0, 0, 0], sizes = [32, 1, 16, 256], strides = [1, 1, 1, 1]} : vector<32x2x16x256xi32> to vector<32x1x16x256xi32>
    %squeeze3A_2135 = vector.shape_cast %slice3A_2134 : vector<32x1x16x256xi32> to vector<32x16x256xi32>
    %slice3A_2136 = vector.extract_strided_slice %reshape3A_2132 {offsets = [0, 1, 0, 0], sizes = [32, 1, 16, 256], strides = [1, 1, 1, 1]} : vector<32x2x16x256xi32> to vector<32x1x16x256xi32>
    %squeeze3A_2137 = vector.shape_cast %slice3A_2136 : vector<32x1x16x256xi32> to vector<32x16x256xi32>
    %slice3A_2138 = vector.extract_strided_slice %reshape3A_2133 {offsets = [0, 0, 0, 0], sizes = [32, 1, 16, 256], strides = [1, 1, 1, 1]} : vector<32x2x16x256xi32> to vector<32x1x16x256xi32>
    %squeeze3A_2139 = vector.shape_cast %slice3A_2138 : vector<32x1x16x256xi32> to vector<32x16x256xi32>
    %slice3A_2140 = vector.extract_strided_slice %reshape3A_2133 {offsets = [0, 1, 0, 0], sizes = [32, 1, 16, 256], strides = [1, 1, 1, 1]} : vector<32x2x16x256xi32> to vector<32x1x16x256xi32>
    %squeeze3A_2141 = vector.shape_cast %slice3A_2140 : vector<32x1x16x256xi32> to vector<32x16x256xi32>
    %gt3A_2142 = arith.cmpi sgt, %squeeze3A_2135, %squeeze3A_2137 : vector<32x16x256xi32>
    %iota3A_2143 = tpu.iota {dimensions = array<i32: 0>} : vector<32x1x1xi32>
    %and3A_2144 = arith.constant 32 : i32
    %and3A_2145 = vector.broadcast %and3A_2144 : i32 to vector<32x1x1xi32>
    %and3A_2146 = arith.andi %iota3A_2143, %and3A_2145 : vector<32x1x1xi32>
    %eq3A_2147 = arith.constant 0 : i32
    %eq3A_2148 = vector.broadcast %eq3A_2147 : i32 to vector<32x1x1xi32>
    %eq3A_2149 = arith.cmpi eq, %and3A_2146, %eq3A_2148 : vector<32x1x1xi32>
    %xor3A_2150 = vector.broadcast %eq3A_2149 : vector<32x1x1xi1> to vector<32x16x256xi1>
    %xor3A_2151 = arith.xori %gt3A_2142, %xor3A_2150 : vector<32x16x256xi1>
    %select_n3A_2152 = arith.select %xor3A_2151, %squeeze3A_2137, %squeeze3A_2135 : vector<32x16x256xi1>, vector<32x16x256xi32>
    %select_n3A_2153 = arith.select %xor3A_2151, %squeeze3A_2135, %squeeze3A_2137 : vector<32x16x256xi1>, vector<32x16x256xi32>
    %select_n3A_2154 = arith.select %xor3A_2151, %squeeze3A_2141, %squeeze3A_2139 : vector<32x16x256xi1>, vector<32x16x256xi32>
    %select_n3A_2155 = arith.select %xor3A_2151, %squeeze3A_2139, %squeeze3A_2141 : vector<32x16x256xi1>, vector<32x16x256xi32>
    %broadcast_in_dim3A_2156 = vector.shape_cast %select_n3A_2152 : vector<32x16x256xi32> to vector<32x1x16x256xi32>
    %broadcast_in_dim3A_2157 = vector.shape_cast %select_n3A_2153 : vector<32x16x256xi32> to vector<32x1x16x256xi32>
    %concatenate3A_2158 = tpu.concatenate %broadcast_in_dim3A_2156, %broadcast_in_dim3A_2157 in 1 : vector<32x1x16x256xi32>, vector<32x1x16x256xi32> -> vector<32x2x16x256xi32>
    %reshape3A_2159 = vector.shape_cast %concatenate3A_2158 : vector<32x2x16x256xi32> to vector<1024x256xi32>
    %broadcast_in_dim3A_2160 = vector.shape_cast %select_n3A_2154 : vector<32x16x256xi32> to vector<32x1x16x256xi32>
    %broadcast_in_dim3A_2161 = vector.shape_cast %select_n3A_2155 : vector<32x16x256xi32> to vector<32x1x16x256xi32>
    %concatenate3A_2162 = tpu.concatenate %broadcast_in_dim3A_2160, %broadcast_in_dim3A_2161 in 1 : vector<32x1x16x256xi32>, vector<32x1x16x256xi32> -> vector<32x2x16x256xi32>
    %reshape3A_2163 = vector.shape_cast %concatenate3A_2162 : vector<32x2x16x256xi32> to vector<1024x256xi32>
    %reshape3A_2164 = vector.shape_cast %reshape3A_2159 : vector<1024x256xi32> to vector<64x2x8x256xi32>
    %reshape3A_2165 = vector.shape_cast %reshape3A_2163 : vector<1024x256xi32> to vector<64x2x8x256xi32>
    %slice3A_2166 = vector.extract_strided_slice %reshape3A_2164 {offsets = [0, 0, 0, 0], sizes = [64, 1, 8, 256], strides = [1, 1, 1, 1]} : vector<64x2x8x256xi32> to vector<64x1x8x256xi32>
    %squeeze3A_2167 = vector.shape_cast %slice3A_2166 : vector<64x1x8x256xi32> to vector<64x8x256xi32>
    %slice3A_2168 = vector.extract_strided_slice %reshape3A_2164 {offsets = [0, 1, 0, 0], sizes = [64, 1, 8, 256], strides = [1, 1, 1, 1]} : vector<64x2x8x256xi32> to vector<64x1x8x256xi32>
    %squeeze3A_2169 = vector.shape_cast %slice3A_2168 : vector<64x1x8x256xi32> to vector<64x8x256xi32>
    %slice3A_2170 = vector.extract_strided_slice %reshape3A_2165 {offsets = [0, 0, 0, 0], sizes = [64, 1, 8, 256], strides = [1, 1, 1, 1]} : vector<64x2x8x256xi32> to vector<64x1x8x256xi32>
    %squeeze3A_2171 = vector.shape_cast %slice3A_2170 : vector<64x1x8x256xi32> to vector<64x8x256xi32>
    %slice3A_2172 = vector.extract_strided_slice %reshape3A_2165 {offsets = [0, 1, 0, 0], sizes = [64, 1, 8, 256], strides = [1, 1, 1, 1]} : vector<64x2x8x256xi32> to vector<64x1x8x256xi32>
    %squeeze3A_2173 = vector.shape_cast %slice3A_2172 : vector<64x1x8x256xi32> to vector<64x8x256xi32>
    %gt3A_2174 = arith.cmpi sgt, %squeeze3A_2167, %squeeze3A_2169 : vector<64x8x256xi32>
    %iota3A_2175 = tpu.iota {dimensions = array<i32: 0>} : vector<64x1x1xi32>
    %and3A_2176 = arith.constant 64 : i32
    %and3A_2177 = vector.broadcast %and3A_2176 : i32 to vector<64x1x1xi32>
    %and3A_2178 = arith.andi %iota3A_2175, %and3A_2177 : vector<64x1x1xi32>
    %eq3A_2179 = arith.constant 0 : i32
    %eq3A_2180 = vector.broadcast %eq3A_2179 : i32 to vector<64x1x1xi32>
    %eq3A_2181 = arith.cmpi eq, %and3A_2178, %eq3A_2180 : vector<64x1x1xi32>
    %xor3A_2182 = vector.broadcast %eq3A_2181 : vector<64x1x1xi1> to vector<64x8x256xi1>
    %xor3A_2183 = arith.xori %gt3A_2174, %xor3A_2182 : vector<64x8x256xi1>
    %select_n3A_2184 = arith.select %xor3A_2183, %squeeze3A_2169, %squeeze3A_2167 : vector<64x8x256xi1>, vector<64x8x256xi32>
    %select_n3A_2185 = arith.select %xor3A_2183, %squeeze3A_2167, %squeeze3A_2169 : vector<64x8x256xi1>, vector<64x8x256xi32>
    %select_n3A_2186 = arith.select %xor3A_2183, %squeeze3A_2173, %squeeze3A_2171 : vector<64x8x256xi1>, vector<64x8x256xi32>
    %select_n3A_2187 = arith.select %xor3A_2183, %squeeze3A_2171, %squeeze3A_2173 : vector<64x8x256xi1>, vector<64x8x256xi32>
    %broadcast_in_dim3A_2188 = vector.shape_cast %select_n3A_2184 : vector<64x8x256xi32> to vector<64x1x8x256xi32>
    %broadcast_in_dim3A_2189 = vector.shape_cast %select_n3A_2185 : vector<64x8x256xi32> to vector<64x1x8x256xi32>
    %concatenate3A_2190 = tpu.concatenate %broadcast_in_dim3A_2188, %broadcast_in_dim3A_2189 in 1 : vector<64x1x8x256xi32>, vector<64x1x8x256xi32> -> vector<64x2x8x256xi32>
    %reshape3A_2191 = vector.shape_cast %concatenate3A_2190 : vector<64x2x8x256xi32> to vector<1024x256xi32>
    %broadcast_in_dim3A_2192 = vector.shape_cast %select_n3A_2186 : vector<64x8x256xi32> to vector<64x1x8x256xi32>
    %broadcast_in_dim3A_2193 = vector.shape_cast %select_n3A_2187 : vector<64x8x256xi32> to vector<64x1x8x256xi32>
    %concatenate3A_2194 = tpu.concatenate %broadcast_in_dim3A_2192, %broadcast_in_dim3A_2193 in 1 : vector<64x1x8x256xi32>, vector<64x1x8x256xi32> -> vector<64x2x8x256xi32>
    %reshape3A_2195 = vector.shape_cast %concatenate3A_2194 : vector<64x2x8x256xi32> to vector<1024x256xi32>
    %reshape3A_2196 = vector.shape_cast %reshape3A_2191 : vector<1024x256xi32> to vector<128x8x256xi32>
    %slice3A_2197 = vector.extract_strided_slice %reshape3A_2196 {offsets = [0, 4, 0], sizes = [128, 4, 256], strides = [1, 1, 1]} : vector<128x8x256xi32> to vector<128x4x256xi32>
    %slice3A_2198 = vector.extract_strided_slice %reshape3A_2196 {offsets = [0, 0, 0], sizes = [128, 4, 256], strides = [1, 1, 1]} : vector<128x8x256xi32> to vector<128x4x256xi32>
    %concatenate3A_2199 = tpu.concatenate %slice3A_2197, %slice3A_2198 in 1 : vector<128x4x256xi32>, vector<128x4x256xi32> -> vector<128x8x256xi32>
    %reshape3A_2200 = vector.shape_cast %concatenate3A_2199 : vector<128x8x256xi32> to vector<1024x256xi32>
    %reshape3A_2201 = vector.shape_cast %reshape3A_2195 : vector<1024x256xi32> to vector<128x8x256xi32>
    %slice3A_2202 = vector.extract_strided_slice %reshape3A_2201 {offsets = [0, 4, 0], sizes = [128, 4, 256], strides = [1, 1, 1]} : vector<128x8x256xi32> to vector<128x4x256xi32>
    %slice3A_2203 = vector.extract_strided_slice %reshape3A_2201 {offsets = [0, 0, 0], sizes = [128, 4, 256], strides = [1, 1, 1]} : vector<128x8x256xi32> to vector<128x4x256xi32>
    %concatenate3A_2204 = tpu.concatenate %slice3A_2202, %slice3A_2203 in 1 : vector<128x4x256xi32>, vector<128x4x256xi32> -> vector<128x8x256xi32>
    %reshape3A_2205 = vector.shape_cast %concatenate3A_2204 : vector<128x8x256xi32> to vector<1024x256xi32>
    %gt3A_2206 = arith.cmpi sgt, %reshape3A_2191, %reshape3A_2200 : vector<1024x256xi32>
    %iota3A_2207 = tpu.iota {dimensions = array<i32: 0>} : vector<1024x1xi32>
    %and3A_2208 = arith.constant 4 : i32
    %and3A_2209 = vector.broadcast %and3A_2208 : i32 to vector<1024x1xi32>
    %and3A_2210 = arith.andi %iota3A_2207, %and3A_2209 : vector<1024x1xi32>
    %eq3A_2211 = arith.constant 0 : i32
    %eq3A_2212 = vector.broadcast %eq3A_2211 : i32 to vector<1024x1xi32>
    %eq3A_2213 = arith.cmpi eq, %and3A_2210, %eq3A_2212 : vector<1024x1xi32>
    %and3A_2214 = arith.constant 1024 : i32
    %and3A_2215 = vector.broadcast %and3A_2214 : i32 to vector<1024x1xi32>
    %and3A_2216 = arith.andi %iota3A_2207, %and3A_2215 : vector<1024x1xi32>
    %eq3A_2217 = arith.constant 0 : i32
    %eq3A_2218 = vector.broadcast %eq3A_2217 : i32 to vector<1024x1xi32>
    %eq3A_2219 = arith.cmpi eq, %and3A_2216, %eq3A_2218 : vector<1024x1xi32>
    %eq3A_2220 = arith.xori %eq3A_2213, %eq3A_2219 : vector<1024x1xi1>
    %eq3A_2221 = arith.constant dense<true> : vector<1024x1xi1>
    %eq3A_2222 = arith.xori %eq3A_2220, %eq3A_2221 : vector<1024x1xi1>
    %eq3A_2223 = vector.broadcast %eq3A_2222 : vector<1024x1xi1> to vector<1024x256xi1>
    %eq3A_2224 = vector.broadcast %eq3A_2223 : vector<1024x256xi1> to vector<1024x256xi1>
    %eq3A_2225 = arith.xori %gt3A_2206, %eq3A_2224 : vector<1024x256xi1>
    %eq3A_2226 = arith.constant dense<true> : vector<1024x256xi1>
    %eq3A_2227 = arith.xori %eq3A_2225, %eq3A_2226 : vector<1024x256xi1>
    %select_n3A_2228 = arith.select %eq3A_2227, %reshape3A_2191, %reshape3A_2200 : vector<1024x256xi1>, vector<1024x256xi32>
    %select_n3A_2229 = arith.select %eq3A_2227, %reshape3A_2195, %reshape3A_2205 : vector<1024x256xi1>, vector<1024x256xi32>
    %reshape3A_2230 = vector.shape_cast %select_n3A_2228 : vector<1024x256xi32> to vector<128x8x256xi32>
    %slice3A_2231 = vector.extract_strided_slice %reshape3A_2230 {offsets = [0, 2, 0], sizes = [128, 6, 256], strides = [1, 1, 1]} : vector<128x8x256xi32> to vector<128x6x256xi32>
    %slice3A_2232 = vector.extract_strided_slice %reshape3A_2230 {offsets = [0, 0, 0], sizes = [128, 2, 256], strides = [1, 1, 1]} : vector<128x8x256xi32> to vector<128x2x256xi32>
    %concatenate3A_2233 = tpu.concatenate %slice3A_2231, %slice3A_2232 in 1 : vector<128x6x256xi32>, vector<128x2x256xi32> -> vector<128x8x256xi32>
    %reshape3A_2234 = vector.shape_cast %concatenate3A_2233 : vector<128x8x256xi32> to vector<1024x256xi32>
    %slice3A_2235 = vector.extract_strided_slice %reshape3A_2230 {offsets = [0, 6, 0], sizes = [128, 2, 256], strides = [1, 1, 1]} : vector<128x8x256xi32> to vector<128x2x256xi32>
    %slice3A_2236 = vector.extract_strided_slice %reshape3A_2230 {offsets = [0, 0, 0], sizes = [128, 6, 256], strides = [1, 1, 1]} : vector<128x8x256xi32> to vector<128x6x256xi32>
    %concatenate3A_2237 = tpu.concatenate %slice3A_2235, %slice3A_2236 in 1 : vector<128x2x256xi32>, vector<128x6x256xi32> -> vector<128x8x256xi32>
    %reshape3A_2238 = vector.shape_cast %concatenate3A_2237 : vector<128x8x256xi32> to vector<1024x256xi32>
    %iota3A_2239 = tpu.iota {dimensions = array<i32: 0>} : vector<1024x1xi32>
    %and3A_2240 = arith.constant 2 : i32
    %and3A_2241 = vector.broadcast %and3A_2240 : i32 to vector<1024x1xi32>
    %and3A_2242 = arith.andi %iota3A_2239, %and3A_2241 : vector<1024x1xi32>
    %eq3A_2243 = arith.constant 0 : i32
    %eq3A_2244 = vector.broadcast %eq3A_2243 : i32 to vector<1024x1xi32>
    %eq3A_2245 = arith.cmpi eq, %and3A_2242, %eq3A_2244 : vector<1024x1xi32>
    %broadcast_in_dim3A_2246 = vector.shape_cast %eq3A_2245 : vector<1024x1xi1> to vector<1024x1xi1>
    %broadcast_in_dim3A_2247 = vector.broadcast %broadcast_in_dim3A_2246 : vector<1024x1xi1> to vector<1024x256xi1>
    %select_n3A_2248 = arith.select %broadcast_in_dim3A_2247, %reshape3A_2234, %reshape3A_2238 : vector<1024x256xi1>, vector<1024x256xi32>
    %reshape3A_2249 = vector.shape_cast %select_n3A_2229 : vector<1024x256xi32> to vector<128x8x256xi32>
    %slice3A_2250 = vector.extract_strided_slice %reshape3A_2249 {offsets = [0, 2, 0], sizes = [128, 6, 256], strides = [1, 1, 1]} : vector<128x8x256xi32> to vector<128x6x256xi32>
    %slice3A_2251 = vector.extract_strided_slice %reshape3A_2249 {offsets = [0, 0, 0], sizes = [128, 2, 256], strides = [1, 1, 1]} : vector<128x8x256xi32> to vector<128x2x256xi32>
    %concatenate3A_2252 = tpu.concatenate %slice3A_2250, %slice3A_2251 in 1 : vector<128x6x256xi32>, vector<128x2x256xi32> -> vector<128x8x256xi32>
    %reshape3A_2253 = vector.shape_cast %concatenate3A_2252 : vector<128x8x256xi32> to vector<1024x256xi32>
    %slice3A_2254 = vector.extract_strided_slice %reshape3A_2249 {offsets = [0, 6, 0], sizes = [128, 2, 256], strides = [1, 1, 1]} : vector<128x8x256xi32> to vector<128x2x256xi32>
    %slice3A_2255 = vector.extract_strided_slice %reshape3A_2249 {offsets = [0, 0, 0], sizes = [128, 6, 256], strides = [1, 1, 1]} : vector<128x8x256xi32> to vector<128x6x256xi32>
    %concatenate3A_2256 = tpu.concatenate %slice3A_2254, %slice3A_2255 in 1 : vector<128x2x256xi32>, vector<128x6x256xi32> -> vector<128x8x256xi32>
    %reshape3A_2257 = vector.shape_cast %concatenate3A_2256 : vector<128x8x256xi32> to vector<1024x256xi32>
    %iota3A_2258 = tpu.iota {dimensions = array<i32: 0>} : vector<1024x1xi32>
    %and3A_2259 = arith.constant 2 : i32
    %and3A_2260 = vector.broadcast %and3A_2259 : i32 to vector<1024x1xi32>
    %and3A_2261 = arith.andi %iota3A_2258, %and3A_2260 : vector<1024x1xi32>
    %eq3A_2262 = arith.constant 0 : i32
    %eq3A_2263 = vector.broadcast %eq3A_2262 : i32 to vector<1024x1xi32>
    %eq3A_2264 = arith.cmpi eq, %and3A_2261, %eq3A_2263 : vector<1024x1xi32>
    %broadcast_in_dim3A_2265 = vector.shape_cast %eq3A_2264 : vector<1024x1xi1> to vector<1024x1xi1>
    %broadcast_in_dim3A_2266 = vector.broadcast %broadcast_in_dim3A_2265 : vector<1024x1xi1> to vector<1024x256xi1>
    %select_n3A_2267 = arith.select %broadcast_in_dim3A_2266, %reshape3A_2253, %reshape3A_2257 : vector<1024x256xi1>, vector<1024x256xi32>
    %gt3A_2268 = arith.cmpi sgt, %select_n3A_2228, %select_n3A_2248 : vector<1024x256xi32>
    %iota3A_2269 = tpu.iota {dimensions = array<i32: 0>} : vector<1024x1xi32>
    %and3A_2270 = arith.constant 2 : i32
    %and3A_2271 = vector.broadcast %and3A_2270 : i32 to vector<1024x1xi32>
    %and3A_2272 = arith.andi %iota3A_2269, %and3A_2271 : vector<1024x1xi32>
    %eq3A_2273 = arith.constant 0 : i32
    %eq3A_2274 = vector.broadcast %eq3A_2273 : i32 to vector<1024x1xi32>
    %eq3A_2275 = arith.cmpi eq, %and3A_2272, %eq3A_2274 : vector<1024x1xi32>
    %and3A_2276 = arith.constant 1024 : i32
    %and3A_2277 = vector.broadcast %and3A_2276 : i32 to vector<1024x1xi32>
    %and3A_2278 = arith.andi %iota3A_2269, %and3A_2277 : vector<1024x1xi32>
    %eq3A_2279 = arith.constant 0 : i32
    %eq3A_2280 = vector.broadcast %eq3A_2279 : i32 to vector<1024x1xi32>
    %eq3A_2281 = arith.cmpi eq, %and3A_2278, %eq3A_2280 : vector<1024x1xi32>
    %eq3A_2282 = arith.xori %eq3A_2275, %eq3A_2281 : vector<1024x1xi1>
    %eq3A_2283 = arith.constant dense<true> : vector<1024x1xi1>
    %eq3A_2284 = arith.xori %eq3A_2282, %eq3A_2283 : vector<1024x1xi1>
    %eq3A_2285 = vector.broadcast %eq3A_2284 : vector<1024x1xi1> to vector<1024x256xi1>
    %eq3A_2286 = vector.broadcast %eq3A_2285 : vector<1024x256xi1> to vector<1024x256xi1>
    %eq3A_2287 = arith.xori %gt3A_2268, %eq3A_2286 : vector<1024x256xi1>
    %eq3A_2288 = arith.constant dense<true> : vector<1024x256xi1>
    %eq3A_2289 = arith.xori %eq3A_2287, %eq3A_2288 : vector<1024x256xi1>
    %select_n3A_2290 = arith.select %eq3A_2289, %select_n3A_2228, %select_n3A_2248 : vector<1024x256xi1>, vector<1024x256xi32>
    %select_n3A_2291 = arith.select %eq3A_2289, %select_n3A_2229, %select_n3A_2267 : vector<1024x256xi1>, vector<1024x256xi32>
    %reshape3A_2292 = vector.shape_cast %select_n3A_2290 : vector<1024x256xi32> to vector<128x8x256xi32>
    %slice3A_2293 = vector.extract_strided_slice %reshape3A_2292 {offsets = [0, 1, 0], sizes = [128, 7, 256], strides = [1, 1, 1]} : vector<128x8x256xi32> to vector<128x7x256xi32>
    %slice3A_2294 = vector.extract_strided_slice %reshape3A_2292 {offsets = [0, 0, 0], sizes = [128, 1, 256], strides = [1, 1, 1]} : vector<128x8x256xi32> to vector<128x1x256xi32>
    %concatenate3A_2295 = tpu.concatenate %slice3A_2293, %slice3A_2294 in 1 : vector<128x7x256xi32>, vector<128x1x256xi32> -> vector<128x8x256xi32>
    %reshape3A_2296 = vector.shape_cast %concatenate3A_2295 : vector<128x8x256xi32> to vector<1024x256xi32>
    %slice3A_2297 = vector.extract_strided_slice %reshape3A_2292 {offsets = [0, 7, 0], sizes = [128, 1, 256], strides = [1, 1, 1]} : vector<128x8x256xi32> to vector<128x1x256xi32>
    %slice3A_2298 = vector.extract_strided_slice %reshape3A_2292 {offsets = [0, 0, 0], sizes = [128, 7, 256], strides = [1, 1, 1]} : vector<128x8x256xi32> to vector<128x7x256xi32>
    %concatenate3A_2299 = tpu.concatenate %slice3A_2297, %slice3A_2298 in 1 : vector<128x1x256xi32>, vector<128x7x256xi32> -> vector<128x8x256xi32>
    %reshape3A_2300 = vector.shape_cast %concatenate3A_2299 : vector<128x8x256xi32> to vector<1024x256xi32>
    %iota3A_2301 = tpu.iota {dimensions = array<i32: 0>} : vector<1024x1xi32>
    %and3A_2302 = arith.constant 1 : i32
    %and3A_2303 = vector.broadcast %and3A_2302 : i32 to vector<1024x1xi32>
    %and3A_2304 = arith.andi %iota3A_2301, %and3A_2303 : vector<1024x1xi32>
    %eq3A_2305 = arith.constant 0 : i32
    %eq3A_2306 = vector.broadcast %eq3A_2305 : i32 to vector<1024x1xi32>
    %eq3A_2307 = arith.cmpi eq, %and3A_2304, %eq3A_2306 : vector<1024x1xi32>
    %broadcast_in_dim3A_2308 = vector.shape_cast %eq3A_2307 : vector<1024x1xi1> to vector<1024x1xi1>
    %broadcast_in_dim3A_2309 = vector.broadcast %broadcast_in_dim3A_2308 : vector<1024x1xi1> to vector<1024x256xi1>
    %select_n3A_2310 = arith.select %broadcast_in_dim3A_2309, %reshape3A_2296, %reshape3A_2300 : vector<1024x256xi1>, vector<1024x256xi32>
    %reshape3A_2311 = vector.shape_cast %select_n3A_2291 : vector<1024x256xi32> to vector<128x8x256xi32>
    %slice3A_2312 = vector.extract_strided_slice %reshape3A_2311 {offsets = [0, 1, 0], sizes = [128, 7, 256], strides = [1, 1, 1]} : vector<128x8x256xi32> to vector<128x7x256xi32>
    %slice3A_2313 = vector.extract_strided_slice %reshape3A_2311 {offsets = [0, 0, 0], sizes = [128, 1, 256], strides = [1, 1, 1]} : vector<128x8x256xi32> to vector<128x1x256xi32>
    %concatenate3A_2314 = tpu.concatenate %slice3A_2312, %slice3A_2313 in 1 : vector<128x7x256xi32>, vector<128x1x256xi32> -> vector<128x8x256xi32>
    %reshape3A_2315 = vector.shape_cast %concatenate3A_2314 : vector<128x8x256xi32> to vector<1024x256xi32>
    %slice3A_2316 = vector.extract_strided_slice %reshape3A_2311 {offsets = [0, 7, 0], sizes = [128, 1, 256], strides = [1, 1, 1]} : vector<128x8x256xi32> to vector<128x1x256xi32>
    %slice3A_2317 = vector.extract_strided_slice %reshape3A_2311 {offsets = [0, 0, 0], sizes = [128, 7, 256], strides = [1, 1, 1]} : vector<128x8x256xi32> to vector<128x7x256xi32>
    %concatenate3A_2318 = tpu.concatenate %slice3A_2316, %slice3A_2317 in 1 : vector<128x1x256xi32>, vector<128x7x256xi32> -> vector<128x8x256xi32>
    %reshape3A_2319 = vector.shape_cast %concatenate3A_2318 : vector<128x8x256xi32> to vector<1024x256xi32>
    %iota3A_2320 = tpu.iota {dimensions = array<i32: 0>} : vector<1024x1xi32>
    %and3A_2321 = arith.constant 1 : i32
    %and3A_2322 = vector.broadcast %and3A_2321 : i32 to vector<1024x1xi32>
    %and3A_2323 = arith.andi %iota3A_2320, %and3A_2322 : vector<1024x1xi32>
    %eq3A_2324 = arith.constant 0 : i32
    %eq3A_2325 = vector.broadcast %eq3A_2324 : i32 to vector<1024x1xi32>
    %eq3A_2326 = arith.cmpi eq, %and3A_2323, %eq3A_2325 : vector<1024x1xi32>
    %broadcast_in_dim3A_2327 = vector.shape_cast %eq3A_2326 : vector<1024x1xi1> to vector<1024x1xi1>
    %broadcast_in_dim3A_2328 = vector.broadcast %broadcast_in_dim3A_2327 : vector<1024x1xi1> to vector<1024x256xi1>
    %select_n3A_2329 = arith.select %broadcast_in_dim3A_2328, %reshape3A_2315, %reshape3A_2319 : vector<1024x256xi1>, vector<1024x256xi32>
    %gt3A_2330 = arith.cmpi sgt, %select_n3A_2290, %select_n3A_2310 : vector<1024x256xi32>
    %iota3A_2331 = tpu.iota {dimensions = array<i32: 0>} : vector<1024x1xi32>
    %and3A_2332 = arith.constant 1 : i32
    %and3A_2333 = vector.broadcast %and3A_2332 : i32 to vector<1024x1xi32>
    %and3A_2334 = arith.andi %iota3A_2331, %and3A_2333 : vector<1024x1xi32>
    %eq3A_2335 = arith.constant 0 : i32
    %eq3A_2336 = vector.broadcast %eq3A_2335 : i32 to vector<1024x1xi32>
    %eq3A_2337 = arith.cmpi eq, %and3A_2334, %eq3A_2336 : vector<1024x1xi32>
    %and3A_2338 = arith.constant 1024 : i32
    %and3A_2339 = vector.broadcast %and3A_2338 : i32 to vector<1024x1xi32>
    %and3A_2340 = arith.andi %iota3A_2331, %and3A_2339 : vector<1024x1xi32>
    %eq3A_2341 = arith.constant 0 : i32
    %eq3A_2342 = vector.broadcast %eq3A_2341 : i32 to vector<1024x1xi32>
    %eq3A_2343 = arith.cmpi eq, %and3A_2340, %eq3A_2342 : vector<1024x1xi32>
    %eq3A_2344 = arith.xori %eq3A_2337, %eq3A_2343 : vector<1024x1xi1>
    %eq3A_2345 = arith.constant dense<true> : vector<1024x1xi1>
    %eq3A_2346 = arith.xori %eq3A_2344, %eq3A_2345 : vector<1024x1xi1>
    %eq3A_2347 = vector.broadcast %eq3A_2346 : vector<1024x1xi1> to vector<1024x256xi1>
    %eq3A_2348 = vector.broadcast %eq3A_2347 : vector<1024x256xi1> to vector<1024x256xi1>
    %eq3A_2349 = arith.xori %gt3A_2330, %eq3A_2348 : vector<1024x256xi1>
    %eq3A_2350 = arith.constant dense<true> : vector<1024x256xi1>
    %eq3A_2351 = arith.xori %eq3A_2349, %eq3A_2350 : vector<1024x256xi1>
    %select_n3A_2352 = arith.select %eq3A_2351, %select_n3A_2290, %select_n3A_2310 : vector<1024x256xi1>, vector<1024x256xi32>
    %select_n3A_2353 = arith.select %eq3A_2351, %select_n3A_2291, %select_n3A_2329 : vector<1024x256xi1>, vector<1024x256xi32>
    %shift_right_arithmetic3A_2354 = arith.constant 31 : i32
    %shift_right_arithmetic3A_2355 = vector.broadcast %shift_right_arithmetic3A_2354 : i32 to vector<1024x256xi32>
    %shift_right_arithmetic3A_2356 = arith.shrsi %select_n3A_2352, %shift_right_arithmetic3A_2355 : vector<1024x256xi32>
    %and3A_2357 = arith.constant 2147483647 : i32
    %and3A_2358 = vector.broadcast %and3A_2357 : i32 to vector<1024x256xi32>
    %and3A_2359 = arith.andi %shift_right_arithmetic3A_2356, %and3A_2358 : vector<1024x256xi32>
    %xor3A_2360 = arith.xori %select_n3A_2352, %and3A_2359 : vector<1024x256xi32>
    %bitcast_convert_type3A_2361 = tpu.bitcast %xor3A_2360 : vector<1024x256xi32> -> vector<1024x256xf32>
    %mul3A_2362 = arith.constant 256 : i32
    %mul3A_2363 = arith.muli %arg1, %mul3A_2362 : i32
    %swap3A = arith.constant 0 : index
    %swap3A_2364 = arith.index_cast %mul3A_2363 : i32 to index
    %swap3A_2365 = vector.load %arg8[%swap3A, %swap3A_2364] : memref<1024x1024xf32, #tpu.memory_space<vmem>>, vector<1024x256xf32>
    tpu.vector_store %arg8[%swap3A, %swap3A_2364], %bitcast_convert_type3A_2361 {strides = array<i32>} : memref<1024x1024xf32, #tpu.memory_space<vmem>>, vector<1024x256xf32>,
    %slice3A_2366 = vector.extract_strided_slice %bitcast_convert_type3A_2361 {offsets = [0, 0], sizes = [1, 256], strides = [1, 1]} : vector<1024x256xf32> to vector<1x256xf32>
    %sub3A = vector.broadcast %slice3A_2366 : vector<1x256xf32> to vector<1024x256xf32>
    %sub3A_2367 = arith.subf %bitcast_convert_type3A_2361, %sub3A : vector<1024x256xf32>
    %exp3A = math.exp %sub3A_2367 : vector<1024x256xf32>
    %iota3A_2368 = tpu.iota {dimensions = array<i32: 0>} : vector<1024x1xi32>
    %lt3A = arith.constant 778 : i32
    %lt3A_2369 = vector.broadcast %lt3A : i32 to vector<1024x1xi32>
    %lt3A_2370 = arith.cmpi slt, %iota3A_2368, %lt3A_2369 : vector<1024x1xi32>
    %jit3A = arith.constant 0.000000e+00 : f32
    %broadcast_in_dim3A_2371 = vector.shape_cast %lt3A_2370 : vector<1024x1xi1> to vector<1024x1xi1>
    %broadcast_in_dim3A_2372 = vector.broadcast %broadcast_in_dim3A_2371 : vector<1024x1xi1> to vector<1024x256xi1>
    %broadcast_in_dim3A_2373 = vector.broadcast %jit3A : f32 to vector<1024x256xf32>
    %select_n3A_2374 = arith.select %broadcast_in_dim3A_2372, %exp3A, %broadcast_in_dim3A_2373 : vector<1024x256xi1>, vector<1024x256xf32>
    %reduce_sum3A = arith.constant dense<0.000000e+00> : vector<256xf32>
    %reduce_sum3A_2375 = vector.multi_reduction <add>, %select_n3A_2374, %reduce_sum3A [0] : vector<1024x256xf32> to vector<256xf32>
    %broadcast_in_dim3A_2376 = vector.shape_cast %reduce_sum3A_2375 : vector<256xf32> to vector<1x256xf32>
    %div3A = arith.constant 1.000000e+00 : f32
    %div3A_2377 = vector.broadcast %div3A : f32 to vector<1x256xf32>
    %div3A_2378 = arith.divf %div3A_2377, %broadcast_in_dim3A_2376 : vector<1x256xf32>
    %mul3A_2379 = vector.broadcast %div3A_2378 : vector<1x256xf32> to vector<1024x256xf32>
    %mul3A_2380 = arith.mulf %exp3A, %mul3A_2379 : vector<1024x256xf32>
    %transpose3A = tpu.transpose %mul3A_2380, [1, 0] : vector<1024x256xf32> -> vector<256x1024xf32>
    %transpose3A_2381 = tpu.transpose %select_n3A_2353, [1, 0] : vector<1024x256xi32> -> vector<256x1024xi32>
    %slice3A_2382 = vector.extract_strided_slice %transpose3A {offsets = [0, 0], sizes = [256, 778], strides = [1, 1]} : vector<256x1024xf32> to vector<256x778xf32>
    %swap3A_2383 = arith.constant 0 : index
    %swap3A_2384 = arith.constant 0 : index
    %swap3A_2385 = arith.constant 0 : index
    %swap3A_2386 = vector.load %arg4[%swap3A_2383, %swap3A_2384, %swap3A_2385] : memref<1x256x778xf32, #tpu.memory_space<vmem>>, vector<1x256x778xf32>
    %swap3A_2387 = vector.shape_cast %swap3A_2386 : vector<1x256x778xf32> to vector<256x778xf32>
    %swap3A_2388 = vector.shape_cast %slice3A_2382 : vector<256x778xf32> to vector<1x256x778xf32>
    tpu.vector_store %arg4[%swap3A_2383, %swap3A_2384, %swap3A_2385], %swap3A_2388 {strides = array<i32>} : memref<1x256x778xf32, #tpu.memory_space<vmem>>, vector<1x256x778xf32>,
    %slice3A_2389 = vector.extract_strided_slice %transpose3A_2381 {offsets = [0, 0], sizes = [256, 778], strides = [1, 1]} : vector<256x1024xi32> to vector<256x778xi32>
    %swap3A_2390 = arith.constant 0 : index
    %swap3A_2391 = arith.constant 0 : index
    %swap3A_2392 = arith.constant 0 : index
    %swap3A_2393 = vector.load %arg5[%swap3A_2390, %swap3A_2391, %swap3A_2392] : memref<1x256x778xi32, #tpu.memory_space<vmem>>, vector<1x256x778xi32>
    %swap3A_2394 = vector.shape_cast %swap3A_2393 : vector<1x256x778xi32> to vector<256x778xi32>
    %swap3A_2395 = vector.shape_cast %slice3A_2389 : vector<256x778xi32> to vector<1x256x778xi32>
    tpu.vector_store %arg5[%swap3A_2390, %swap3A_2391, %swap3A_2392], %swap3A_2395 {strides = array<i32>} : memref<1x256x778xi32, #tpu.memory_space<vmem>>, vector<1x256x778xi32>,
    %slice3A_2396 = vector.extract_strided_slice %transpose3A_2381 {offsets = [0, 512], sizes = [256, 511], strides = [1, 1]} : vector<256x1024xi32> to vector<256x511xi32>
    %swap3A_2397 = arith.constant 0 : index
    %swap3A_2398 = arith.constant 0 : index
    %swap3A_2399 = arith.constant 0 : index
    %swap3A_2400 = vector.load %arg7[%swap3A_2397, %swap3A_2398, %swap3A_2399] : memref<1x256x511xi32, #tpu.memory_space<vmem>>, vector<1x256x511xi32>
    %swap3A_2401 = vector.shape_cast %swap3A_2400 : vector<1x256x511xi32> to vector<256x511xi32>
    %swap3A_2402 = vector.shape_cast %slice3A_2396 : vector<256x511xi32> to vector<1x256x511xi32>
    tpu.vector_store %arg7[%swap3A_2397, %swap3A_2398, %swap3A_2399], %swap3A_2402 {strides = array<i32>} : memref<1x256x511xi32, #tpu.memory_space<vmem>>, vector<1x256x511xi32>,
    %eq3A_2403 = arith.constant 3 : i32
    %eq3A_2404 = arith.cmpi eq, %arg1, %eq3A_2403 : i32
    %convert_element_type3A = arith.extui %eq3A_2404 : i1 to i32
    %cond3A = arith.constant 0 : i32
    %cond3A_2405 = arith.cmpi ne, %convert_element_type3A, %cond3A : i32
    scf.if %cond3A_2405 {
      %get3A_2406 = arith.constant 0 : index
      %get3A_2407 = arith.constant 0 : index
      %get3A_2408 = vector.load %arg8[%get3A_2406, %get3A_2407] : memref<1024x1024xf32, #tpu.memory_space<vmem>>, vector<1024x1024xf32>
      %reduce_max3A = arith.constant dense<0xFF800000> : vector<1024xf32>
      %reduce_max3A_2409 = vector.multi_reduction <maximumf>, %get3A_2408, %reduce_max3A [1] : vector<1024x1024xf32> to vector<1024xf32>
      %broadcast_in_dim3A_2410 = vector.shape_cast %reduce_max3A_2409 : vector<1024xf32> to vector<1024x1xf32>
      %sub3A_2411 = vector.broadcast %broadcast_in_dim3A_2410 : vector<1024x1xf32> to vector<1024x1024xf32>
      %sub3A_2412 = arith.subf %get3A_2408, %sub3A_2411 : vector<1024x1024xf32>
      %exp3A_2413 = math.exp %sub3A_2412 : vector<1024x1024xf32>
      %reduce_sum3A_2414 = arith.constant dense<0.000000e+00> : vector<1024xf32>
      %reduce_sum3A_2415 = vector.multi_reduction <add>, %exp3A_2413, %reduce_sum3A_2414 [1] : vector<1024x1024xf32> to vector<1024xf32>
      %broadcast_in_dim3A_2416 = vector.shape_cast %reduce_sum3A_2415 : vector<1024xf32> to vector<1024x1xf32>
      %div3A_2417 = arith.constant 1.000000e+00 : f32
      %div3A_2418 = vector.broadcast %div3A_2417 : f32 to vector<1024x1xf32>
      %div3A_2419 = arith.divf %div3A_2418, %broadcast_in_dim3A_2416 : vector<1024x1xf32>
      %mul3A_2420 = vector.broadcast %div3A_2419 : vector<1024x1xf32> to vector<1024x1024xf32>
      %mul3A_2421 = arith.mulf %exp3A_2413, %mul3A_2420 : vector<1024x1024xf32>
      %transpose3A_2422 = tpu.transpose %mul3A_2421, [1, 0] : vector<1024x1024xf32> -> vector<1024x1024xf32>
      %swap3A_2423 = arith.constant 0 : index
      %swap3A_2424 = arith.constant 0 : index
      %swap3A_2425 = arith.constant 0 : index
      %swap3A_2426 = vector.load %arg6[%swap3A_2423, %swap3A_2424, %swap3A_2425] : memref<1x1024x1024xf32, #tpu.memory_space<vmem>>, vector<1x1024x1024xf32>
      %swap3A_2427 = vector.shape_cast %swap3A_2426 : vector<1x1024x1024xf32> to vector<1024x1024xf32>
      %swap3A_2428 = vector.shape_cast %transpose3A_2422 : vector<1024x1024xf32> to vector<1x1024x1024xf32>
      tpu.vector_store %arg6[%swap3A_2423, %swap3A_2424, %swap3A_2425], %swap3A_2428 {strides = array<i32>} : memref<1x1024x1024xf32, #tpu.memory_space<vmem>>, vector<1x1024x1024xf32>,
    } else {
    }
    return
  }
  func.func @transform_0(%arg0: i32, %arg1: i32) -> (i32, i32, i32) {
    %c0_i32 = arith.constant 0 : i32
    %c0_i32_0 = arith.constant 0 : i32
    %c0_i32_1 = arith.constant 0 : i32
    return %arg0, %c0_i32, %c0_i32_0 : i32, i32, i32
  }
  func.func @transform_1(%arg0: i32, %arg1: i32) -> (i32, i32, i32) {
    %c0_i32 = arith.constant 0 : i32
    %c0_i32_0 = arith.constant 0 : i32
    return %arg0, %arg1, %c0_i32 : i32, i32, i32
  }
  func.func @transform_2(%arg0: i32, %arg1: i32) -> (i32, i32, i32) {
    %c0_i32 = arith.constant 0 : i32
    %c0_i32_0 = arith.constant 0 : i32
    return %arg0, %arg1, %c0_i32 : i32, i32, i32
  }
  func.func @transform_3(%arg0: i32, %arg1: i32) -> (i32, i32, i32) {
    %c0_i32 = arith.constant 0 : i32
    %c0_i32_0 = arith.constant 0 : i32
    return %arg0, %arg1, %c0_i32 : i32, i32, i32
  }
  func.func @transform_4(%arg0: i32, %arg1: i32) -> (i32, i32, i32) {
    %c0_i32 = arith.constant 0 : i32
    %c0_i32_0 = arith.constant 0 : i32
    %c0_i32_1 = arith.constant 0 : i32
    return %arg0, %c0_i32, %c0_i32_0 : i32, i32, i32
  }
  func.func @transform_5(%arg0: i32, %arg1: i32) -> (i32, i32, i32) {
    %c0_i32 = arith.constant 0 : i32
    %c0_i32_0 = arith.constant 0 : i32
    return %arg0, %arg1, %c0_i32 : i32, i32, i32
  }
}

</mosaic_0001>

<sc_bundles>
// kernel: sparse-core-data-format-call.1.cloned.1.call-start
scs
called_computation.1_lowered:
.L_overlay_start_0:
0x0: {  	s2 =	sld [smem:$0x3FD9]  }
0x1: {  	s3 =	sld [smem:$0x3FFE];
	_ =	sdelay $0x1  }
0x2: {  	s1 =	srdreg.scid  }
0x3: {  	s0 =	sand.u32 $0x1, s1  }
0x4: {  	s16 =	sshll.u32 s0, $0xA;
	s2 =	sadd.s32 s3, s2  }
0x5: {  	s2 =	sadd.s32 s2, s16  }
0x6: {  	[smem:$0x3FC6] =	sst s2  }
0x7: {  	_ = 	snop  }
0x8: {  	s2 =	sld [smem:$0x3FD0];
	_ =	sdelay $0x2  }
0x9: {  	s17 =	simm.s32 $0xC;
	s4 =	simm.s32 $0x10  }
0xa: {  	[smem:s4], [sflag:s17] =	dma.local [hbm:s2], $0x1  }
0xb: {  	_ =	swait.eq [sflag:s17], $0x1  }
0xc: {  	[sflag:s17] =	ssyncset.done $0x0  }
0xd: {  	[sflag:s17] =	ssyncadd.s32 $0xFFFFFFFF  }
0xe: {  	s18 =	sld [smem:$0x11];
	(tm) =	ssettm $0x1  }
0xf: {  	s19 =	sld [smem:$0x3FFB];
	_ =	sdelay $0x3  }
0x10: {  	_ =	strace s19  }
0x11: {  	s2 =	sld [smem:$0x3FFC];
	_ =	sdelay $0x3  }
0x12: {  	_ =	strace s2  }
0x13: {  	s2 =	sld [smem:$0x3FFD];
	_ =	sdelay $0x3  }
0x14: {  	_ =	strace s2  }
0x15: {  	_ =	strace $0x8FFFFFFF  }
0x16: {  	s20 =	sld [smem:$0x3FDB];
	_ =	sdelay $0x1  }
0x17: {  	s21 =	simm.s32 $_scs_section_size  }
0x18: {  	s5 =	simm.s32 $_size__tile_overlayer_lowered;
	s6 =	simm.s32 $_tile_overlayer_lowered  }
0x19: {  	s7 =	simm.s32 $0x1BFF;
	s22 =	sshll.u32 s6, $0x1;
	s4 =	sadd.s32 s21, s20  }
0x1a: {  	s23 =	simm.s32 $0x0;
	s5 =	sshll.u32 s5, $0x1;
	s6 =	sadd.s32 s22, s4  }
0x1b: {  	[timem:s23], [sflag:s7] =	dma.local [hbm:s6], s5  }
0x1c: {  	_ =	swait.ge [sflag:s7], s5  }
0x1d: {  	s5 =	ssub.s32 $0x0, s5;
	[sflag:s7] =	ssyncset.done $0x0  }
0x1e: {  	[sflag:s7] =	ssyncadd.s32 s5;
	_ =	sdelay $0x1  }
0x1f: {  	s24 =	simm.s32 $0x1B8B  }
0x20: {  	_ =	swait.ge [sflag:s24], $0x1  }
0x21: {  	[sflag:s24] =	ssyncset.done $0x0  }
0x22: {  	[sflag:s24] =	ssyncadd.s32 $0xFFFFFFFF  }
0x23: {  	s5 =	sld [smem:$0x0]  }
0x24: {  	s6 =	sand.u32 $0xFFFFFFFE, s1  }
0x25: {  	p0 =	sne.s32 s1, s6  }
0x26: {  	s6 =	sshll.u32 @p0 s6, $0xE  }
0x27: {  	s6 =	sadd.s32 @p0 $0x11B8D, s6;
	s7 =	sshll.u32 @p0 s5, $0x11  }
0x28: {  	s6 =	sor.u32 @p0 s7, s6  }
0x29: {  	[sflag:s6] =	ssyncadd.remote.s32 @p0 $0x1;
	_ =	sdelay $0x1  }
0x2a: {  	s6 =	simm.s32 @p0 $0x1B8D  }
0x2b: {  	_ =	swait.eq @p0 [sflag:s6], $0x1  }
0x2c: {  	[sflag:s6] =	ssyncadd.s32 @p0 $0xFFFFFFFF  }
0x2d: {  	s7 =	sshll.u32 @!p0 s1, $0xE  }
0x2e: {  	s7 =	sor.u32 @!p0 $0x4000, s7;
	s6 =	simm.s32 @!p0 $0x1B8D  }
0x2f: {  	s5 =	sshll.u32 @!p0 s5, $0x11;
	s7 =	sadd.s32 @!p0 $0x11B8D, s7;
	_ =	swait.eq @!p0 [sflag:s6], $0x1  }
0x30: {  	s5 =	sor.u32 @!p0 s5, s7;
	[sflag:s6] =	ssyncadd.s32 @!p0 $0xFFFFFFFF  }
0x31: {  	s26 =	simm.s32 $0x1B8E;
	s25 =	sld [smem:$0x3FFE];
	[sflag:s5] =	ssyncadd.remote.s32 @!p0 $0x1  }
0x32: {  	s27 =	simm.s32 $execute0_lowered;
	[smem:$0x3FD2] =	sst s26  }
0x33: {  	s6 =	sshll.u32 s27, $0x1;
	_ =	strace $0x80000049;
	[dreg:$0x1] =	wrdreg $0xFFFFFFFF  }
0x34: {  	s28 =	simm.s32 $_size_execute0_lowered;
	s4 =	sadd.s32 s4, s6;
	[dreg:$0x0] =	wrdreg $0x0  }
0x35: {  	s6 =	sshll.u32 s28, $0x1;
	[dreg:$0x2] =	wrdreg s4  }
0x36: {  	[dreg:$0x3] =	wrdreg s6  }
0x37: {  	[dreg:$0x4] =	wrdreg $0xC0  }
0x38: {  	_ =	task [dreg:s23], $0x5FFFF  }
0x39: {  	[dreg:$0x1] =	wrdreg $0xFFFFFFFF  }
0x3a: {  	[dreg:$0x0] =	wrdreg $0x60  }
0x3b: {  	[dreg:$0x2] =	wrdreg s25  }
0x3c: {  	[dreg:$0x3] =	wrdreg s18  }
0x3d: {  	[dreg:$0x4] =	wrdreg $0xA  }
0x3e: {  	_ =	task.clear_ibuf [dreg:s23], $0x5FFFF;
	_ =	strace $0x90000049  }
0x3f: {  	s29 =	simm.s32 $0xA;
	_ =	strace $0x8000004B  }
0x40: {  	_ =	swait.ge [sflag:s29], $0x1  }
0x41: {  	[sflag:s29] =	ssyncadd.s32 $0xFFFFFFFF  }
0x42: {  	_ =	strace $0x9000004B  }
0x43: {  	_ =	sfence  }
0x44: {  	s30 =	sld [smem:$0x0];
	_ =	sdelay $0x2  }
0x45: {  	s31 =	sshll.u32 s1, $0xD;
	s1 =	sshrl.u32 s1, $0x2  }
0x46: {  	s4 =	sand.u32 $0x4000, s31;
	s1 =	sadd.s32 s1, s30  }
0x47: {  	s0 =	sor.u32 s4, s0;
	s1 =	sshll.u32 s1, $0x11  }
0x48: {  	s0 =	sor.u32 s1, s0  }
0x49: {  	s0 =	sadd.s32 $0x8F2B, s0  }
0x4a: {  	[sflag:s0] =	ssyncadd.remote.s32 $0x1  }
0x4b: {  	_ =	sfence.sel $0xFFFF  }
0x4c: {  	[dreg:$0x0] =	wrdreg $0xFFFFFFFF;
	(pc) =	sbr.abs _section_cstart, $3  }
0x4d: {  	[dreg:$0x1] =	wrdreg $0xFFFFFFFF  }
0x4e: {  	_ =	task.clear_ibuf [dreg:s23], $0x2FFFF;
	_ =	strace $0x9FFFFFFF  }
0x4f: {  	(tm) =	ssettm $0x7FFFFFFF  }
tec
execute0_lowered:
.L_overlay_start_1:
0x0: {  	(tag) =	ssettag $0x1  }
0x1: {  	s3 =	rddreg [dreg:$0x0]  }
0x2: {  	s2 =	rddreg [dreg:$0x1]  }
0x3: {  	s1 =	srdreg.scid;
	s0 =	rddreg [dreg:$0x2];
	_ =	strace $0x8000004A  }
0x4: {  	s7 =	simm.s32 $0x2;
	s19 =	simm.s32 $0x0;
	p0 =	por $0x0, $0x0  }
0x5: {  	s17 =	simm.s32 $0x0;
	s18 =	simm.s32 $0x0;
	s20 =	simm.s32 $0x0  }
0x6: {  	s8 =	simm.s32 $0x0;
	s9 =	simm.s32 $0x0;
	s11 =	simm.s32 $0x0  }
0x7: {  	s12 =	simm.s32 $0x0;
	s13 =	simm.s32 $0x0;
	s14 =	simm.s32 $0x0  }
.Ltmp0:
0x8: {  	s10 =	simm.s32 $0x0;
	s4 =	sshll.u32 s1, $0x4;
	(pc) =	sbr.rel .LBB1_1-.Ltmp0, $4  }
0x9: {  	s1 =	stileid.u32;
	s3 =	sadd.s32 $0x201000, s3;
	s4 =	sand.u32 $0x10, s4  }
0xa: {  	s5 =	sand.u32 $0x3, s1;
	s6 =	sor.u32 s1, s4;
	s4 =	simm.s32 $0x1  }
0xb: {  	s16 =	smov.u32 s5;
	[sflag:s4] =	ssyncpa.u1 $0x0;
	s6 =	sshrl.u32 s6, $0x2  }
0xc: {  	[sflag:s7] =	ssyncpa.u1 $0x0;
	s7 =	simm.s32 $0x2000;
	s15 =	smov.u32 s6  }
.LBB1_5:
0xd: {  	p1 =	slt.u32 s10, $0x2;
	s21 =	smov.u32 s20  }
0xe: {  	s24 =	smov.u32 s16;
	s10 =	sadd.s32 $0x1, s10;
	p2 =	sgt.s32 @!p1 s20, $0x3  }
0xf: {  	p0 =	por !p0, !p0;
	s22 =	sshra.s32 @!p1 s20, $0x1F;
	p2 =	por !p2, p1  }
0x10: {  	s23 =	sshra.s32 @!p1 s19, $0x1F;
	s20 =	sand.u32 @!p1 s22, s20;
	s21 =	simm.s32 @p2 $0x3  }
0x11: {  	s22 =	smov.u32 s19;
	p2 =	sgt.s32 @!p1 s19, $0x28A;
	s20 =	ssub.s32 @!p1 s21, s20  }
0x12: {  	s19 =	sand.u32 @!p1 s23, s19;
	p2 =	por !p2, p1;
	s21 =	sadd.s32 @!p1 $0xFFFFFFFD, s20  }
0x13: {  	s22 =	simm.s32 @p2 $0x28A;
	s20 =	ssub.s32 @!p1 $0x4, s20;
	p3 =	sgt.s32 @!p1 s21, $0x0  }
0x14: {  	s19 =	ssub.s32 @!p1 s22, s19;
	s22 =	sshra.s32 @!p1 s18, $0x1F;
	p2 =	por !p3, p1  }
0x15: {  	s21 =	sadd.s32 @!p1 $0xFFFFFD76, s19;
	p3 =	sgt.s32 @!p1 s18, $0x7;
	s19 =	ssub.s32 @!p1 $0x30A, s19  }
0x16: {  	s20 =	simm.s32 @!p2 $0x0;
	p2 =	sgt.s32 @!p1 s21, $0x7F;
	p3 =	por !p3, p1  }
0x17: {  	s21 =	smov.u32 s18;
	s18 =	sand.u32 @!p1 s22, s18;
	s22 =	sshra.s32 @!p1 s17, $0x1F  }
0x18: {  	s21 =	simm.s32 @p3 $0x7;
	p3 =	sgt.s32 @!p1 s17, $0x380;
	p2 =	por !p2, p1  }
0x19: {  	s18 =	ssub.s32 @!p1 s21, s18;
	p3 =	por !p3, p1;
	s21 =	smov.u32 s17  }
0x1a: {  	s17 =	sand.u32 @!p1 s22, s17;
	s22 =	sadd.s32 @!p1 $0xFFFFFFF9, s18;
	s21 =	simm.s32 @p3 $0x380  }
0x1b: {  	s18 =	ssub.s32 @!p1 $0x8, s18;
	p3 =	sgt.s32 @!p1 s22, $0x0;
	s17 =	ssub.s32 @!p1 s21, s17  }
0x1c: {  	s22 =	smov.u32 s14;
	p3 =	por !p3, p1;
	s21 =	sadd.s32 @!p1 $0xFFFFFC80, s17  }
0x1d: {  	s17 =	ssub.s32 @!p1 $0x400, s17;
	s18 =	simm.s32 @!p3 $0x0;
	p3 =	sgt.s32 @!p1 s21, $0x7F  }
0x1e: {  	s21 =	sadd.s32 $0x80, s13;
	p3 =	por !p3, p1;
	s18 =	smul.u32 @!p1 s20, s18  }
0x1f: {  	s20 =	sadd.s32 $0x80, s14;
	s17 =	simm.s32 @!p3 $0x0;
	p3 =	sgt.s32 s21, $0x309  }
0x20: {  	s23 =	smov.u32 s15;
	s19 =	simm.s32 @!p2 $0x0;
	s22 =	smov.u32 @p3 s20  }
0x21: {  	s17 =	smul.u32 @!p1 s17, s18;
	s18 =	sadd.s32 $0x8, s15;
	p2 =	sgt.s32 s22, $0x3FF  }
0x22: {  	s25 =	simm.s32 @!p1 $0x2;
	s21 =	simm.s32 @p3 $0x0;
	s23 =	smov.u32 @p2 s18  }
0x23: {  	s20 =	smov.u32 s12;
	s18 =	sadd.s32 $0x4, s16;
	p3 =	sgt.s32 s23, $0x7  }
0x24: {  	s12 =	smov.u32 s16;
	s17 =	smul.u32 @!p1 s19, s17;
	s24 =	smov.u32 @p3 s18  }
0x25: {  	s22 =	simm.s32 @p2 $0x0;
	s19 =	smov.u32 s8;
	p2 =	sgt.s32 s24, $0x3  }
0x26: {  	s8 =	smov.u32 s13;
	s24 =	smov.u32 @p2 s5;
	p2 =	sne.s32 s10, $0x3A  }
.Ltmp1:
0x27: {  	s13 =	smov.u32 s21;
	s17 =	sand.u32 @!p1 $0x3FFFFFFF, s17;
	(pc) =	sbr.rel @!p2 .LBB1_6-.Ltmp1, $4  }
0x28: {  	s23 =	smov.u32 @p3 s6;
	s18 =	smov.u32 s11;
	s11 =	smov.u32 s15  }
0x29: {  	_ =	swait.ge @!p1 [sflag:s25], s17;
	s26 =	ssub.s32 @!p1 $0x0, s17;
	s17 =	smov.u32 s9  }
0x2a: {  	s9 =	smov.u32 s14;
	s14 =	smov.u32 s22;
	[sflag:s25] =	ssyncset.done @!p1 $0x0  }
0x2b: {  	s15 =	smov.u32 s23;
	[sflag:s25] =	ssyncadd.s32 @!p1 s26;
	s16 =	smov.u32 s24  }
.LBB1_1:
0x2c: {  	p1 =	sgt.u32 s10, $0x37  }
0x2d: {  	s21 =	sshrl.u32 @!p1 s14, $0x3  }
0x2e: {  	s22 =	sshll.u32 @!p1 s13, $0x3;
	s21 =	smul.u32 @!p1 $0x1C00, s21  }
0x2f: {  	s23 =	sshll.u32 @!p1 s14, $0x7;
	s22 =	sand.u32 @!p1 $0xFFFFFC00, s22  }
0x30: {  	s21 =	sadd.s32 @!p1 s21, s22;
	s22 =	sand.u32 @!p1 $0x380, s23  }
0x31: {  	s21 =	sor.u32 @!p1 s22, s21  }
0x32: {  	s22 =	sshrl.u32 @!p1 s21, $0x7  }
0x33: {  	s22 =	smulhi.u32 @!p1 $0x24924925, s22  }
0x34: {  	s26 =	smul.u32 @!p1 $0xE0000, s16;
	s23 =	sxor.u32 @!p1 $0xFFFFFFFF, s10  }
0x35: {  	s25 =	sand.u32 @!p1 $0x7F, s13;
	s23 =	sshll.u32 @!p1 s23, $0xE;
	s24 =	smul.u32 @!p1 $0x380, s22  }
0x36: {  	s21 =	sor.u32 @!p1 s25, s21;
	s25 =	smul.u32 @!p1 $0x1C000, s15;
	s22 =	sand.u32 @!p1 $0x3FF, s22  }
0x37: {  	s22 =	smul.u32 @!p1 $0x70, s22;
	s21 =	ssub.s32 @!p1 s21, s24;
	s24 =	sadd.s32 @!p1 s3, s26  }
0x38: {  	s23 =	sand.u32 @!p1 $0x4000, s23;
	s24 =	sadd.s32 @!p1 s25, s24;
	s25 =	sand.u32 @!p1 $0x7, s21  }
0x39: {  	s21 =	sshrl.u32 @!p1 s21, $0x3;
	s22 =	sadd.s32 @!p1 s22, s24;
	s24 =	sshll.u32 @!p1 s25, $0x12  }
0x3a: {  	s21 =	sadd.s32 @!p1 s21, s22;
	s22 =	sor.u32 @!p1 $0x400, s24;
	s24 =	simm.s32 @!p1 $0x1C00  }
0x3b: {  	[tilespmem:s23], [sflag:$0x1] =	stream.strided.gather @!p1 [hbm4b:s21+s22], $0x4000, s24, s22, $0x38;
	[tilespmem:$0x10100] =	vst v63  }
0x3c: {  	p1 =	seq.s32 s10, $0x0  }
0x3d: {  	p2 =	seq.s32 @!p1 s10, $0x39  }
0x3e: {  	p1 =	por p1, p2  }
.Ltmp2:
0x3f: {  	_ = 	snop;
	(pc) =	sbr.rel @p1 .LBB1_5-.Ltmp2, $1  }
0x40: {  	_ =	sdelay $0x3  }
0x41: {  	s21 =	simm.s32 $0x1  }
0x42: {  	_ =	swait.ge [sflag:s4], $0x4000;
	s21 =	simm.s32 @!p0 $0x0  }
0x43: {  	[sflag:s4] =	ssyncset.done $0x0;
	s22 =	sshll.u32 s21, $0xE  }
0x44: {  	[sflag:s4] =	ssyncadd.s32 $0xFFFFC000;
	s22 =	sor.u32 $0x40, s22  }
0x45: {  	s21 =	smul.u32 $0x10200, s21;
	v0 =	vld [tilespmem:s22+$0x30]  }
0x46: {  	v1 =	vld [tilespmem:s22+$0xFFFFFFD0]  }
0x47: {  	s21 =	sshrl.u32 s21, $0x2;
	v5 =	vld [tilespmem:s22+$0xFFFFFFE0]  }
0x48: {  	v6 =	vld [tilespmem:s22+$0xFFFFFFF0];
	s24 =	sor.u32 $0x8000, s21  }
0x49: {  	s31 =	sand.u32 $0x1, s10;
	v4 =	vld [tilespmem:s22+$0x0];
	s23 =	sadd.s32 $0x0, s24  }
0x4a: {  	v3 =	vld [tilespmem:s22+$0x10];
	s21 =	smul.u32 $0x10200, s31;
	[tilespmem:s23+$0x3870 ss:$0x81] =	vst.msk $0xffff, v0  }
0x4b: {  	v2 =	vld [tilespmem:s22+$0x20];
	[tilespmem:s23+$0x810 ss:$0x81] =	vst.msk $0xffff, v1  }
0x4c: {  	s21 =	sshrl.u32 s21, $0x2;
	v0 =	vld [tilespmem:s22+$0xFFFFFFC0];
	[tilespmem:s23+$0x1020 ss:$0x81] =	vst.msk $0xffff, v5;
	s22 =	sadd.s32 $0x80, s22  }
0x4d: {  	s25 =	simm.s32 $0x4;
	s26 =	simm.s32 $0x8;
	s21 =	sor.u32 $0x8000, s21;
	[tilespmem:s23+$0x1830 ss:$0x81] =	vst.msk $0xffff, v6;
	v1 =	vld [tilespmem:s22+$0x30]  }
.LBB1_3:
0x4e: {  	p1 =	sne.s32 s26, $0x1FC;
	v5 =	vld [tilespmem:s22+$0xFFFFFFD0];
	[tilespmem:s23+$0x2040 ss:$0x81] =	vst.msk $0xffff, v4  }
0x4f: {  	v6 =	vld [tilespmem:s22+$0xFFFFFFE0];
	[tilespmem:s23+$0x2850 ss:$0x81] =	vst.msk $0xffff, v3  }
0x50: {  	s27 =	sshra.s32 s25, $0x2;
	s25 =	smov.u32 s26;
	v7 =	vld [tilespmem:s22+$0xFFFFFFF0];
	[tilespmem:s23+$0x3060 ss:$0x81] =	vst.msk $0xffff, v2  }
.Ltmp3:
0x51: {  	v4 =	vld [tilespmem:s22+$0x0];
	[tilespmem:s23+$0x0 ss:$0x81] =	vst.msk $0xffff, v0;
	s23 =	sadd.s32 s27, s24;
	(pc) =	sbr.rel @p1 .LBB1_3-.Ltmp3, $4  }
0x52: {  	v3 =	vld [tilespmem:s22+$0x10];
	[tilespmem:s23+$0x3870 ss:$0x81] =	vst.msk $0xffff, v1  }
0x53: {  	[tilespmem:s23+$0x810 ss:$0x81] =	vst.msk $0xffff, v5;
	v2 =	vld [tilespmem:s22+$0x20]  }
0x54: {  	v0 =	vld [tilespmem:s22+$0xFFFFFFC0];
	[tilespmem:s23+$0x1020 ss:$0x81] =	vst.msk $0xffff, v6;
	s22 =	sadd.s32 $0x80, s22  }
0x55: {  	s26 =	sadd.s32 $0x4, s26;
	v1 =	vld [tilespmem:s22+$0x30];
	[tilespmem:s23+$0x1830 ss:$0x81] =	vst.msk $0xffff, v7  }
0x56: {  	p1 =	sgt.s32 s12, $0x3;
	s26 =	smov.u32 s12  }
0x57: {  	s27 =	sshra.s32 s12, $0x1F;
	s25 =	sshra.s32 s25, $0x2;
	s28 =	sshra.s32 s11, $0x1F  }
0x58: {  	s30 =	sshra.s32 s9, $0x1F;
	s26 =	simm.s32 @!p1 $0x3;
	s27 =	sand.u32 s27, s12  }
0x59: {  	[tilespmem:s23+$0x2040 ss:$0x81] =	vst.msk $0xffff, v4;
	s24 =	sadd.s32 s25, s24;
	p1 =	sgt.s32 s11, $0x7;
	s29 =	sand.u32 s28, s11  }
0x5a: {  	s28 =	sand.u32 s30, s9;
	[tilespmem:s23+$0x2850 ss:$0x81] =	vst.msk $0xffff, v3;
	s31 =	ssub.s32 s26, s27;
	s27 =	smov.u32 s11  }
0x5b: {  	s30 =	sshra.s32 s8, $0x1F;
	[tilespmem:s23+$0x3060 ss:$0x81] =	vst.msk $0xffff, v2;
	s26 =	sadd.s32 $0xFFFFFFFD, s31;
	s27 =	simm.s32 @!p1 $0x7  }
0x5c: {  	p1 =	sgt.s32 s9, $0x380;
	s25 =	ssub.s32 $0x4, s31;
	[tilespmem:s23+$0x0 ss:$0x81] =	vst.msk $0xffff, v0;
	s23 =	sand.u32 $0x78, s9  }
0x5d: {  	p2 =	sgt.s32 s26, $0x0;
	s26 =	ssub.s32 s27, s29;
	s27 =	smov.u32 s9  }
0x5e: {  	s27 =	simm.s32 @!p1 $0x380;
	s25 =	simm.s32 @p2 $0x0;
	s31 =	sadd.s32 $0xFFFFFFF9, s26  }
0x5f: {  	v5 =	vld [tilespmem:s22+$0xFFFFFFD0];
	s26 =	ssub.s32 $0x8, s26;
	p2 =	sgt.s32 s8, $0x28A;
	s27 =	ssub.s32 s27, s28  }
0x60: {  	v58 =	vld [tilespmem:s22+$0xFFFFFFE0];
	p1 =	sgt.s32 s31, $0x0;
	s28 =	smov.u32 s8;
	s31 =	sshll.u32 s11, $0x7  }
0x61: {  	v59 =	vld [tilespmem:s22+$0xFFFFFFF0];
	s29 =	sadd.s32 $0xFFFFFC80, s27;
	s26 =	simm.s32 @p1 $0x0;
	s28 =	simm.s32 @!p2 $0x28A  }
0x62: {  	v60 =	vld [tilespmem:s22+$0x0];
	s27 =	ssub.s32 $0x400, s27;
	s25 =	smul.u32 s25, s26;
	s26 =	sand.u32 s30, s8  }
0x63: {  	v61 =	vld [tilespmem:s22+$0x10];
	[tilespmem:s24+$0x3870 ss:$0x81] =	vst.msk $0xffff, v1;
	p1 =	sgt.s32 s29, $0x7F;
	s30 =	smul.u32 $0xC2800, s12;
	s26 =	ssub.s32 s28, s26  }
0x64: {  	v62 =	vld [tilespmem:s22+$0x20];
	[tilespmem:s24+$0x810 ss:$0x81] =	vst.msk $0xffff, v5;
	s27 =	simm.s32 @p1 $0x0;
	s28 =	sand.u32 $0x380, s31;
	s31 =	sand.u32 $0x380, s9  }
0x65: {  	v63 =	vld [tilespmem:s22+$0xFFFFFFC0];
	[tilespmem:s24+$0x1020 ss:$0x81] =	vst.msk $0xffff, v58;
	s25 =	smul.u32 s27, s25;
	s29 =	sadd.s32 $0xFFFFFD76, s26;
	s22 =	ssub.s32 $0x30A, s26  }
0x66: {  	[tilespmem:s24+$0x1830 ss:$0x81] =	vst.msk $0xffff, v59;
	s23 =	sor.u32 s23, s28;
	s26 =	sadd.s32 s2, s30;
	p1 =	sgt.s32 s29, $0x7F  }
.Ltmp4:
0x67: {  	[tilespmem:s24+$0x2040 ss:$0x81] =	vst.msk $0xffff, v60;
	s28 =	sshll.u32 s8, $0xA;
	s22 =	simm.s32 @p1 $0x0;
	(pc) =	sbr.rel .LBB1_5-.Ltmp4, $4  }
0x68: {  	[tilespmem:s24+$0x2850 ss:$0x81] =	vst.msk $0xffff, v61;
	s29 =	sand.u32 $0x7, s9;
	s22 =	smul.u32 s22, s25;
	s25 =	sadd.s32 s31, s26  }
0x69: {  	[tilespmem:s24+$0x3060 ss:$0x81] =	vst.msk $0xffff, v62;
	s23 =	sshrl.u32 s23, $0x3;
	s30 =	sshll.u32 s29, $0x12;
	s25 =	sadd.s32 s28, s25  }
0x6a: {  	[tilespmem:s24+$0x0 ss:$0x81] =	vst.msk $0xffff, v63;
	s31 =	sor.u32 $0x80, s30;
	s22 =	sand.u32 $0x3FFFFFFF, s22;
	s23 =	sadd.s32 s23, s25  }
0x6b: {  	[hbm4b:s23+s31] =	stream.strided.scatter [tilespmem:s21], [sflag:$0x2], s22, s7, s31, $0x20;
	[tilespmem:$0x10100] =	vst v63  }
.LBB1_6:
0x6c: {  	_ =	sfence.sel $0x180000  }
0x6d: {  	s2 =	simm.s32 $0x1;
	[bflag:$0x0] =	sbarrier.arrive $0xFFFF  }
0x6e: {  	s31 =	simm.s32 $0x2;
	[sflag:s2] =	ssyncpa.u1 $0x1  }
0x6f: {  	[sflag:s31] =	ssyncpa.u1 $0x1  }
0x70: {  	p0 =	sne.s32 s1, $0x0;
	_ =	strace $0x9000004A  }
0x71: {  	s0 =	sadd.s32 @!p0 $0x100000, s0;
	[bflag:$0x2] =	sbarrier.arrive $0xFFFF  }
0x72: {  	[sflag:s0] =	ssyncadd.tile.s32 @!p0 $0x1;
	_ =	shalt  }
.Lfunc_end1:
_tile_overlayer_lowered:
.L_overlay_start_2:
0x73: {  	(tag) =	ssettag $0x2  }
0x74: {  	s0 =	rddreg [dreg:$0x0];
	s2 =	stileid.u32  }
0x75: {  	s1 =	rddreg [dreg:$0x1];
	p0 =	sne.s32 s2, $0x0  }
0x76: {  	s3 =	rddreg [dreg:$0x2];
	[bflag:$0x3] =	sbarrier.arrive $0xFFFF;
	s2 =	simm.s32 @!p0 $0x1C01  }
0x77: {  	[timem:s3], [sflag:s2] =	dma.local @!p0 [hbm:s0], s1  }
0x78: {  	s0 =	simm.s32 @!p0 $0x1  }
0x79: {  	_ =	swait.ge @!p0 [sflag:s0], s1  }
0x7a: {  	s1 =	ssub.s32 @!p0 $0x0, s1;
	[sflag:s0] =	ssyncset.done @!p0 $0x0  }
0x7b: {  	[sflag:s0] =	ssyncadd.s32 @!p0 s1  }
0x7c: {  	[bflag:$0x3] =	sbarrier.arrive $0xFFFF  }
0x7d: {  	_ =	shalt  }

// kernel: sparse-core-data-format-call.2.cloned.1.call-start
scs
called_computation.2_lowered:
.L_overlay_start_0:
0x0: {  	s2 =	sld [smem:$0x3FD9]  }
0x1: {  	s3 =	sld [smem:$0x3FFE];
	_ =	sdelay $0x1  }
0x2: {  	s1 =	srdreg.scid  }
0x3: {  	s0 =	sand.u32 $0x1, s1  }
0x4: {  	s16 =	sshll.u32 s0, $0xA;
	s2 =	sadd.s32 s3, s2  }
0x5: {  	s2 =	sadd.s32 s2, s16  }
0x6: {  	[smem:$0x3FC6] =	sst s2  }
0x7: {  	_ = 	snop  }
0x8: {  	s2 =	sld [smem:$0x3FD0];
	_ =	sdelay $0x2  }
0x9: {  	s17 =	simm.s32 $0xC;
	s4 =	simm.s32 $0x10  }
0xa: {  	[smem:s4], [sflag:s17] =	dma.local [hbm:s2], $0x1  }
0xb: {  	_ =	swait.eq [sflag:s17], $0x1  }
0xc: {  	[sflag:s17] =	ssyncset.done $0x0  }
0xd: {  	[sflag:s17] =	ssyncadd.s32 $0xFFFFFFFF  }
0xe: {  	s18 =	sld [smem:$0x10];
	(tm) =	ssettm $0x1  }
0xf: {  	s19 =	sld [smem:$0x3FFB];
	_ =	sdelay $0x3  }
0x10: {  	_ =	strace s19  }
0x11: {  	s2 =	sld [smem:$0x3FFC];
	_ =	sdelay $0x3  }
0x12: {  	_ =	strace s2  }
0x13: {  	s2 =	sld [smem:$0x3FFD];
	_ =	sdelay $0x3  }
0x14: {  	_ =	strace s2  }
0x15: {  	_ =	strace $0x8FFFFFFF  }
0x16: {  	s20 =	sld [smem:$0x3FDB];
	_ =	sdelay $0x1  }
0x17: {  	s21 =	simm.s32 $_scs_section_size  }
0x18: {  	s5 =	simm.s32 $_size__tile_overlayer_lowered;
	s6 =	simm.s32 $_tile_overlayer_lowered  }
0x19: {  	s7 =	simm.s32 $0x1BFF;
	s22 =	sshll.u32 s6, $0x1;
	s4 =	sadd.s32 s21, s20  }
0x1a: {  	s23 =	simm.s32 $0x0;
	s5 =	sshll.u32 s5, $0x1;
	s6 =	sadd.s32 s22, s4  }
0x1b: {  	[timem:s23], [sflag:s7] =	dma.local [hbm:s6], s5  }
0x1c: {  	_ =	swait.ge [sflag:s7], s5  }
0x1d: {  	s5 =	ssub.s32 $0x0, s5;
	[sflag:s7] =	ssyncset.done $0x0  }
0x1e: {  	[sflag:s7] =	ssyncadd.s32 s5;
	_ =	sdelay $0x1  }
0x1f: {  	s24 =	simm.s32 $0x1B8B  }
0x20: {  	_ =	swait.ge [sflag:s24], $0x1  }
0x21: {  	[sflag:s24] =	ssyncset.done $0x0  }
0x22: {  	[sflag:s24] =	ssyncadd.s32 $0xFFFFFFFF  }
0x23: {  	s5 =	sld [smem:$0x0]  }
0x24: {  	s6 =	sand.u32 $0xFFFFFFFE, s1  }
0x25: {  	p0 =	sne.s32 s1, s6  }
0x26: {  	s6 =	sshll.u32 @p0 s6, $0xE  }
0x27: {  	s6 =	sadd.s32 @p0 $0x11B8D, s6;
	s7 =	sshll.u32 @p0 s5, $0x11  }
0x28: {  	s6 =	sor.u32 @p0 s7, s6  }
0x29: {  	[sflag:s6] =	ssyncadd.remote.s32 @p0 $0x1;
	_ =	sdelay $0x1  }
0x2a: {  	s6 =	simm.s32 @p0 $0x1B8D  }
0x2b: {  	_ =	swait.eq @p0 [sflag:s6], $0x1  }
0x2c: {  	[sflag:s6] =	ssyncadd.s32 @p0 $0xFFFFFFFF  }
0x2d: {  	s7 =	sshll.u32 @!p0 s1, $0xE  }
0x2e: {  	s7 =	sor.u32 @!p0 $0x4000, s7;
	s6 =	simm.s32 @!p0 $0x1B8D  }
0x2f: {  	s5 =	sshll.u32 @!p0 s5, $0x11;
	s7 =	sadd.s32 @!p0 $0x11B8D, s7;
	_ =	swait.eq @!p0 [sflag:s6], $0x1  }
0x30: {  	s5 =	sor.u32 @!p0 s5, s7;
	[sflag:s6] =	ssyncadd.s32 @!p0 $0xFFFFFFFF  }
0x31: {  	s26 =	simm.s32 $0x1B8E;
	s25 =	sld [smem:$0x3FFE];
	[sflag:s5] =	ssyncadd.remote.s32 @!p0 $0x1  }
0x32: {  	s27 =	simm.s32 $execute0_lowered;
	[smem:$0x3FD2] =	sst s26  }
0x33: {  	s6 =	sshll.u32 s27, $0x1;
	_ =	strace $0x8000004C;
	[dreg:$0x1] =	wrdreg $0xFFFFFFFF  }
0x34: {  	s28 =	simm.s32 $_size_execute0_lowered;
	s4 =	sadd.s32 s4, s6;
	[dreg:$0x0] =	wrdreg $0x0  }
0x35: {  	s6 =	sshll.u32 s28, $0x1;
	[dreg:$0x2] =	wrdreg s4  }
0x36: {  	[dreg:$0x3] =	wrdreg s6  }
0x37: {  	[dreg:$0x4] =	wrdreg $0xC0  }
0x38: {  	_ =	task [dreg:s23], $0x5FFFF  }
0x39: {  	[dreg:$0x1] =	wrdreg $0xFFFFFFFF  }
0x3a: {  	[dreg:$0x0] =	wrdreg $0x60  }
0x3b: {  	[dreg:$0x2] =	wrdreg s25  }
0x3c: {  	[dreg:$0x3] =	wrdreg s18  }
0x3d: {  	[dreg:$0x4] =	wrdreg $0xB  }
0x3e: {  	_ =	task.clear_ibuf [dreg:s23], $0x5FFFF;
	_ =	strace $0x9000004C  }
0x3f: {  	s29 =	simm.s32 $0xB;
	_ =	strace $0x8000004E  }
0x40: {  	_ =	swait.ge [sflag:s29], $0x1  }
0x41: {  	[sflag:s29] =	ssyncadd.s32 $0xFFFFFFFF  }
0x42: {  	_ =	strace $0x9000004E  }
0x43: {  	_ =	sfence  }
0x44: {  	s30 =	sld [smem:$0x0];
	_ =	sdelay $0x2  }
0x45: {  	s31 =	sshll.u32 s1, $0xD;
	s1 =	sshrl.u32 s1, $0x2  }
0x46: {  	s4 =	sand.u32 $0x4000, s31;
	s1 =	sadd.s32 s1, s30  }
0x47: {  	s0 =	sor.u32 s4, s0;
	s1 =	sshll.u32 s1, $0x11  }
0x48: {  	s0 =	sor.u32 s1, s0  }
0x49: {  	s0 =	sadd.s32 $0x8F2B, s0  }
0x4a: {  	[sflag:s0] =	ssyncadd.remote.s32 $0x1  }
0x4b: {  	_ =	sfence.sel $0xFFFF  }
0x4c: {  	[dreg:$0x0] =	wrdreg $0xFFFFFFFF;
	(pc) =	sbr.abs _section_cstart, $3  }
0x4d: {  	[dreg:$0x1] =	wrdreg $0xFFFFFFFF  }
0x4e: {  	_ =	task.clear_ibuf [dreg:s23], $0x2FFFF;
	_ =	strace $0x9FFFFFFF  }
0x4f: {  	(tm) =	ssettm $0x7FFFFFFF  }
tec
execute0_lowered:
.L_overlay_start_1:
0x0: {  	(tag) =	ssettag $0x1  }
0x1: {  	s3 =	rddreg [dreg:$0x0]  }
0x2: {  	s2 =	rddreg [dreg:$0x1]  }
0x3: {  	s1 =	srdreg.scid;
	s0 =	rddreg [dreg:$0x2];
	_ =	strace $0x8000004D  }
0x4: {  	s7 =	simm.s32 $0x2;
	s19 =	simm.s32 $0x0;
	p0 =	por $0x0, $0x0  }
0x5: {  	s17 =	simm.s32 $0x0;
	s18 =	simm.s32 $0x0;
	s20 =	simm.s32 $0x0  }
0x6: {  	s8 =	simm.s32 $0x0;
	s9 =	simm.s32 $0x0;
	s11 =	simm.s32 $0x0  }
0x7: {  	s12 =	simm.s32 $0x0;
	s13 =	simm.s32 $0x0;
	s14 =	simm.s32 $0x0  }
.Ltmp0:
0x8: {  	s10 =	simm.s32 $0x0;
	s4 =	sshll.u32 s1, $0x4;
	(pc) =	sbr.rel .LBB1_1-.Ltmp0, $4  }
0x9: {  	s1 =	stileid.u32;
	s3 =	sadd.s32 $0x581000, s3;
	s4 =	sand.u32 $0x10, s4  }
0xa: {  	s5 =	sand.u32 $0x3, s1;
	s6 =	sor.u32 s1, s4;
	s4 =	simm.s32 $0x1  }
0xb: {  	s16 =	smov.u32 s5;
	[sflag:s4] =	ssyncpa.u1 $0x0;
	s6 =	sshrl.u32 s6, $0x2  }
0xc: {  	[sflag:s7] =	ssyncpa.u1 $0x0;
	s7 =	simm.s32 $0x2000;
	s15 =	smov.u32 s6  }
.LBB1_5:
0xd: {  	p1 =	slt.u32 s10, $0x2;
	s21 =	smov.u32 s20  }
0xe: {  	s24 =	smov.u32 s16;
	s10 =	sadd.s32 $0x1, s10;
	p2 =	sgt.s32 @!p1 s20, $0x3  }
0xf: {  	p0 =	por !p0, !p0;
	s22 =	sshra.s32 @!p1 s20, $0x1F;
	p2 =	por !p2, p1  }
0x10: {  	s23 =	sshra.s32 @!p1 s19, $0x1F;
	s20 =	sand.u32 @!p1 s22, s20;
	s21 =	simm.s32 @p2 $0x3  }
0x11: {  	s22 =	smov.u32 s19;
	p2 =	sgt.s32 @!p1 s19, $0x28A;
	s20 =	ssub.s32 @!p1 s21, s20  }
0x12: {  	s19 =	sand.u32 @!p1 s23, s19;
	p2 =	por !p2, p1;
	s21 =	sadd.s32 @!p1 $0xFFFFFFFD, s20  }
0x13: {  	s22 =	simm.s32 @p2 $0x28A;
	s20 =	ssub.s32 @!p1 $0x4, s20;
	p3 =	sgt.s32 @!p1 s21, $0x0  }
0x14: {  	s19 =	ssub.s32 @!p1 s22, s19;
	s22 =	sshra.s32 @!p1 s18, $0x1F;
	p2 =	por !p3, p1  }
0x15: {  	s21 =	sadd.s32 @!p1 $0xFFFFFD76, s19;
	p3 =	sgt.s32 @!p1 s18, $0x7;
	s19 =	ssub.s32 @!p1 $0x30A, s19  }
0x16: {  	s20 =	simm.s32 @!p2 $0x0;
	p2 =	sgt.s32 @!p1 s21, $0x7F;
	p3 =	por !p3, p1  }
0x17: {  	s21 =	smov.u32 s18;
	s18 =	sand.u32 @!p1 s22, s18;
	s22 =	sshra.s32 @!p1 s17, $0x1F  }
0x18: {  	s21 =	simm.s32 @p3 $0x7;
	p3 =	sgt.s32 @!p1 s17, $0x380;
	p2 =	por !p2, p1  }
0x19: {  	s18 =	ssub.s32 @!p1 s21, s18;
	p3 =	por !p3, p1;
	s21 =	smov.u32 s17  }
0x1a: {  	s17 =	sand.u32 @!p1 s22, s17;
	s22 =	sadd.s32 @!p1 $0xFFFFFFF9, s18;
	s21 =	simm.s32 @p3 $0x380  }
0x1b: {  	s18 =	ssub.s32 @!p1 $0x8, s18;
	p3 =	sgt.s32 @!p1 s22, $0x0;
	s17 =	ssub.s32 @!p1 s21, s17  }
0x1c: {  	s22 =	smov.u32 s14;
	p3 =	por !p3, p1;
	s21 =	sadd.s32 @!p1 $0xFFFFFC80, s17  }
0x1d: {  	s17 =	ssub.s32 @!p1 $0x400, s17;
	s18 =	simm.s32 @!p3 $0x0;
	p3 =	sgt.s32 @!p1 s21, $0x7F  }
0x1e: {  	s21 =	sadd.s32 $0x80, s13;
	p3 =	por !p3, p1;
	s18 =	smul.u32 @!p1 s20, s18  }
0x1f: {  	s20 =	sadd.s32 $0x80, s14;
	s17 =	simm.s32 @!p3 $0x0;
	p3 =	sgt.s32 s21, $0x309  }
0x20: {  	s23 =	smov.u32 s15;
	s19 =	simm.s32 @!p2 $0x0;
	s22 =	smov.u32 @p3 s20  }
0x21: {  	s17 =	smul.u32 @!p1 s17, s18;
	s18 =	sadd.s32 $0x8, s15;
	p2 =	sgt.s32 s22, $0x3FF  }
0x22: {  	s25 =	simm.s32 @!p1 $0x2;
	s21 =	simm.s32 @p3 $0x0;
	s23 =	smov.u32 @p2 s18  }
0x23: {  	s20 =	smov.u32 s12;
	s18 =	sadd.s32 $0x4, s16;
	p3 =	sgt.s32 s23, $0x7  }
0x24: {  	s12 =	smov.u32 s16;
	s17 =	smul.u32 @!p1 s19, s17;
	s24 =	smov.u32 @p3 s18  }
0x25: {  	s22 =	simm.s32 @p2 $0x0;
	s19 =	smov.u32 s8;
	p2 =	sgt.s32 s24, $0x3  }
0x26: {  	s8 =	smov.u32 s13;
	s24 =	smov.u32 @p2 s5;
	p2 =	sne.s32 s10, $0x3A  }
.Ltmp1:
0x27: {  	s13 =	smov.u32 s21;
	s17 =	sand.u32 @!p1 $0x3FFFFFFF, s17;
	(pc) =	sbr.rel @!p2 .LBB1_6-.Ltmp1, $4  }
0x28: {  	s23 =	smov.u32 @p3 s6;
	s18 =	smov.u32 s11;
	s11 =	smov.u32 s15  }
0x29: {  	_ =	swait.ge @!p1 [sflag:s25], s17;
	s26 =	ssub.s32 @!p1 $0x0, s17;
	s17 =	smov.u32 s9  }
0x2a: {  	s9 =	smov.u32 s14;
	s14 =	smov.u32 s22;
	[sflag:s25] =	ssyncset.done @!p1 $0x0  }
0x2b: {  	s15 =	smov.u32 s23;
	[sflag:s25] =	ssyncadd.s32 @!p1 s26;
	s16 =	smov.u32 s24  }
.LBB1_1:
0x2c: {  	p1 =	sgt.u32 s10, $0x37  }
0x2d: {  	s21 =	sshrl.u32 @!p1 s14, $0x3  }
0x2e: {  	s22 =	sshll.u32 @!p1 s13, $0x3;
	s21 =	smul.u32 @!p1 $0x1C00, s21  }
0x2f: {  	s23 =	sshll.u32 @!p1 s14, $0x7;
	s22 =	sand.u32 @!p1 $0xFFFFFC00, s22  }
0x30: {  	s21 =	sadd.s32 @!p1 s21, s22;
	s22 =	sand.u32 @!p1 $0x380, s23  }
0x31: {  	s21 =	sor.u32 @!p1 s22, s21  }
0x32: {  	s22 =	sshrl.u32 @!p1 s21, $0x7  }
0x33: {  	s22 =	smulhi.u32 @!p1 $0x24924925, s22  }
0x34: {  	s26 =	smul.u32 @!p1 $0xE0000, s16;
	s23 =	sxor.u32 @!p1 $0xFFFFFFFF, s10  }
0x35: {  	s25 =	sand.u32 @!p1 $0x7F, s13;
	s23 =	sshll.u32 @!p1 s23, $0xE;
	s24 =	smul.u32 @!p1 $0x380, s22  }
0x36: {  	s21 =	sor.u32 @!p1 s25, s21;
	s25 =	smul.u32 @!p1 $0x1C000, s15;
	s22 =	sand.u32 @!p1 $0x3FF, s22  }
0x37: {  	s22 =	smul.u32 @!p1 $0x70, s22;
	s21 =	ssub.s32 @!p1 s21, s24;
	s24 =	sadd.s32 @!p1 s3, s26  }
0x38: {  	s23 =	sand.u32 @!p1 $0x4000, s23;
	s24 =	sadd.s32 @!p1 s25, s24;
	s25 =	sand.u32 @!p1 $0x7, s21  }
0x39: {  	s21 =	sshrl.u32 @!p1 s21, $0x3;
	s22 =	sadd.s32 @!p1 s22, s24;
	s24 =	sshll.u32 @!p1 s25, $0x12  }
0x3a: {  	s21 =	sadd.s32 @!p1 s21, s22;
	s22 =	sor.u32 @!p1 $0x400, s24;
	s24 =	simm.s32 @!p1 $0x1C00  }
0x3b: {  	[tilespmem:s23], [sflag:$0x1] =	stream.strided.gather @!p1 [hbm4b:s21+s22], $0x4000, s24, s22, $0x38;
	[tilespmem:$0x10100] =	vst v63  }
0x3c: {  	p1 =	seq.s32 s10, $0x0  }
0x3d: {  	p2 =	seq.s32 @!p1 s10, $0x39  }
0x3e: {  	p1 =	por p1, p2  }
.Ltmp2:
0x3f: {  	_ = 	snop;
	(pc) =	sbr.rel @p1 .LBB1_5-.Ltmp2, $1  }
0x40: {  	_ =	sdelay $0x3  }
0x41: {  	s21 =	simm.s32 $0x1  }
0x42: {  	_ =	swait.ge [sflag:s4], $0x4000;
	s21 =	simm.s32 @!p0 $0x0  }
0x43: {  	[sflag:s4] =	ssyncset.done $0x0;
	s22 =	sshll.u32 s21, $0xE  }
0x44: {  	[sflag:s4] =	ssyncadd.s32 $0xFFFFC000;
	s22 =	sor.u32 $0x40, s22  }
0x45: {  	s21 =	smul.u32 $0x10200, s21;
	v0 =	vld [tilespmem:s22+$0x30]  }
0x46: {  	v1 =	vld [tilespmem:s22+$0xFFFFFFD0]  }
0x47: {  	s21 =	sshrl.u32 s21, $0x2;
	v5 =	vld [tilespmem:s22+$0xFFFFFFE0]  }
0x48: {  	v6 =	vld [tilespmem:s22+$0xFFFFFFF0];
	s24 =	sor.u32 $0x8000, s21  }
0x49: {  	s31 =	sand.u32 $0x1, s10;
	v4 =	vld [tilespmem:s22+$0x0];
	s23 =	sadd.s32 $0x0, s24  }
0x4a: {  	v3 =	vld [tilespmem:s22+$0x10];
	s21 =	smul.u32 $0x10200, s31;
	[tilespmem:s23+$0x3870 ss:$0x81] =	vst.msk $0xffff, v0  }
0x4b: {  	v2 =	vld [tilespmem:s22+$0x20];
	[tilespmem:s23+$0x810 ss:$0x81] =	vst.msk $0xffff, v1  }
0x4c: {  	s21 =	sshrl.u32 s21, $0x2;
	v0 =	vld [tilespmem:s22+$0xFFFFFFC0];
	[tilespmem:s23+$0x1020 ss:$0x81] =	vst.msk $0xffff, v5;
	s22 =	sadd.s32 $0x80, s22  }
0x4d: {  	s25 =	simm.s32 $0x4;
	s26 =	simm.s32 $0x8;
	s21 =	sor.u32 $0x8000, s21;
	[tilespmem:s23+$0x1830 ss:$0x81] =	vst.msk $0xffff, v6;
	v1 =	vld [tilespmem:s22+$0x30]  }
.LBB1_3:
0x4e: {  	p1 =	sne.s32 s26, $0x1FC;
	v5 =	vld [tilespmem:s22+$0xFFFFFFD0];
	[tilespmem:s23+$0x2040 ss:$0x81] =	vst.msk $0xffff, v4  }
0x4f: {  	v6 =	vld [tilespmem:s22+$0xFFFFFFE0];
	[tilespmem:s23+$0x2850 ss:$0x81] =	vst.msk $0xffff, v3  }
0x50: {  	s27 =	sshra.s32 s25, $0x2;
	s25 =	smov.u32 s26;
	v7 =	vld [tilespmem:s22+$0xFFFFFFF0];
	[tilespmem:s23+$0x3060 ss:$0x81] =	vst.msk $0xffff, v2  }
.Ltmp3:
0x51: {  	v4 =	vld [tilespmem:s22+$0x0];
	[tilespmem:s23+$0x0 ss:$0x81] =	vst.msk $0xffff, v0;
	s23 =	sadd.s32 s27, s24;
	(pc) =	sbr.rel @p1 .LBB1_3-.Ltmp3, $4  }
0x52: {  	v3 =	vld [tilespmem:s22+$0x10];
	[tilespmem:s23+$0x3870 ss:$0x81] =	vst.msk $0xffff, v1  }
0x53: {  	[tilespmem:s23+$0x810 ss:$0x81] =	vst.msk $0xffff, v5;
	v2 =	vld [tilespmem:s22+$0x20]  }
0x54: {  	v0 =	vld [tilespmem:s22+$0xFFFFFFC0];
	[tilespmem:s23+$0x1020 ss:$0x81] =	vst.msk $0xffff, v6;
	s22 =	sadd.s32 $0x80, s22  }
0x55: {  	s26 =	sadd.s32 $0x4, s26;
	v1 =	vld [tilespmem:s22+$0x30];
	[tilespmem:s23+$0x1830 ss:$0x81] =	vst.msk $0xffff, v7  }
0x56: {  	p1 =	sgt.s32 s12, $0x3;
	s26 =	smov.u32 s12  }
0x57: {  	s27 =	sshra.s32 s12, $0x1F;
	s25 =	sshra.s32 s25, $0x2;
	s28 =	sshra.s32 s11, $0x1F  }
0x58: {  	s30 =	sshra.s32 s9, $0x1F;
	s26 =	simm.s32 @!p1 $0x3;
	s27 =	sand.u32 s27, s12  }
0x59: {  	[tilespmem:s23+$0x2040 ss:$0x81] =	vst.msk $0xffff, v4;
	s24 =	sadd.s32 s25, s24;
	p1 =	sgt.s32 s11, $0x7;
	s29 =	sand.u32 s28, s11  }
0x5a: {  	s28 =	sand.u32 s30, s9;
	[tilespmem:s23+$0x2850 ss:$0x81] =	vst.msk $0xffff, v3;
	s31 =	ssub.s32 s26, s27;
	s27 =	smov.u32 s11  }
0x5b: {  	s30 =	sshra.s32 s8, $0x1F;
	[tilespmem:s23+$0x3060 ss:$0x81] =	vst.msk $0xffff, v2;
	s26 =	sadd.s32 $0xFFFFFFFD, s31;
	s27 =	simm.s32 @!p1 $0x7  }
0x5c: {  	p1 =	sgt.s32 s9, $0x380;
	s25 =	ssub.s32 $0x4, s31;
	[tilespmem:s23+$0x0 ss:$0x81] =	vst.msk $0xffff, v0;
	s23 =	sand.u32 $0x78, s9  }
0x5d: {  	p2 =	sgt.s32 s26, $0x0;
	s26 =	ssub.s32 s27, s29;
	s27 =	smov.u32 s9  }
0x5e: {  	s27 =	simm.s32 @!p1 $0x380;
	s25 =	simm.s32 @p2 $0x0;
	s31 =	sadd.s32 $0xFFFFFFF9, s26  }
0x5f: {  	v5 =	vld [tilespmem:s22+$0xFFFFFFD0];
	s26 =	ssub.s32 $0x8, s26;
	p2 =	sgt.s32 s8, $0x28A;
	s27 =	ssub.s32 s27, s28  }
0x60: {  	v58 =	vld [tilespmem:s22+$0xFFFFFFE0];
	p1 =	sgt.s32 s31, $0x0;
	s28 =	smov.u32 s8;
	s31 =	sshll.u32 s11, $0x7  }
0x61: {  	v59 =	vld [tilespmem:s22+$0xFFFFFFF0];
	s29 =	sadd.s32 $0xFFFFFC80, s27;
	s26 =	simm.s32 @p1 $0x0;
	s28 =	simm.s32 @!p2 $0x28A  }
0x62: {  	v60 =	vld [tilespmem:s22+$0x0];
	s27 =	ssub.s32 $0x400, s27;
	s25 =	smul.u32 s25, s26;
	s26 =	sand.u32 s30, s8  }
0x63: {  	v61 =	vld [tilespmem:s22+$0x10];
	[tilespmem:s24+$0x3870 ss:$0x81] =	vst.msk $0xffff, v1;
	p1 =	sgt.s32 s29, $0x7F;
	s30 =	smul.u32 $0xC2800, s12;
	s26 =	ssub.s32 s28, s26  }
0x64: {  	v62 =	vld [tilespmem:s22+$0x20];
	[tilespmem:s24+$0x810 ss:$0x81] =	vst.msk $0xffff, v5;
	s27 =	simm.s32 @p1 $0x0;
	s28 =	sand.u32 $0x380, s31;
	s31 =	sand.u32 $0x380, s9  }
0x65: {  	v63 =	vld [tilespmem:s22+$0xFFFFFFC0];
	[tilespmem:s24+$0x1020 ss:$0x81] =	vst.msk $0xffff, v58;
	s25 =	smul.u32 s27, s25;
	s29 =	sadd.s32 $0xFFFFFD76, s26;
	s22 =	ssub.s32 $0x30A, s26  }
0x66: {  	[tilespmem:s24+$0x1830 ss:$0x81] =	vst.msk $0xffff, v59;
	s23 =	sor.u32 s23, s28;
	s26 =	sadd.s32 s2, s30;
	p1 =	sgt.s32 s29, $0x7F  }
.Ltmp4:
0x67: {  	[tilespmem:s24+$0x2040 ss:$0x81] =	vst.msk $0xffff, v60;
	s28 =	sshll.u32 s8, $0xA;
	s22 =	simm.s32 @p1 $0x0;
	(pc) =	sbr.rel .LBB1_5-.Ltmp4, $4  }
0x68: {  	[tilespmem:s24+$0x2850 ss:$0x81] =	vst.msk $0xffff, v61;
	s29 =	sand.u32 $0x7, s9;
	s22 =	smul.u32 s22, s25;
	s25 =	sadd.s32 s31, s26  }
0x69: {  	[tilespmem:s24+$0x3060 ss:$0x81] =	vst.msk $0xffff, v62;
	s23 =	sshrl.u32 s23, $0x3;
	s30 =	sshll.u32 s29, $0x12;
	s25 =	sadd.s32 s28, s25  }
0x6a: {  	[tilespmem:s24+$0x0 ss:$0x81] =	vst.msk $0xffff, v63;
	s31 =	sor.u32 $0x80, s30;
	s22 =	sand.u32 $0x3FFFFFFF, s22;
	s23 =	sadd.s32 s23, s25  }
0x6b: {  	[hbm4b:s23+s31] =	stream.strided.scatter [tilespmem:s21], [sflag:$0x2], s22, s7, s31, $0x20;
	[tilespmem:$0x10100] =	vst v63  }
.LBB1_6:
0x6c: {  	_ =	sfence.sel $0x180000  }
0x6d: {  	s2 =	simm.s32 $0x1;
	[bflag:$0x0] =	sbarrier.arrive $0xFFFF  }
0x6e: {  	s31 =	simm.s32 $0x2;
	[sflag:s2] =	ssyncpa.u1 $0x1  }
0x6f: {  	[sflag:s31] =	ssyncpa.u1 $0x1  }
0x70: {  	p0 =	sne.s32 s1, $0x0;
	_ =	strace $0x9000004D  }
0x71: {  	s0 =	sadd.s32 @!p0 $0x100000, s0;
	[bflag:$0x2] =	sbarrier.arrive $0xFFFF  }
0x72: {  	[sflag:s0] =	ssyncadd.tile.s32 @!p0 $0x1;
	_ =	shalt  }
.Lfunc_end1:
_tile_overlayer_lowered:
.L_overlay_start_2:
0x73: {  	(tag) =	ssettag $0x2  }
0x74: {  	s0 =	rddreg [dreg:$0x0];
	s2 =	stileid.u32  }
0x75: {  	s1 =	rddreg [dreg:$0x1];
	p0 =	sne.s32 s2, $0x0  }
0x76: {  	s3 =	rddreg [dreg:$0x2];
	[bflag:$0x3] =	sbarrier.arrive $0xFFFF;
	s2 =	simm.s32 @!p0 $0x1C01  }
0x77: {  	[timem:s3], [sflag:s2] =	dma.local @!p0 [hbm:s0], s1  }
0x78: {  	s0 =	simm.s32 @!p0 $0x1  }
0x79: {  	_ =	swait.ge @!p0 [sflag:s0], s1  }
0x7a: {  	s1 =	ssub.s32 @!p0 $0x0, s1;
	[sflag:s0] =	ssyncset.done @!p0 $0x0  }
0x7b: {  	[sflag:s0] =	ssyncadd.s32 @!p0 s1  }
0x7c: {  	[bflag:$0x3] =	sbarrier.arrive $0xFFFF  }
0x7d: {  	_ =	shalt  }

// kernel: sparse-core-data-format-call.cloned.1.call-start
scs
called_computation_lowered:
.L_overlay_start_0:
0x0: {  	s2 =	sld [smem:$0x3FD9]  }
0x1: {  	s3 =	sld [smem:$0x3FFE];
	_ =	sdelay $0x1  }
0x2: {  	s1 =	srdreg.scid  }
0x3: {  	s0 =	sand.u32 $0x1, s1  }
0x4: {  	s15 =	sshll.u32 s0, $0xA;
	s2 =	sadd.s32 s3, s2  }
0x5: {  	s2 =	sadd.s32 s2, s15  }
0x6: {  	[smem:$0x3FC6] =	sst s2  }
0x7: {  	_ = 	snop  }
0x8: {  	s2 =	sld [smem:$0x3FD0];
	_ =	sdelay $0x2  }
0x9: {  	s16 =	simm.s32 $0xC;
	s4 =	simm.s32 $0x10  }
0xa: {  	[smem:s4], [sflag:s16] =	dma.local [hbm:s2], $0x1  }
0xb: {  	_ =	swait.eq [sflag:s16], $0x1  }
0xc: {  	[sflag:s16] =	ssyncset.done $0x0  }
0xd: {  	[sflag:s16] =	ssyncadd.s32 $0xFFFFFFFF  }
0xe: {  	s17 =	sld [smem:$0x13];
	(tm) =	ssettm $0x1  }
0xf: {  	s18 =	sld [smem:$0x3FFB];
	_ =	sdelay $0x3  }
0x10: {  	_ =	strace s18  }
0x11: {  	s3 =	sld [smem:$0x3FFC];
	_ =	sdelay $0x3  }
0x12: {  	_ =	strace s3  }
0x13: {  	s3 =	sld [smem:$0x3FFD];
	_ =	sdelay $0x3  }
0x14: {  	_ =	strace s3  }
0x15: {  	_ =	strace $0x8FFFFFFF  }
0x16: {  	s19 =	sld [smem:$0x3FDB];
	_ =	sdelay $0x1  }
0x17: {  	s20 =	simm.s32 $_scs_section_size  }
0x18: {  	s5 =	simm.s32 $_size__tile_overlayer_lowered;
	s6 =	simm.s32 $_tile_overlayer_lowered  }
0x19: {  	s23 =	simm.s32 $0x1BFF;
	s22 =	sshll.u32 s6, $0x1;
	s3 =	sadd.s32 s20, s19  }
0x1a: {  	s7 =	simm.s32 $0x0;
	s21 =	sshll.u32 s5, $0x1;
	s5 =	sadd.s32 s22, s3  }
0x1b: {  	[timem:s7], [sflag:s23] =	dma.local [hbm:s5], s21  }
0x1c: {  	_ =	swait.ge [sflag:s23], s21  }
0x1d: {  	s4 =	ssub.s32 $0x0, s21;
	[sflag:s23] =	ssyncset.done $0x0  }
0x1e: {  	[sflag:s23] =	ssyncadd.s32 s4;
	_ =	sdelay $0x1  }
0x1f: {  	s24 =	simm.s32 $0x1B8B  }
0x20: {  	_ =	swait.ge [sflag:s24], $0x1  }
0x21: {  	[sflag:s24] =	ssyncset.done $0x0  }
0x22: {  	s26 =	simm.s32 $0x1B8E;
	s25 =	sld [smem:$0x3FFE];
	[sflag:s24] =	ssyncadd.s32 $0xFFFFFFFF  }
0x23: {  	s27 =	simm.s32 $execute0_lowered;
	[smem:$0x3FD2] =	sst s26  }
0x24: {  	s5 =	sshll.u32 s27, $0x1;
	_ =	strace $0x80000046;
	[dreg:$0x1] =	wrdreg $0xFFFFFFFF  }
0x25: {  	s28 =	simm.s32 $_size_execute0_lowered;
	s3 =	sadd.s32 s3, s5;
	[dreg:$0x0] =	wrdreg $0x0  }
0x26: {  	s5 =	sshll.u32 s28, $0x1;
	[dreg:$0x2] =	wrdreg s3  }
0x27: {  	[dreg:$0x3] =	wrdreg s5  }
0x28: {  	[dreg:$0x4] =	wrdreg $0xC0  }
0x29: {  	_ =	task [dreg:s7], $0x5FFFF  }
0x2a: {  	[dreg:$0x1] =	wrdreg $0xFFFFFFFF  }
0x2b: {  	[dreg:$0x0] =	wrdreg $0x60  }
0x2c: {  	[dreg:$0x2] =	wrdreg s25  }
0x2d: {  	[dreg:$0x3] =	wrdreg s17  }
0x2e: {  	[dreg:$0x4] =	wrdreg $0x9  }
0x2f: {  	_ =	task.clear_ibuf [dreg:s7], $0x5FFFF;
	_ =	strace $0x90000046  }
0x30: {  	s29 =	simm.s32 $0x9;
	_ =	strace $0x80000048  }
0x31: {  	_ =	swait.ge [sflag:s29], $0x1  }
0x32: {  	[sflag:s29] =	ssyncadd.s32 $0xFFFFFFFF  }
0x33: {  	_ =	strace $0x90000048  }
0x34: {  	_ =	sfence  }
0x35: {  	s30 =	sld [smem:$0x0];
	_ =	sdelay $0x2  }
0x36: {  	s31 =	sshll.u32 s1, $0xD;
	s1 =	sshrl.u32 s1, $0x2  }
0x37: {  	s3 =	sand.u32 $0x4000, s31;
	s1 =	sadd.s32 s1, s30  }
0x38: {  	s0 =	sor.u32 s3, s0;
	s1 =	sshll.u32 s1, $0x11  }
0x39: {  	s0 =	sor.u32 s1, s0  }
0x3a: {  	s0 =	sadd.s32 $0x8F2B, s0  }
0x3b: {  	[sflag:s0] =	ssyncadd.remote.s32 $0x1  }
0x3c: {  	_ =	sfence.sel $0xFFFF  }
0x3d: {  	[dreg:$0x0] =	wrdreg $0xFFFFFFFF;
	(pc) =	sbr.abs _section_cstart, $3  }
0x3e: {  	[dreg:$0x1] =	wrdreg $0xFFFFFFFF  }
0x3f: {  	_ =	task.clear_ibuf [dreg:s7], $0x2FFFF;
	_ =	strace $0x9FFFFFFF  }
0x40: {  	(tm) =	ssettm $0x7FFFFFFF  }
0x41: {  	_ =	shalt  }
tec
execute0_lowered:
.L_overlay_start_1:
0x0: {  	(tag) =	ssettag $0x1  }
0x1: {  	s3 =	rddreg [dreg:$0x0]  }
0x2: {  	s2 =	rddreg [dreg:$0x1]  }
0x3: {  	s1 =	srdreg.scid;
	s0 =	rddreg [dreg:$0x2];
	_ =	strace $0x80000047  }
0x4: {  	s7 =	simm.s32 $0x2;
	s19 =	simm.s32 $0x0;
	p0 =	por $0x0, $0x0  }
0x5: {  	s17 =	simm.s32 $0x0;
	s18 =	simm.s32 $0x0;
	s20 =	simm.s32 $0x0  }
0x6: {  	s8 =	simm.s32 $0x0;
	s9 =	simm.s32 $0x0;
	s11 =	simm.s32 $0x0  }
0x7: {  	s12 =	simm.s32 $0x0;
	s13 =	simm.s32 $0x0;
	s14 =	simm.s32 $0x0  }
.Ltmp0:
0x8: {  	s10 =	simm.s32 $0x0;
	s4 =	sshll.u32 s1, $0x4;
	(pc) =	sbr.rel .LBB1_1-.Ltmp0, $4  }
0x9: {  	s1 =	stileid.u32;
	s3 =	sadd.s32 $0x1000, s3;
	s4 =	sand.u32 $0x10, s4  }
0xa: {  	s5 =	sand.u32 $0x3, s1;
	s6 =	sor.u32 s1, s4;
	s4 =	simm.s32 $0x1  }
0xb: {  	s16 =	smov.u32 s5;
	[sflag:s4] =	ssyncpa.u1 $0x0;
	s6 =	sshrl.u32 s6, $0x2  }
0xc: {  	[sflag:s7] =	ssyncpa.u1 $0x0;
	s7 =	simm.s32 $0x2000;
	s15 =	smov.u32 s6  }
.LBB1_5:
0xd: {  	p1 =	slt.u32 s10, $0x2;
	s21 =	smov.u32 s20  }
0xe: {  	s24 =	smov.u32 s16;
	s10 =	sadd.s32 $0x1, s10;
	p2 =	sgt.s32 @!p1 s20, $0x3  }
0xf: {  	p0 =	por !p0, !p0;
	s22 =	sshra.s32 @!p1 s20, $0x1F;
	p2 =	por !p2, p1  }
0x10: {  	s23 =	sshra.s32 @!p1 s19, $0x1F;
	s20 =	sand.u32 @!p1 s22, s20;
	s21 =	simm.s32 @p2 $0x3  }
0x11: {  	s22 =	smov.u32 s19;
	p2 =	sgt.s32 @!p1 s19, $0x17F;
	s20 =	ssub.s32 @!p1 s21, s20  }
0x12: {  	s19 =	sand.u32 @!p1 s23, s19;
	p2 =	por !p2, p1;
	s21 =	sadd.s32 @!p1 $0xFFFFFFFD, s20  }
0x13: {  	s22 =	simm.s32 @p2 $0x17F;
	s20 =	ssub.s32 @!p1 $0x4, s20;
	p3 =	sgt.s32 @!p1 s21, $0x0  }
0x14: {  	s19 =	ssub.s32 @!p1 s22, s19;
	s22 =	sshra.s32 @!p1 s18, $0x1F;
	p2 =	por !p3, p1  }
0x15: {  	s21 =	sadd.s32 @!p1 $0xFFFFFE81, s19;
	p3 =	sgt.s32 @!p1 s18, $0x7;
	s19 =	ssub.s32 @!p1 $0x1FF, s19  }
0x16: {  	s20 =	simm.s32 @!p2 $0x0;
	p2 =	sgt.s32 @!p1 s21, $0x7F;
	p3 =	por !p3, p1  }
0x17: {  	s21 =	smov.u32 s18;
	s18 =	sand.u32 @!p1 s22, s18;
	s22 =	sshra.s32 @!p1 s17, $0x1F  }
0x18: {  	s21 =	simm.s32 @p3 $0x7;
	p3 =	sgt.s32 @!p1 s17, $0x380;
	p2 =	por !p2, p1  }
0x19: {  	s18 =	ssub.s32 @!p1 s21, s18;
	p3 =	por !p3, p1;
	s21 =	smov.u32 s17  }
0x1a: {  	s17 =	sand.u32 @!p1 s22, s17;
	s22 =	sadd.s32 @!p1 $0xFFFFFFF9, s18;
	s21 =	simm.s32 @p3 $0x380  }
0x1b: {  	s18 =	ssub.s32 @!p1 $0x8, s18;
	p3 =	sgt.s32 @!p1 s22, $0x0;
	s17 =	ssub.s32 @!p1 s21, s17  }
0x1c: {  	s22 =	smov.u32 s14;
	p3 =	por !p3, p1;
	s21 =	sadd.s32 @!p1 $0xFFFFFC80, s17  }
0x1d: {  	s17 =	ssub.s32 @!p1 $0x400, s17;
	s18 =	simm.s32 @!p3 $0x0;
	p3 =	sgt.s32 @!p1 s21, $0x7F  }
0x1e: {  	s21 =	sadd.s32 $0x80, s13;
	p3 =	por !p3, p1;
	s18 =	smul.u32 @!p1 s20, s18  }
0x1f: {  	s20 =	sadd.s32 $0x80, s14;
	s17 =	simm.s32 @!p3 $0x0;
	p3 =	sgt.s32 s21, $0x1FE  }
0x20: {  	s23 =	smov.u32 s15;
	s19 =	simm.s32 @!p2 $0x0;
	s22 =	smov.u32 @p3 s20  }
0x21: {  	s17 =	smul.u32 @!p1 s17, s18;
	s18 =	sadd.s32 $0x8, s15;
	p2 =	sgt.s32 s22, $0x3FF  }
0x22: {  	s25 =	simm.s32 @!p1 $0x2;
	s21 =	simm.s32 @p3 $0x0;
	s23 =	smov.u32 @p2 s18  }
0x23: {  	s20 =	smov.u32 s12;
	s18 =	sadd.s32 $0x4, s16;
	p3 =	sgt.s32 s23, $0x7  }
0x24: {  	s12 =	smov.u32 s16;
	s17 =	smul.u32 @!p1 s19, s17;
	s24 =	smov.u32 @p3 s18  }
0x25: {  	s22 =	simm.s32 @p2 $0x0;
	s19 =	smov.u32 s8;
	p2 =	sgt.s32 s24, $0x3  }
0x26: {  	s8 =	smov.u32 s13;
	s24 =	smov.u32 @p2 s5;
	p2 =	sne.s32 s10, $0x22  }
.Ltmp1:
0x27: {  	s13 =	smov.u32 s21;
	s17 =	sand.u32 @!p1 $0x3FFFFFFF, s17;
	(pc) =	sbr.rel @!p2 .LBB1_6-.Ltmp1, $4  }
0x28: {  	s23 =	smov.u32 @p3 s6;
	s18 =	smov.u32 s11;
	s11 =	smov.u32 s15  }
0x29: {  	_ =	swait.ge @!p1 [sflag:s25], s17;
	s26 =	ssub.s32 @!p1 $0x0, s17;
	s17 =	smov.u32 s9  }
0x2a: {  	s9 =	smov.u32 s14;
	s14 =	smov.u32 s22;
	[sflag:s25] =	ssyncset.done @!p1 $0x0  }
0x2b: {  	s15 =	smov.u32 s23;
	[sflag:s25] =	ssyncadd.s32 @!p1 s26;
	s16 =	smov.u32 s24  }
.LBB1_1:
0x2c: {  	p1 =	sgt.u32 s10, $0x1F  }
0x2d: {  	s21 =	sxor.u32 @!p1 $0xFFFFFFFF, s10;
	s22 =	sand.u32 @!p1 $0x78, s13;
	s23 =	sshll.u32 @!p1 s14, $0x9  }
0x2e: {  	s24 =	sshll.u32 @!p1 s13, $0x3;
	s25 =	sshll.u32 @!p1 s14, $0x7;
	s21 =	sshll.u32 @!p1 s21, $0xE  }
0x2f: {  	s23 =	sand.u32 @!p1 $0x7F000, s23;
	s24 =	sand.u32 @!p1 $0x7FC00, s24;
	s21 =	sand.u32 @!p1 $0x4000, s21  }
0x30: {  	s23 =	sadd.s32 @!p1 s23, s24;
	s24 =	sand.u32 @!p1 $0x200, s25;
	s25 =	sand.u32 @!p1 $0x180, s25  }
0x31: {  	s23 =	sor.u32 @!p1 s24, s23;
	s22 =	sor.u32 @!p1 s22, s25;
	s24 =	sshll.u32 @!p1 s16, $0x13  }
0x32: {  	s25 =	sshll.u32 @!p1 s15, $0x10;
	s23 =	sshrl.u32 @!p1 s23, $0x3;
	s24 =	sadd.s32 @!p1 s3, s24  }
0x33: {  	s22 =	sshrl.u32 @!p1 s22, $0x3;
	s24 =	sadd.s32 @!p1 s25, s24;
	s25 =	sand.u32 @!p1 $0x7, s13  }
0x34: {  	s23 =	sand.u32 @!p1 $0xFFC0, s23;
	s22 =	sadd.s32 @!p1 s22, s24;
	s24 =	sshll.u32 @!p1 s25, $0x12  }
0x35: {  	s22 =	sadd.s32 @!p1 s23, s22;
	s23 =	sor.u32 @!p1 $0x400, s24;
	s24 =	simm.s32 @!p1 $0x1000  }
0x36: {  	[tilespmem:s21], [sflag:$0x1] =	stream.strided.gather @!p1 [hbm4b:s22+s23], $0x4000, s24, s23, $0x38;
	[tilespmem:$0x10100] =	vst v63  }
0x37: {  	p1 =	seq.s32 s10, $0x0  }
0x38: {  	p2 =	seq.s32 @!p1 s10, $0x21  }
0x39: {  	p1 =	por p1, p2  }
.Ltmp2:
0x3a: {  	_ = 	snop;
	(pc) =	sbr.rel @p1 .LBB1_5-.Ltmp2, $1  }
0x3b: {  	_ =	sdelay $0x3  }
0x3c: {  	s21 =	simm.s32 $0x1  }
0x3d: {  	_ =	swait.ge [sflag:s4], $0x4000;
	s21 =	simm.s32 @!p0 $0x0  }
0x3e: {  	[sflag:s4] =	ssyncset.done $0x0;
	s22 =	sshll.u32 s21, $0xE  }
0x3f: {  	[sflag:s4] =	ssyncadd.s32 $0xFFFFC000;
	s22 =	sor.u32 $0x40, s22  }
0x40: {  	s21 =	smul.u32 $0x10200, s21;
	v0 =	vld [tilespmem:s22+$0x30]  }
0x41: {  	v1 =	vld [tilespmem:s22+$0xFFFFFFD0]  }
0x42: {  	s21 =	sshrl.u32 s21, $0x2;
	v5 =	vld [tilespmem:s22+$0xFFFFFFE0]  }
0x43: {  	v6 =	vld [tilespmem:s22+$0xFFFFFFF0];
	s24 =	sor.u32 $0x8000, s21  }
0x44: {  	s31 =	sand.u32 $0x1, s10;
	v4 =	vld [tilespmem:s22+$0x0];
	s23 =	sadd.s32 $0x0, s24  }
0x45: {  	v3 =	vld [tilespmem:s22+$0x10];
	s21 =	smul.u32 $0x10200, s31;
	[tilespmem:s23+$0x3870 ss:$0x81] =	vst.msk $0xffff, v0  }
0x46: {  	v2 =	vld [tilespmem:s22+$0x20];
	[tilespmem:s23+$0x810 ss:$0x81] =	vst.msk $0xffff, v1  }
0x47: {  	s21 =	sshrl.u32 s21, $0x2;
	v0 =	vld [tilespmem:s22+$0xFFFFFFC0];
	[tilespmem:s23+$0x1020 ss:$0x81] =	vst.msk $0xffff, v5;
	s22 =	sadd.s32 $0x80, s22  }
0x48: {  	s25 =	simm.s32 $0x4;
	s26 =	simm.s32 $0x8;
	s21 =	sor.u32 $0x8000, s21;
	[tilespmem:s23+$0x1830 ss:$0x81] =	vst.msk $0xffff, v6;
	v1 =	vld [tilespmem:s22+$0x30]  }
.LBB1_3:
0x49: {  	p1 =	sne.s32 s26, $0x1FC;
	v5 =	vld [tilespmem:s22+$0xFFFFFFD0];
	[tilespmem:s23+$0x2040 ss:$0x81] =	vst.msk $0xffff, v4  }
0x4a: {  	v6 =	vld [tilespmem:s22+$0xFFFFFFE0];
	[tilespmem:s23+$0x2850 ss:$0x81] =	vst.msk $0xffff, v3  }
0x4b: {  	s27 =	sshra.s32 s25, $0x2;
	s25 =	smov.u32 s26;
	v7 =	vld [tilespmem:s22+$0xFFFFFFF0];
	[tilespmem:s23+$0x3060 ss:$0x81] =	vst.msk $0xffff, v2  }
.Ltmp3:
0x4c: {  	v4 =	vld [tilespmem:s22+$0x0];
	[tilespmem:s23+$0x0 ss:$0x81] =	vst.msk $0xffff, v0;
	s23 =	sadd.s32 s27, s24;
	(pc) =	sbr.rel @p1 .LBB1_3-.Ltmp3, $4  }
0x4d: {  	v3 =	vld [tilespmem:s22+$0x10];
	[tilespmem:s23+$0x3870 ss:$0x81] =	vst.msk $0xffff, v1  }
0x4e: {  	[tilespmem:s23+$0x810 ss:$0x81] =	vst.msk $0xffff, v5;
	v2 =	vld [tilespmem:s22+$0x20]  }
0x4f: {  	v0 =	vld [tilespmem:s22+$0xFFFFFFC0];
	[tilespmem:s23+$0x1020 ss:$0x81] =	vst.msk $0xffff, v6;
	s22 =	sadd.s32 $0x80, s22  }
0x50: {  	s26 =	sadd.s32 $0x4, s26;
	v1 =	vld [tilespmem:s22+$0x30];
	[tilespmem:s23+$0x1830 ss:$0x81] =	vst.msk $0xffff, v7  }
0x51: {  	p1 =	sgt.s32 s12, $0x3;
	s26 =	smov.u32 s12  }
0x52: {  	s27 =	sshra.s32 s12, $0x1F;
	s25 =	sshra.s32 s25, $0x2;
	s28 =	sshra.s32 s11, $0x1F  }
0x53: {  	s30 =	sshra.s32 s9, $0x1F;
	s26 =	simm.s32 @!p1 $0x3;
	s27 =	sand.u32 s27, s12  }
0x54: {  	[tilespmem:s23+$0x2040 ss:$0x81] =	vst.msk $0xffff, v4;
	s24 =	sadd.s32 s25, s24;
	p1 =	sgt.s32 s11, $0x7;
	s29 =	sand.u32 s28, s11  }
0x55: {  	s28 =	sand.u32 s30, s9;
	[tilespmem:s23+$0x2850 ss:$0x81] =	vst.msk $0xffff, v3;
	s31 =	ssub.s32 s26, s27;
	s27 =	smov.u32 s11  }
0x56: {  	s30 =	sshra.s32 s8, $0x1F;
	[tilespmem:s23+$0x3060 ss:$0x81] =	vst.msk $0xffff, v2;
	s26 =	sadd.s32 $0xFFFFFFFD, s31;
	s27 =	simm.s32 @!p1 $0x7  }
0x57: {  	p1 =	sgt.s32 s9, $0x380;
	s25 =	ssub.s32 $0x4, s31;
	[tilespmem:s23+$0x0 ss:$0x81] =	vst.msk $0xffff, v0;
	s23 =	sand.u32 $0x78, s9  }
0x58: {  	p2 =	sgt.s32 s26, $0x0;
	s26 =	ssub.s32 s27, s29;
	s27 =	smov.u32 s9  }
0x59: {  	s27 =	simm.s32 @!p1 $0x380;
	s25 =	simm.s32 @p2 $0x0;
	s31 =	sadd.s32 $0xFFFFFFF9, s26  }
0x5a: {  	v5 =	vld [tilespmem:s22+$0xFFFFFFD0];
	s26 =	ssub.s32 $0x8, s26;
	p2 =	sgt.s32 s8, $0x17F;
	s27 =	ssub.s32 s27, s28  }
0x5b: {  	v58 =	vld [tilespmem:s22+$0xFFFFFFE0];
	p1 =	sgt.s32 s31, $0x0;
	s28 =	smov.u32 s8;
	s31 =	sshll.u32 s11, $0x7  }
0x5c: {  	v59 =	vld [tilespmem:s22+$0xFFFFFFF0];
	s29 =	sadd.s32 $0xFFFFFC80, s27;
	s26 =	simm.s32 @p1 $0x0;
	s28 =	simm.s32 @!p2 $0x17F  }
0x5d: {  	v60 =	vld [tilespmem:s22+$0x0];
	s27 =	ssub.s32 $0x400, s27;
	s25 =	smul.u32 s25, s26;
	s26 =	sand.u32 s30, s8  }
0x5e: {  	v61 =	vld [tilespmem:s22+$0x10];
	[tilespmem:s24+$0x3870 ss:$0x81] =	vst.msk $0xffff, v1;
	p1 =	sgt.s32 s29, $0x7F;
	s30 =	smul.u32 $0x7FC00, s12;
	s26 =	ssub.s32 s28, s26  }
0x5f: {  	v62 =	vld [tilespmem:s22+$0x20];
	[tilespmem:s24+$0x810 ss:$0x81] =	vst.msk $0xffff, v5;
	s27 =	simm.s32 @p1 $0x0;
	s28 =	sand.u32 $0x380, s31;
	s31 =	sand.u32 $0x380, s9  }
0x60: {  	v63 =	vld [tilespmem:s22+$0xFFFFFFC0];
	[tilespmem:s24+$0x1020 ss:$0x81] =	vst.msk $0xffff, v58;
	s25 =	smul.u32 s27, s25;
	s29 =	sadd.s32 $0xFFFFFE81, s26;
	s22 =	ssub.s32 $0x1FF, s26  }
0x61: {  	[tilespmem:s24+$0x1830 ss:$0x81] =	vst.msk $0xffff, v59;
	s23 =	sor.u32 s23, s28;
	s26 =	sadd.s32 s2, s30;
	p1 =	sgt.s32 s29, $0x7F  }
.Ltmp4:
0x62: {  	[tilespmem:s24+$0x2040 ss:$0x81] =	vst.msk $0xffff, v60;
	s28 =	sshll.u32 s8, $0xA;
	s22 =	simm.s32 @p1 $0x0;
	(pc) =	sbr.rel .LBB1_5-.Ltmp4, $4  }
0x63: {  	[tilespmem:s24+$0x2850 ss:$0x81] =	vst.msk $0xffff, v61;
	s29 =	sand.u32 $0x7, s9;
	s22 =	smul.u32 s22, s25;
	s25 =	sadd.s32 s31, s26  }
0x64: {  	[tilespmem:s24+$0x3060 ss:$0x81] =	vst.msk $0xffff, v62;
	s23 =	sshrl.u32 s23, $0x3;
	s30 =	sshll.u32 s29, $0x12;
	s25 =	sadd.s32 s28, s25  }
0x65: {  	[tilespmem:s24+$0x0 ss:$0x81] =	vst.msk $0xffff, v63;
	s31 =	sor.u32 $0x80, s30;
	s22 =	sand.u32 $0x3FFFFFFF, s22;
	s23 =	sadd.s32 s23, s25  }
0x66: {  	[hbm4b:s23+s31] =	stream.strided.scatter [tilespmem:s21], [sflag:$0x2], s22, s7, s31, $0x20;
	[tilespmem:$0x10100] =	vst v63  }
.LBB1_6:
0x67: {  	_ =	sfence.sel $0x180000  }
0x68: {  	s2 =	simm.s32 $0x1;
	[bflag:$0x0] =	sbarrier.arrive $0xFFFF  }
0x69: {  	s31 =	simm.s32 $0x2;
	[sflag:s2] =	ssyncpa.u1 $0x1  }
0x6a: {  	[sflag:s31] =	ssyncpa.u1 $0x1  }
0x6b: {  	p0 =	sne.s32 s1, $0x0;
	_ =	strace $0x90000047  }
0x6c: {  	s0 =	sadd.s32 @!p0 $0x100000, s0;
	[bflag:$0x2] =	sbarrier.arrive $0xFFFF  }
0x6d: {  	[sflag:s0] =	ssyncadd.tile.s32 @!p0 $0x1;
	_ =	shalt  }
.Lfunc_end1:
_tile_overlayer_lowered:
.L_overlay_start_2:
0x6e: {  	(tag) =	ssettag $0x2  }
0x6f: {  	s0 =	rddreg [dreg:$0x0];
	s2 =	stileid.u32  }
0x70: {  	s1 =	rddreg [dreg:$0x1];
	p0 =	sne.s32 s2, $0x0  }
0x71: {  	s3 =	rddreg [dreg:$0x2];
	[bflag:$0x3] =	sbarrier.arrive $0xFFFF;
	s2 =	simm.s32 @!p0 $0x1C01  }
0x72: {  	[timem:s3], [sflag:s2] =	dma.local @!p0 [hbm:s0], s1  }
0x73: {  	s0 =	simm.s32 @!p0 $0x1  }
0x74: {  	_ =	swait.ge @!p0 [sflag:s0], s1  }
0x75: {  	s1 =	ssub.s32 @!p0 $0x0, s1;
	[sflag:s0] =	ssyncset.done @!p0 $0x0  }
0x76: {  	[sflag:s0] =	ssyncadd.s32 @!p0 s1  }
0x77: {  	[bflag:$0x3] =	sbarrier.arrive $0xFFFF  }
0x78: {  	_ =	shalt  }

</sc_bundles>
